<compile_context>
chip_gen: v7x
topology: tpu7x:2x2x1
jax: 0.10.2.dev20260603
libtpu: 0.0.44.dev20260713+nightly
codegen_flags: <defaults>
</compile_context>

<pallas_src>
import functools

import jax
import jax.numpy as jnp
from jax import lax
from jax.experimental import pallas as pl
from jax.experimental.pallas import tpu as pltpu
from jax.experimental.pallas import tpu_sc as plsc

N = 10000
NPAD = 10240
E = 320000
D_IN = 128
D_HID = 16
PK = 128 // D_HID
NP_P = N // PK
NPAD_P = NPAD // PK

NC = 2
NS = 16
NW = NC * NS
EPW = E // NW
CHUNKS = 10
CHUNK = EPW // CHUNKS
NBUF = 4
NODES_PER_S = NPAD // NS

_mesh = plsc.VectorSubcoreMesh(core_axis_name="c", subcore_axis_name="s")


@functools.partial(
    pl.kernel,
    out_type=jax.ShapeDtypeStruct((NC, NPAD), jnp.float32),
    mesh=_mesh,
    scratch_types=[
        [pltpu.VMEM((CHUNK,), jnp.int32) for _ in range(CHUNKS)],
        pltpu.VMEM((CHUNK,), jnp.float32),
        pltpu.VMEM_SHARED((NPAD,), jnp.float32),
        pltpu.SemaphoreType.DMA,
        pltpu.SemaphoreType.DMA,
    ],
    compiler_params=pltpu.CompilerParams(use_tc_tiling_on_sc=False),
)
def _deg_kernel(ei_hbm, ones_hbm, zeros_hbm, out_hbm, dst_vs, ones_v, acc_s,
                isem, ssem):
    c = lax.axis_index("c")
    s = lax.axis_index("s")
    wid = s * NC + c
    sl = pl.ds(s * NODES_PER_S, NODES_PER_S)
    e0 = wid * EPW
    cps = [pltpu.async_copy(ei_hbm.at[1, pl.ds(e0 + k * CHUNK, CHUNK)],
                            dst_vs[k], isem) for k in range(CHUNKS)]
    one_cp = pltpu.async_copy(ones_hbm, ones_v, isem)
    pltpu.sync_copy(zeros_hbm.at[sl], acc_s.at[sl])
    for cp in cps:
        cp.wait()
    one_cp.wait()
    plsc.subcore_barrier()
    scps = [pltpu.async_copy(ones_v, acc_s.at[dst_vs[k]], ssem, add=True)
            for k in range(CHUNKS)]
    for cp in scps:
        cp.wait()
    plsc.subcore_barrier()
    pltpu.sync_copy(acc_s.at[sl], out_hbm.at[c, sl])


@functools.partial(
    pl.kernel,
    out_type=jax.ShapeDtypeStruct((NC, NPAD, D_HID), jnp.float32),
    mesh=_mesh,
    scratch_types=[
        pltpu.VMEM((EPW,), jnp.int32),
        [pltpu.VMEM((CHUNK,), jnp.int32) for _ in range(CHUNKS)],
        [pltpu.VMEM((CHUNK, D_HID), jnp.float32) for _ in range(NBUF)],
        pltpu.VMEM_SHARED((NPAD, D_HID), jnp.float32),
        pltpu.SemaphoreType.DMA,
        [pltpu.SemaphoreType.DMA for _ in range(NBUF)],
        [pltpu.SemaphoreType.DMA for _ in range(NBUF)],
    ],
    compiler_params=pltpu.CompilerParams(use_tc_tiling_on_sc=False),
)
def _agg_kernel(ei_hbm, hs_hbm, zeros_hbm, out_hbm,
                src_all, dst_vs, rows_vs, acc_s, isem, gsems, ssems):
    c = lax.axis_index("c")
    s = lax.axis_index("s")
    wid = s * NC + c
    sl = pl.ds(s * NODES_PER_S, NODES_PER_S)
    e0 = wid * EPW

    def gather(k):
        return pltpu.async_copy(
            hs_hbm.at[src_all.at[pl.ds(k * CHUNK, CHUNK)]],
            rows_vs[k % NBUF], gsems[k % NBUF])

    src_cp = pltpu.async_copy(ei_hbm.at[0, pl.ds(e0, EPW)], src_all, isem)
    dst_cps = [pltpu.async_copy(ei_hbm.at[1, pl.ds(e0 + k * CHUNK, CHUNK)],
                                dst_vs[k], isem) for k in range(CHUNKS)]
    pltpu.sync_copy(zeros_hbm.at[sl], acc_s.at[sl])
    src_cp.wait()
    for cp in dst_cps:
        cp.wait()
    plsc.subcore_barrier()
    gcps = [None] * NBUF
    scps = [None] * NBUF
    for k in range(min(NBUF, CHUNKS)):
        gcps[k] = gather(k)
    for k in range(CHUNKS):
        b = k % NBUF
        gcps[b].wait()
        scps[b] = pltpu.async_copy(rows_vs[b], acc_s.at[dst_vs[k]], ssems[b],
                                   add=True)
        if k + NBUF < CHUNKS:
            scps[b].wait()
            gcps[b] = gather(k + NBUF)
    for k in range(max(0, CHUNKS - NBUF), CHUNKS):
        scps[k % NBUF].wait()
    plsc.subcore_barrier()
    pltpu.sync_copy(acc_s.at[sl], out_hbm.at[c, sl])


def _tcmm_body(xp_ref, w1b_ref, h_ref):
    h_ref[:NP_P, :] = jnp.dot(xp_ref[...], w1b_ref[...],
                              preferred_element_type=jnp.float32)
    h_ref[NP_P:, :] = jnp.zeros((NPAD_P - NP_P, 128), jnp.float32)


def _tcscale_body(degp_ref, exp_ref, h_ref, hs_ref, dis_ref):
    g = lax.rsqrt(1.0 + degp_ref[0] + degp_ref[1])
    dis = jnp.dot(g, exp_ref[...], preferred_element_type=jnp.float32)
    hs_ref[...] = dis * h_ref[...]
    dis_ref[...] = dis


def _tc2_body(aggp_ref, hs1_ref, dis_ref, b1_ref, w2b_ref, hs2_ref):
    dis = dis_ref[...]
    t = dis * (aggp_ref[0] + aggp_ref[1] + hs1_ref[...])
    t = jnp.maximum(t + b1_ref[...], 0.0)
    u = jnp.dot(t, w2b_ref[...], preferred_element_type=jnp.float32)
    hs2_ref[:NP_P, :] = dis[:NP_P, :] * u[:NP_P, :]
    hs2_ref[NP_P:, :] = jnp.zeros((NPAD_P - NP_P, 128), jnp.float32)


def _tc3_body(aggp_ref, hs2_ref, dis_ref, b2_ref, out_ref):
    v = dis_ref[:NP_P, :] * (aggp_ref[0, :NP_P, :] + aggp_ref[1, :NP_P, :]
                             + hs2_ref[:NP_P, :]) + b2_ref[...]
    out_ref[...] = jax.nn.sigmoid(v)


_tcmm = pl.pallas_call(
    _tcmm_body,
    out_shape=jax.ShapeDtypeStruct((NPAD_P, 128), jnp.float32),
)

_tcscale = pl.pallas_call(
    _tcscale_body,
    out_shape=[jax.ShapeDtypeStruct((NPAD_P, 128), jnp.float32),
               jax.ShapeDtypeStruct((NPAD_P, 128), jnp.float32)],
)

_tc2 = pl.pallas_call(
    _tc2_body,
    out_shape=jax.ShapeDtypeStruct((NPAD_P, 128), jnp.float32),
)

_tc3 = pl.pallas_call(
    _tc3_body,
    out_shape=jax.ShapeDtypeStruct((NP_P, 128), jnp.float32),
)


def kernel(x, edge_index_curr, W1, b1, W2, b2):
    zeros1d = jnp.zeros((NPAD,), jnp.float32)
    ones1d = jnp.ones((CHUNK,), jnp.float32)
    zeros2d = jnp.zeros((NPAD, D_HID), jnp.float32)

    w1b = jax.scipy.linalg.block_diag(*([W1] * PK))
    w2b = jax.scipy.linalg.block_diag(*([W2] * PK))
    expand = jnp.kron(jnp.eye(PK, dtype=jnp.float32),
                      jnp.ones((1, D_HID), jnp.float32))
    b1t = jnp.tile(b1, PK).reshape(1, 128)
    b2t = jnp.tile(b2, PK).reshape(1, 128)
    xp = x.reshape(NP_P, PK * D_IN)

    degp = _deg_kernel(edge_index_curr, ones1d, zeros1d)
    h1 = _tcmm(xp, w1b)
    hs1, dis = _tcscale(degp.reshape(NC, NPAD_P, PK), expand, h1)
    aggp1 = _agg_kernel(edge_index_curr, hs1.reshape(NPAD, D_HID), zeros2d)
    hs2 = _tc2(aggp1.reshape(NC, NPAD_P, 128), hs1, dis, b1t, w2b)
    aggp2 = _agg_kernel(edge_index_curr, hs2.reshape(NPAD, D_HID), zeros2d)
    out_p = _tc3(aggp2.reshape(NC, NPAD_P, 128), hs2, dis, b2t)
    return out_p.reshape(N, D_HID)

# --- scband reference (transcript-rebuilt; emitter-appended) ---
"""Pipeline reference for scband-edge-gcn-16509854286678 (READ-ONLY COPY).

The authoritative reference and input builder live on the scoring server;
editing this copy changes nothing except your own understanding.
"""

import jax, jax.numpy as jnp
import numpy as np

N_NODES = 10000
N_EDGES = 320000
D_IN = 128
D_HID = 16


def gcn_conv(x, edge_index, W, b, n_nodes):
    # torch_geometric GCNConv with add_self_loops=True, normalize=True, bias=True
    src = edge_index[0]
    dst = edge_index[1]
    loop = jnp.arange(n_nodes, dtype=edge_index.dtype)
    src = jnp.concatenate([src, loop])
    dst = jnp.concatenate([dst, loop])
    ew = jnp.ones(src.shape[0], dtype=x.dtype)
    # gcn_norm: deg computed by scatter-add of edge weights at col (dst)
    deg = jnp.zeros((n_nodes,), dtype=x.dtype).at[dst].add(ew)
    deg_inv_sqrt = jnp.where(deg > 0, jax.lax.rsqrt(jnp.maximum(deg, 1e-12)), 0.0)
    norm = deg_inv_sqrt[src] * deg_inv_sqrt[dst]
    h = x @ W  # linear transform (no bias inside lin)
    msg = norm[:, None] * jnp.take(h, src, axis=0)  # gather + scale
    out = jnp.zeros((n_nodes, W.shape[1]), dtype=x.dtype).at[dst].add(msg)  # scatter-add aggregate
    return out + b


def setup_inputs(seed: int = 0) -> dict:
    key = jax.random.key(seed)
    k1, k2, k3, k4, k5, k6 = jax.random.split(key, 6)
    x = jax.random.normal(k1, (N_NODES, D_IN), dtype=jnp.float32)
    edge_index = jax.random.randint(k2, (2, N_EDGES), 0, N_NODES, dtype=jnp.int32)
    # glorot-initialized GCN weights, zero bias (PyG default)
    W1 = jax.random.uniform(k3, (D_IN, D_HID), dtype=jnp.float32, minval=-1.0, maxval=1.0) * np.sqrt(6.0 / (D_IN + D_HID))
    b1 = jnp.zeros((D_HID,), dtype=jnp.float32)
    W2 = jax.random.uniform(k4, (D_HID, D_HID), dtype=jnp.float32, minval=-1.0, maxval=1.0) * np.sqrt(6.0 / (D_HID + D_HID))
    b2 = jnp.zeros((D_HID,), dtype=jnp.float32)
    return {"x": x, "edge_index_curr": edge_index, "W1": W1, "b1": b1, "W2": W2, "b2": b2}


def reference(x, edge_index_curr, W1, b1, W2, b2):
    h = gcn_conv(x, edge_index_curr, W1, b1, N_NODES)
    h = jax.nn.relu(h)
    # F.dropout with training=False (eval mode) is identity
    h = gcn_conv(h, edge_index_curr, W2, b2, N_NODES)
    return jax.nn.sigmoid(h)

if __name__ == "__main__":
    import jax
    _d = setup_inputs()
    print(jax.jit(kernel)(*tuple(_d.values())))

</pallas_src>

<mosaic_0001>
#map = affine_map<(d0, d1) -> (0, 0)>
#map1 = affine_map<(d0, d1) -> (0, 0, 0)>
module attributes {stable_mosaic.version = 14 : i64} {
  func.func @_agg_kernel(%arg0: i32, %arg1: i32, %arg2: memref<2x320000xi32, #tpu.memory_space<hbm>>, %arg3: memref<10240x16xf32, #tpu.memory_space<hbm>>, %arg4: memref<10240x16xf32, #tpu.memory_space<hbm>>, %arg5: memref<2x10240x16xf32, #tpu.memory_space<hbm>>, %arg6: memref<10000xi32, #tpu.memory_space<vmem>>, %arg7: memref<1000xi32, #tpu.memory_space<vmem>>, %arg8: memref<1000xi32, #tpu.memory_space<vmem>>, %arg9: memref<1000xi32, #tpu.memory_space<vmem>>, %arg10: memref<1000xi32, #tpu.memory_space<vmem>>, %arg11: memref<1000xi32, #tpu.memory_space<vmem>>, %arg12: memref<1000xi32, #tpu.memory_space<vmem>>, %arg13: memref<1000xi32, #tpu.memory_space<vmem>>, %arg14: memref<1000xi32, #tpu.memory_space<vmem>>, %arg15: memref<1000xi32, #tpu.memory_space<vmem>>, %arg16: memref<1000xi32, #tpu.memory_space<vmem>>, %arg17: memref<1000x16xf32, #tpu.memory_space<vmem>>, %arg18: memref<1000x16xf32, #tpu.memory_space<vmem>>, %arg19: memref<1000x16xf32, #tpu.memory_space<vmem>>, %arg20: memref<1000x16xf32, #tpu.memory_space<vmem>>, %arg21: memref<10240x16xf32, #tpu.memory_space<vmem_shared>>, %arg22: memref<!tpu.dma_semaphore, #tpu.memory_space<semaphore_mem>>, %arg23: memref<!tpu.dma_semaphore, #tpu.memory_space<semaphore_mem>>, %arg24: memref<!tpu.dma_semaphore, #tpu.memory_space<semaphore_mem>>, %arg25: memref<!tpu.dma_semaphore, #tpu.memory_space<semaphore_mem>>, %arg26: memref<!tpu.dma_semaphore, #tpu.memory_space<semaphore_mem>>, %arg27: memref<!tpu.dma_semaphore, #tpu.memory_space<semaphore_mem>>, %arg28: memref<!tpu.dma_semaphore, #tpu.memory_space<semaphore_mem>>, %arg29: memref<!tpu.dma_semaphore, #tpu.memory_space<semaphore_mem>>, %arg30: memref<!tpu.dma_semaphore, #tpu.memory_space<semaphore_mem>>) attributes {dimension_semantics = [#tpu.dimension_semantics<core_parallel>, #tpu.dimension_semantics<subcore_parallel>], iteration_bounds = array<i64: 2, 16>, scalar_prefetch = 0 : i64, scratch_operands = 25 : i64, tpu.core_type = #tpu.core_type<sc_vector_subcore>, window_params = [{transform_indices = #map}, {transform_indices = #map}, {transform_indices = #map}, {transform_indices = #map1}]} {
    %mul3A = arith.constant 2 : i32
    %mul3A_0 = arith.muli %arg1, %mul3A : i32
    %add3A = arith.addi %mul3A_0, %arg0 : i32
    %mul3A_1 = arith.constant 640 : i32
    %mul3A_2 = arith.muli %arg1, %mul3A_1 : i32
    %mul3A_3 = arith.constant 10000 : i32
    %mul3A_4 = arith.muli %add3A, %mul3A_3 : i32
    %dma_start3A = arith.constant 0 : i32
    %dma_start3A_5 = tpu.memref_slice %arg2[%dma_start3A, %mul3A_4] : memref<2x320000xi32, #tpu.memory_space<hbm>> -> memref<1x10000xi32, #tpu.memory_space<hbm>>
    %dma_start3A_6 = tpu.memref_squeeze %dma_start3A_5 : memref<1x10000xi32, #tpu.memory_space<hbm>> -> memref<10000xi32, #tpu.memory_space<hbm>>
    %dma_start3A_7 = tpu.memref_slice %arg2[%dma_start3A, %mul3A_4] : memref<2x320000xi32, #tpu.memory_space<hbm>> -> memref<1x10000xi32, #tpu.memory_space<hbm>>
    %dma_start3A_8 = tpu.memref_squeeze %dma_start3A_7 : memref<1x10000xi32, #tpu.memory_space<hbm>> -> memref<10000xi32, #tpu.memory_space<hbm>>
    tpu.enqueue_dma source(%dma_start3A_8 : memref<10000xi32, #tpu.memory_space<hbm>>) target(%arg6 : memref<10000xi32, #tpu.memory_space<vmem>>) target_semaphore(%arg22 : memref<!tpu.dma_semaphore, #tpu.memory_space<semaphore_mem>>)
    %add3A_9 = arith.constant 0 : i32
    %add3A_10 = arith.addi %mul3A_4, %add3A_9 : i32
    %dma_start3A_11 = arith.constant 1 : i32
    %dma_start3A_12 = tpu.memref_slice %arg2[%dma_start3A_11, %add3A_10] : memref<2x320000xi32, #tpu.memory_space<hbm>> -> memref<1x1000xi32, #tpu.memory_space<hbm>>
    %dma_start3A_13 = tpu.memref_squeeze %dma_start3A_12 : memref<1x1000xi32, #tpu.memory_space<hbm>> -> memref<1000xi32, #tpu.memory_space<hbm>>
    %dma_start3A_14 = tpu.memref_slice %arg2[%dma_start3A_11, %add3A_10] : memref<2x320000xi32, #tpu.memory_space<hbm>> -> memref<1x1000xi32, #tpu.memory_space<hbm>>
    %dma_start3A_15 = tpu.memref_squeeze %dma_start3A_14 : memref<1x1000xi32, #tpu.memory_space<hbm>> -> memref<1000xi32, #tpu.memory_space<hbm>>
    tpu.enqueue_dma source(%dma_start3A_15 : memref<1000xi32, #tpu.memory_space<hbm>>) target(%arg7 : memref<1000xi32, #tpu.memory_space<vmem>>) target_semaphore(%arg22 : memref<!tpu.dma_semaphore, #tpu.memory_space<semaphore_mem>>)
    %add3A_16 = arith.constant 1000 : i32
    %add3A_17 = arith.addi %mul3A_4, %add3A_16 : i32
    %dma_start3A_18 = arith.constant 1 : i32
    %dma_start3A_19 = tpu.memref_slice %arg2[%dma_start3A_18, %add3A_17] : memref<2x320000xi32, #tpu.memory_space<hbm>> -> memref<1x1000xi32, #tpu.memory_space<hbm>>
    %dma_start3A_20 = tpu.memref_squeeze %dma_start3A_19 : memref<1x1000xi32, #tpu.memory_space<hbm>> -> memref<1000xi32, #tpu.memory_space<hbm>>
    %dma_start3A_21 = tpu.memref_slice %arg2[%dma_start3A_18, %add3A_17] : memref<2x320000xi32, #tpu.memory_space<hbm>> -> memref<1x1000xi32, #tpu.memory_space<hbm>>
    %dma_start3A_22 = tpu.memref_squeeze %dma_start3A_21 : memref<1x1000xi32, #tpu.memory_space<hbm>> -> memref<1000xi32, #tpu.memory_space<hbm>>
    tpu.enqueue_dma source(%dma_start3A_22 : memref<1000xi32, #tpu.memory_space<hbm>>) target(%arg8 : memref<1000xi32, #tpu.memory_space<vmem>>) target_semaphore(%arg22 : memref<!tpu.dma_semaphore, #tpu.memory_space<semaphore_mem>>)
    %add3A_23 = arith.constant 2000 : i32
    %add3A_24 = arith.addi %mul3A_4, %add3A_23 : i32
    %dma_start3A_25 = arith.constant 1 : i32
    %dma_start3A_26 = tpu.memref_slice %arg2[%dma_start3A_25, %add3A_24] : memref<2x320000xi32, #tpu.memory_space<hbm>> -> memref<1x1000xi32, #tpu.memory_space<hbm>>
    %dma_start3A_27 = tpu.memref_squeeze %dma_start3A_26 : memref<1x1000xi32, #tpu.memory_space<hbm>> -> memref<1000xi32, #tpu.memory_space<hbm>>
    %dma_start3A_28 = tpu.memref_slice %arg2[%dma_start3A_25, %add3A_24] : memref<2x320000xi32, #tpu.memory_space<hbm>> -> memref<1x1000xi32, #tpu.memory_space<hbm>>
    %dma_start3A_29 = tpu.memref_squeeze %dma_start3A_28 : memref<1x1000xi32, #tpu.memory_space<hbm>> -> memref<1000xi32, #tpu.memory_space<hbm>>
    tpu.enqueue_dma source(%dma_start3A_29 : memref<1000xi32, #tpu.memory_space<hbm>>) target(%arg9 : memref<1000xi32, #tpu.memory_space<vmem>>) target_semaphore(%arg22 : memref<!tpu.dma_semaphore, #tpu.memory_space<semaphore_mem>>)
    %add3A_30 = arith.constant 3000 : i32
    %add3A_31 = arith.addi %mul3A_4, %add3A_30 : i32
    %dma_start3A_32 = arith.constant 1 : i32
    %dma_start3A_33 = tpu.memref_slice %arg2[%dma_start3A_32, %add3A_31] : memref<2x320000xi32, #tpu.memory_space<hbm>> -> memref<1x1000xi32, #tpu.memory_space<hbm>>
    %dma_start3A_34 = tpu.memref_squeeze %dma_start3A_33 : memref<1x1000xi32, #tpu.memory_space<hbm>> -> memref<1000xi32, #tpu.memory_space<hbm>>
    %dma_start3A_35 = tpu.memref_slice %arg2[%dma_start3A_32, %add3A_31] : memref<2x320000xi32, #tpu.memory_space<hbm>> -> memref<1x1000xi32, #tpu.memory_space<hbm>>
    %dma_start3A_36 = tpu.memref_squeeze %dma_start3A_35 : memref<1x1000xi32, #tpu.memory_space<hbm>> -> memref<1000xi32, #tpu.memory_space<hbm>>
    tpu.enqueue_dma source(%dma_start3A_36 : memref<1000xi32, #tpu.memory_space<hbm>>) target(%arg10 : memref<1000xi32, #tpu.memory_space<vmem>>) target_semaphore(%arg22 : memref<!tpu.dma_semaphore, #tpu.memory_space<semaphore_mem>>)
    %add3A_37 = arith.constant 4000 : i32
    %add3A_38 = arith.addi %mul3A_4, %add3A_37 : i32
    %dma_start3A_39 = arith.constant 1 : i32
    %dma_start3A_40 = tpu.memref_slice %arg2[%dma_start3A_39, %add3A_38] : memref<2x320000xi32, #tpu.memory_space<hbm>> -> memref<1x1000xi32, #tpu.memory_space<hbm>>
    %dma_start3A_41 = tpu.memref_squeeze %dma_start3A_40 : memref<1x1000xi32, #tpu.memory_space<hbm>> -> memref<1000xi32, #tpu.memory_space<hbm>>
    %dma_start3A_42 = tpu.memref_slice %arg2[%dma_start3A_39, %add3A_38] : memref<2x320000xi32, #tpu.memory_space<hbm>> -> memref<1x1000xi32, #tpu.memory_space<hbm>>
    %dma_start3A_43 = tpu.memref_squeeze %dma_start3A_42 : memref<1x1000xi32, #tpu.memory_space<hbm>> -> memref<1000xi32, #tpu.memory_space<hbm>>
    tpu.enqueue_dma source(%dma_start3A_43 : memref<1000xi32, #tpu.memory_space<hbm>>) target(%arg11 : memref<1000xi32, #tpu.memory_space<vmem>>) target_semaphore(%arg22 : memref<!tpu.dma_semaphore, #tpu.memory_space<semaphore_mem>>)
    %add3A_44 = arith.constant 5000 : i32
    %add3A_45 = arith.addi %mul3A_4, %add3A_44 : i32
    %dma_start3A_46 = arith.constant 1 : i32
    %dma_start3A_47 = tpu.memref_slice %arg2[%dma_start3A_46, %add3A_45] : memref<2x320000xi32, #tpu.memory_space<hbm>> -> memref<1x1000xi32, #tpu.memory_space<hbm>>
    %dma_start3A_48 = tpu.memref_squeeze %dma_start3A_47 : memref<1x1000xi32, #tpu.memory_space<hbm>> -> memref<1000xi32, #tpu.memory_space<hbm>>
    %dma_start3A_49 = tpu.memref_slice %arg2[%dma_start3A_46, %add3A_45] : memref<2x320000xi32, #tpu.memory_space<hbm>> -> memref<1x1000xi32, #tpu.memory_space<hbm>>
    %dma_start3A_50 = tpu.memref_squeeze %dma_start3A_49 : memref<1x1000xi32, #tpu.memory_space<hbm>> -> memref<1000xi32, #tpu.memory_space<hbm>>
    tpu.enqueue_dma source(%dma_start3A_50 : memref<1000xi32, #tpu.memory_space<hbm>>) target(%arg12 : memref<1000xi32, #tpu.memory_space<vmem>>) target_semaphore(%arg22 : memref<!tpu.dma_semaphore, #tpu.memory_space<semaphore_mem>>)
    %add3A_51 = arith.constant 6000 : i32
    %add3A_52 = arith.addi %mul3A_4, %add3A_51 : i32
    %dma_start3A_53 = arith.constant 1 : i32
    %dma_start3A_54 = tpu.memref_slice %arg2[%dma_start3A_53, %add3A_52] : memref<2x320000xi32, #tpu.memory_space<hbm>> -> memref<1x1000xi32, #tpu.memory_space<hbm>>
    %dma_start3A_55 = tpu.memref_squeeze %dma_start3A_54 : memref<1x1000xi32, #tpu.memory_space<hbm>> -> memref<1000xi32, #tpu.memory_space<hbm>>
    %dma_start3A_56 = tpu.memref_slice %arg2[%dma_start3A_53, %add3A_52] : memref<2x320000xi32, #tpu.memory_space<hbm>> -> memref<1x1000xi32, #tpu.memory_space<hbm>>
    %dma_start3A_57 = tpu.memref_squeeze %dma_start3A_56 : memref<1x1000xi32, #tpu.memory_space<hbm>> -> memref<1000xi32, #tpu.memory_space<hbm>>
    tpu.enqueue_dma source(%dma_start3A_57 : memref<1000xi32, #tpu.memory_space<hbm>>) target(%arg13 : memref<1000xi32, #tpu.memory_space<vmem>>) target_semaphore(%arg22 : memref<!tpu.dma_semaphore, #tpu.memory_space<semaphore_mem>>)
    %add3A_58 = arith.constant 7000 : i32
    %add3A_59 = arith.addi %mul3A_4, %add3A_58 : i32
    %dma_start3A_60 = arith.constant 1 : i32
    %dma_start3A_61 = tpu.memref_slice %arg2[%dma_start3A_60, %add3A_59] : memref<2x320000xi32, #tpu.memory_space<hbm>> -> memref<1x1000xi32, #tpu.memory_space<hbm>>
    %dma_start3A_62 = tpu.memref_squeeze %dma_start3A_61 : memref<1x1000xi32, #tpu.memory_space<hbm>> -> memref<1000xi32, #tpu.memory_space<hbm>>
    %dma_start3A_63 = tpu.memref_slice %arg2[%dma_start3A_60, %add3A_59] : memref<2x320000xi32, #tpu.memory_space<hbm>> -> memref<1x1000xi32, #tpu.memory_space<hbm>>
    %dma_start3A_64 = tpu.memref_squeeze %dma_start3A_63 : memref<1x1000xi32, #tpu.memory_space<hbm>> -> memref<1000xi32, #tpu.memory_space<hbm>>
    tpu.enqueue_dma source(%dma_start3A_64 : memref<1000xi32, #tpu.memory_space<hbm>>) target(%arg14 : memref<1000xi32, #tpu.memory_space<vmem>>) target_semaphore(%arg22 : memref<!tpu.dma_semaphore, #tpu.memory_space<semaphore_mem>>)
    %add3A_65 = arith.constant 8000 : i32
    %add3A_66 = arith.addi %mul3A_4, %add3A_65 : i32
    %dma_start3A_67 = arith.constant 1 : i32
    %dma_start3A_68 = tpu.memref_slice %arg2[%dma_start3A_67, %add3A_66] : memref<2x320000xi32, #tpu.memory_space<hbm>> -> memref<1x1000xi32, #tpu.memory_space<hbm>>
    %dma_start3A_69 = tpu.memref_squeeze %dma_start3A_68 : memref<1x1000xi32, #tpu.memory_space<hbm>> -> memref<1000xi32, #tpu.memory_space<hbm>>
    %dma_start3A_70 = tpu.memref_slice %arg2[%dma_start3A_67, %add3A_66] : memref<2x320000xi32, #tpu.memory_space<hbm>> -> memref<1x1000xi32, #tpu.memory_space<hbm>>
    %dma_start3A_71 = tpu.memref_squeeze %dma_start3A_70 : memref<1x1000xi32, #tpu.memory_space<hbm>> -> memref<1000xi32, #tpu.memory_space<hbm>>
    tpu.enqueue_dma source(%dma_start3A_71 : memref<1000xi32, #tpu.memory_space<hbm>>) target(%arg15 : memref<1000xi32, #tpu.memory_space<vmem>>) target_semaphore(%arg22 : memref<!tpu.dma_semaphore, #tpu.memory_space<semaphore_mem>>)
    %add3A_72 = arith.constant 9000 : i32
    %add3A_73 = arith.addi %mul3A_4, %add3A_72 : i32
    %dma_start3A_74 = arith.constant 1 : i32
    %dma_start3A_75 = tpu.memref_slice %arg2[%dma_start3A_74, %add3A_73] : memref<2x320000xi32, #tpu.memory_space<hbm>> -> memref<1x1000xi32, #tpu.memory_space<hbm>>
    %dma_start3A_76 = tpu.memref_squeeze %dma_start3A_75 : memref<1x1000xi32, #tpu.memory_space<hbm>> -> memref<1000xi32, #tpu.memory_space<hbm>>
    %dma_start3A_77 = tpu.memref_slice %arg2[%dma_start3A_74, %add3A_73] : memref<2x320000xi32, #tpu.memory_space<hbm>> -> memref<1x1000xi32, #tpu.memory_space<hbm>>
    %dma_start3A_78 = tpu.memref_squeeze %dma_start3A_77 : memref<1x1000xi32, #tpu.memory_space<hbm>> -> memref<1000xi32, #tpu.memory_space<hbm>>
    tpu.enqueue_dma source(%dma_start3A_78 : memref<1000xi32, #tpu.memory_space<hbm>>) target(%arg16 : memref<1000xi32, #tpu.memory_space<vmem>>) target_semaphore(%arg22 : memref<!tpu.dma_semaphore, #tpu.memory_space<semaphore_mem>>)
    "tpu.region"() ({
      %run_scoped3A = tpu.sem_alloc : memref<!tpu.dma_semaphore, #tpu.memory_space<semaphore_mem>>
      %dma_start3A_294 = arith.constant 0 : i32
      %dma_start3A_295 = tpu.memref_slice %arg21[%mul3A_2, %dma_start3A_294] : memref<10240x16xf32, #tpu.memory_space<vmem_shared>> -> memref<640x16xf32, #tpu.memory_space<vmem_shared>>
      %dma_start3A_296 = arith.constant 0 : i32
      %dma_start3A_297 = tpu.memref_slice %arg4[%mul3A_2, %dma_start3A_296] : memref<10240x16xf32, #tpu.memory_space<hbm>> -> memref<640x16xf32, #tpu.memory_space<hbm>>
      tpu.enqueue_dma source(%dma_start3A_297 : memref<640x16xf32, #tpu.memory_space<hbm>>) target(%dma_start3A_295 : memref<640x16xf32, #tpu.memory_space<vmem_shared>>) target_semaphore(%run_scoped3A : memref<!tpu.dma_semaphore, #tpu.memory_space<semaphore_mem>>)
      %dma_wait3A_298 = arith.constant 0 : i32
      %dma_wait3A_299 = tpu.memref_slice %arg21[%mul3A_2, %dma_wait3A_298] : memref<10240x16xf32, #tpu.memory_space<vmem_shared>> -> memref<640x16xf32, #tpu.memory_space<vmem_shared>>
      %dma_wait3A_300 = arith.constant 0 : i32
      %dma_wait3A_301 = tpu.memref_slice %arg4[%mul3A_2, %dma_wait3A_300] : memref<10240x16xf32, #tpu.memory_space<hbm>> -> memref<640x16xf32, #tpu.memory_space<hbm>>
      tpu.wait_dma2 semaphore(%run_scoped3A : memref<!tpu.dma_semaphore, #tpu.memory_space<semaphore_mem>>) src(%dma_wait3A_301 : memref<640x16xf32, #tpu.memory_space<hbm>>) dst(%dma_wait3A_299 : memref<640x16xf32, #tpu.memory_space<vmem_shared>>)
      tpu.yield
    }) : () -> ()
    %dma_wait3A = arith.constant 0 : i32
    %dma_wait3A_79 = tpu.memref_slice %arg2[%dma_wait3A, %mul3A_4] : memref<2x320000xi32, #tpu.memory_space<hbm>> -> memref<1x10000xi32, #tpu.memory_space<hbm>>
    %dma_wait3A_80 = tpu.memref_squeeze %dma_wait3A_79 : memref<1x10000xi32, #tpu.memory_space<hbm>> -> memref<10000xi32, #tpu.memory_space<hbm>>
    %dma_wait3A_81 = tpu.memref_slice %arg2[%dma_wait3A, %mul3A_4] : memref<2x320000xi32, #tpu.memory_space<hbm>> -> memref<1x10000xi32, #tpu.memory_space<hbm>>
    %dma_wait3A_82 = tpu.memref_squeeze %dma_wait3A_81 : memref<1x10000xi32, #tpu.memory_space<hbm>> -> memref<10000xi32, #tpu.memory_space<hbm>>
    tpu.wait_dma2 semaphore(%arg22 : memref<!tpu.dma_semaphore, #tpu.memory_space<semaphore_mem>>) src(%dma_wait3A_82 : memref<10000xi32, #tpu.memory_space<hbm>>) dst(%arg6 : memref<10000xi32, #tpu.memory_space<vmem>>)
    %dma_wait3A_83 = arith.constant 1 : i32
    %dma_wait3A_84 = tpu.memref_slice %arg2[%dma_wait3A_83, %add3A_10] : memref<2x320000xi32, #tpu.memory_space<hbm>> -> memref<1x1000xi32, #tpu.memory_space<hbm>>
    %dma_wait3A_85 = tpu.memref_squeeze %dma_wait3A_84 : memref<1x1000xi32, #tpu.memory_space<hbm>> -> memref<1000xi32, #tpu.memory_space<hbm>>
    %dma_wait3A_86 = tpu.memref_slice %arg2[%dma_wait3A_83, %add3A_10] : memref<2x320000xi32, #tpu.memory_space<hbm>> -> memref<1x1000xi32, #tpu.memory_space<hbm>>
    %dma_wait3A_87 = tpu.memref_squeeze %dma_wait3A_86 : memref<1x1000xi32, #tpu.memory_space<hbm>> -> memref<1000xi32, #tpu.memory_space<hbm>>
    tpu.wait_dma2 semaphore(%arg22 : memref<!tpu.dma_semaphore, #tpu.memory_space<semaphore_mem>>) src(%dma_wait3A_87 : memref<1000xi32, #tpu.memory_space<hbm>>) dst(%arg7 : memref<1000xi32, #tpu.memory_space<vmem>>)
    %dma_wait3A_88 = arith.constant 1 : i32
    %dma_wait3A_89 = tpu.memref_slice %arg2[%dma_wait3A_88, %add3A_17] : memref<2x320000xi32, #tpu.memory_space<hbm>> -> memref<1x1000xi32, #tpu.memory_space<hbm>>
    %dma_wait3A_90 = tpu.memref_squeeze %dma_wait3A_89 : memref<1x1000xi32, #tpu.memory_space<hbm>> -> memref<1000xi32, #tpu.memory_space<hbm>>
    %dma_wait3A_91 = tpu.memref_slice %arg2[%dma_wait3A_88, %add3A_17] : memref<2x320000xi32, #tpu.memory_space<hbm>> -> memref<1x1000xi32, #tpu.memory_space<hbm>>
    %dma_wait3A_92 = tpu.memref_squeeze %dma_wait3A_91 : memref<1x1000xi32, #tpu.memory_space<hbm>> -> memref<1000xi32, #tpu.memory_space<hbm>>
    tpu.wait_dma2 semaphore(%arg22 : memref<!tpu.dma_semaphore, #tpu.memory_space<semaphore_mem>>) src(%dma_wait3A_92 : memref<1000xi32, #tpu.memory_space<hbm>>) dst(%arg8 : memref<1000xi32, #tpu.memory_space<vmem>>)
    %dma_wait3A_93 = arith.constant 1 : i32
    %dma_wait3A_94 = tpu.memref_slice %arg2[%dma_wait3A_93, %add3A_24] : memref<2x320000xi32, #tpu.memory_space<hbm>> -> memref<1x1000xi32, #tpu.memory_space<hbm>>
    %dma_wait3A_95 = tpu.memref_squeeze %dma_wait3A_94 : memref<1x1000xi32, #tpu.memory_space<hbm>> -> memref<1000xi32, #tpu.memory_space<hbm>>
    %dma_wait3A_96 = tpu.memref_slice %arg2[%dma_wait3A_93, %add3A_24] : memref<2x320000xi32, #tpu.memory_space<hbm>> -> memref<1x1000xi32, #tpu.memory_space<hbm>>
    %dma_wait3A_97 = tpu.memref_squeeze %dma_wait3A_96 : memref<1x1000xi32, #tpu.memory_space<hbm>> -> memref<1000xi32, #tpu.memory_space<hbm>>
    tpu.wait_dma2 semaphore(%arg22 : memref<!tpu.dma_semaphore, #tpu.memory_space<semaphore_mem>>) src(%dma_wait3A_97 : memref<1000xi32, #tpu.memory_space<hbm>>) dst(%arg9 : memref<1000xi32, #tpu.memory_space<vmem>>)
    %dma_wait3A_98 = arith.constant 1 : i32
    %dma_wait3A_99 = tpu.memref_slice %arg2[%dma_wait3A_98, %add3A_31] : memref<2x320000xi32, #tpu.memory_space<hbm>> -> memref<1x1000xi32, #tpu.memory_space<hbm>>
    %dma_wait3A_100 = tpu.memref_squeeze %dma_wait3A_99 : memref<1x1000xi32, #tpu.memory_space<hbm>> -> memref<1000xi32, #tpu.memory_space<hbm>>
    %dma_wait3A_101 = tpu.memref_slice %arg2[%dma_wait3A_98, %add3A_31] : memref<2x320000xi32, #tpu.memory_space<hbm>> -> memref<1x1000xi32, #tpu.memory_space<hbm>>
    %dma_wait3A_102 = tpu.memref_squeeze %dma_wait3A_101 : memref<1x1000xi32, #tpu.memory_space<hbm>> -> memref<1000xi32, #tpu.memory_space<hbm>>
    tpu.wait_dma2 semaphore(%arg22 : memref<!tpu.dma_semaphore, #tpu.memory_space<semaphore_mem>>) src(%dma_wait3A_102 : memref<1000xi32, #tpu.memory_space<hbm>>) dst(%arg10 : memref<1000xi32, #tpu.memory_space<vmem>>)
    %dma_wait3A_103 = arith.constant 1 : i32
    %dma_wait3A_104 = tpu.memref_slice %arg2[%dma_wait3A_103, %add3A_38] : memref<2x320000xi32, #tpu.memory_space<hbm>> -> memref<1x1000xi32, #tpu.memory_space<hbm>>
    %dma_wait3A_105 = tpu.memref_squeeze %dma_wait3A_104 : memref<1x1000xi32, #tpu.memory_space<hbm>> -> memref<1000xi32, #tpu.memory_space<hbm>>
    %dma_wait3A_106 = tpu.memref_slice %arg2[%dma_wait3A_103, %add3A_38] : memref<2x320000xi32, #tpu.memory_space<hbm>> -> memref<1x1000xi32, #tpu.memory_space<hbm>>
    %dma_wait3A_107 = tpu.memref_squeeze %dma_wait3A_106 : memref<1x1000xi32, #tpu.memory_space<hbm>> -> memref<1000xi32, #tpu.memory_space<hbm>>
    tpu.wait_dma2 semaphore(%arg22 : memref<!tpu.dma_semaphore, #tpu.memory_space<semaphore_mem>>) src(%dma_wait3A_107 : memref<1000xi32, #tpu.memory_space<hbm>>) dst(%arg11 : memref<1000xi32, #tpu.memory_space<vmem>>)
    %dma_wait3A_108 = arith.constant 1 : i32
    %dma_wait3A_109 = tpu.memref_slice %arg2[%dma_wait3A_108, %add3A_45] : memref<2x320000xi32, #tpu.memory_space<hbm>> -> memref<1x1000xi32, #tpu.memory_space<hbm>>
    %dma_wait3A_110 = tpu.memref_squeeze %dma_wait3A_109 : memref<1x1000xi32, #tpu.memory_space<hbm>> -> memref<1000xi32, #tpu.memory_space<hbm>>
    %dma_wait3A_111 = tpu.memref_slice %arg2[%dma_wait3A_108, %add3A_45] : memref<2x320000xi32, #tpu.memory_space<hbm>> -> memref<1x1000xi32, #tpu.memory_space<hbm>>
    %dma_wait3A_112 = tpu.memref_squeeze %dma_wait3A_111 : memref<1x1000xi32, #tpu.memory_space<hbm>> -> memref<1000xi32, #tpu.memory_space<hbm>>
    tpu.wait_dma2 semaphore(%arg22 : memref<!tpu.dma_semaphore, #tpu.memory_space<semaphore_mem>>) src(%dma_wait3A_112 : memref<1000xi32, #tpu.memory_space<hbm>>) dst(%arg12 : memref<1000xi32, #tpu.memory_space<vmem>>)
    %dma_wait3A_113 = arith.constant 1 : i32
    %dma_wait3A_114 = tpu.memref_slice %arg2[%dma_wait3A_113, %add3A_52] : memref<2x320000xi32, #tpu.memory_space<hbm>> -> memref<1x1000xi32, #tpu.memory_space<hbm>>
    %dma_wait3A_115 = tpu.memref_squeeze %dma_wait3A_114 : memref<1x1000xi32, #tpu.memory_space<hbm>> -> memref<1000xi32, #tpu.memory_space<hbm>>
    %dma_wait3A_116 = tpu.memref_slice %arg2[%dma_wait3A_113, %add3A_52] : memref<2x320000xi32, #tpu.memory_space<hbm>> -> memref<1x1000xi32, #tpu.memory_space<hbm>>
    %dma_wait3A_117 = tpu.memref_squeeze %dma_wait3A_116 : memref<1x1000xi32, #tpu.memory_space<hbm>> -> memref<1000xi32, #tpu.memory_space<hbm>>
    tpu.wait_dma2 semaphore(%arg22 : memref<!tpu.dma_semaphore, #tpu.memory_space<semaphore_mem>>) src(%dma_wait3A_117 : memref<1000xi32, #tpu.memory_space<hbm>>) dst(%arg13 : memref<1000xi32, #tpu.memory_space<vmem>>)
    %dma_wait3A_118 = arith.constant 1 : i32
    %dma_wait3A_119 = tpu.memref_slice %arg2[%dma_wait3A_118, %add3A_59] : memref<2x320000xi32, #tpu.memory_space<hbm>> -> memref<1x1000xi32, #tpu.memory_space<hbm>>
    %dma_wait3A_120 = tpu.memref_squeeze %dma_wait3A_119 : memref<1x1000xi32, #tpu.memory_space<hbm>> -> memref<1000xi32, #tpu.memory_space<hbm>>
    %dma_wait3A_121 = tpu.memref_slice %arg2[%dma_wait3A_118, %add3A_59] : memref<2x320000xi32, #tpu.memory_space<hbm>> -> memref<1x1000xi32, #tpu.memory_space<hbm>>
    %dma_wait3A_122 = tpu.memref_squeeze %dma_wait3A_121 : memref<1x1000xi32, #tpu.memory_space<hbm>> -> memref<1000xi32, #tpu.memory_space<hbm>>
    tpu.wait_dma2 semaphore(%arg22 : memref<!tpu.dma_semaphore, #tpu.memory_space<semaphore_mem>>) src(%dma_wait3A_122 : memref<1000xi32, #tpu.memory_space<hbm>>) dst(%arg14 : memref<1000xi32, #tpu.memory_space<vmem>>)
    %dma_wait3A_123 = arith.constant 1 : i32
    %dma_wait3A_124 = tpu.memref_slice %arg2[%dma_wait3A_123, %add3A_66] : memref<2x320000xi32, #tpu.memory_space<hbm>> -> memref<1x1000xi32, #tpu.memory_space<hbm>>
    %dma_wait3A_125 = tpu.memref_squeeze %dma_wait3A_124 : memref<1x1000xi32, #tpu.memory_space<hbm>> -> memref<1000xi32, #tpu.memory_space<hbm>>
    %dma_wait3A_126 = tpu.memref_slice %arg2[%dma_wait3A_123, %add3A_66] : memref<2x320000xi32, #tpu.memory_space<hbm>> -> memref<1x1000xi32, #tpu.memory_space<hbm>>
    %dma_wait3A_127 = tpu.memref_squeeze %dma_wait3A_126 : memref<1x1000xi32, #tpu.memory_space<hbm>> -> memref<1000xi32, #tpu.memory_space<hbm>>
    tpu.wait_dma2 semaphore(%arg22 : memref<!tpu.dma_semaphore, #tpu.memory_space<semaphore_mem>>) src(%dma_wait3A_127 : memref<1000xi32, #tpu.memory_space<hbm>>) dst(%arg15 : memref<1000xi32, #tpu.memory_space<vmem>>)
    %dma_wait3A_128 = arith.constant 1 : i32
    %dma_wait3A_129 = tpu.memref_slice %arg2[%dma_wait3A_128, %add3A_73] : memref<2x320000xi32, #tpu.memory_space<hbm>> -> memref<1x1000xi32, #tpu.memory_space<hbm>>
    %dma_wait3A_130 = tpu.memref_squeeze %dma_wait3A_129 : memref<1x1000xi32, #tpu.memory_space<hbm>> -> memref<1000xi32, #tpu.memory_space<hbm>>
    %dma_wait3A_131 = tpu.memref_slice %arg2[%dma_wait3A_128, %add3A_73] : memref<2x320000xi32, #tpu.memory_space<hbm>> -> memref<1x1000xi32, #tpu.memory_space<hbm>>
    %dma_wait3A_132 = tpu.memref_squeeze %dma_wait3A_131 : memref<1x1000xi32, #tpu.memory_space<hbm>> -> memref<1000xi32, #tpu.memory_space<hbm>>
    tpu.wait_dma2 semaphore(%arg22 : memref<!tpu.dma_semaphore, #tpu.memory_space<semaphore_mem>>) src(%dma_wait3A_132 : memref<1000xi32, #tpu.memory_space<hbm>>) dst(%arg16 : memref<1000xi32, #tpu.memory_space<vmem>>)
    %barrier3A = arith.constant 0 : index
    tpu.barrier barrier_id(%barrier3A)
    %dma_start3A_133 = arith.constant 0 : i32
    %dma_start3A_134 = tpu.memref_slice %arg6[%dma_start3A_133] : memref<10000xi32, #tpu.memory_space<vmem>> -> memref<1000xi32, #tpu.memory_space<vmem>>
    %dma_start3A_135 = arith.constant 0 : i32
    %dma_start3A_136 = arith.constant 0 : i32
    %dma_start3A_137 = tpu.memref_slice %arg3[%dma_start3A_135, %dma_start3A_136] : memref<10240x16xf32, #tpu.memory_space<hbm>> -> memref<10240x16xf32, #tpu.memory_space<hbm>>
    tpu.enqueue_indirect_dma source(%dma_start3A_137 : memref<10240x16xf32, #tpu.memory_space<hbm>>) target(%arg17 : memref<1000x16xf32, #tpu.memory_space<vmem>>) offsets(%dma_start3A_134 : memref<1000xi32, #tpu.memory_space<vmem>>) semaphore(%arg23 : memref<!tpu.dma_semaphore, #tpu.memory_space<semaphore_mem>>)
    %dma_start3A_138 = arith.constant 1000 : i32
    %dma_start3A_139 = tpu.memref_slice %arg6[%dma_start3A_138] : memref<10000xi32, #tpu.memory_space<vmem>> -> memref<1000xi32, #tpu.memory_space<vmem>>
    %dma_start3A_140 = arith.constant 0 : i32
    %dma_start3A_141 = arith.constant 0 : i32
    %dma_start3A_142 = tpu.memref_slice %arg3[%dma_start3A_140, %dma_start3A_141] : memref<10240x16xf32, #tpu.memory_space<hbm>> -> memref<10240x16xf32, #tpu.memory_space<hbm>>
    tpu.enqueue_indirect_dma source(%dma_start3A_142 : memref<10240x16xf32, #tpu.memory_space<hbm>>) target(%arg18 : memref<1000x16xf32, #tpu.memory_space<vmem>>) offsets(%dma_start3A_139 : memref<1000xi32, #tpu.memory_space<vmem>>) semaphore(%arg24 : memref<!tpu.dma_semaphore, #tpu.memory_space<semaphore_mem>>)
    %dma_start3A_143 = arith.constant 2000 : i32
    %dma_start3A_144 = tpu.memref_slice %arg6[%dma_start3A_143] : memref<10000xi32, #tpu.memory_space<vmem>> -> memref<1000xi32, #tpu.memory_space<vmem>>
    %dma_start3A_145 = arith.constant 0 : i32
    %dma_start3A_146 = arith.constant 0 : i32
    %dma_start3A_147 = tpu.memref_slice %arg3[%dma_start3A_145, %dma_start3A_146] : memref<10240x16xf32, #tpu.memory_space<hbm>> -> memref<10240x16xf32, #tpu.memory_space<hbm>>
    tpu.enqueue_indirect_dma source(%dma_start3A_147 : memref<10240x16xf32, #tpu.memory_space<hbm>>) target(%arg19 : memref<1000x16xf32, #tpu.memory_space<vmem>>) offsets(%dma_start3A_144 : memref<1000xi32, #tpu.memory_space<vmem>>) semaphore(%arg25 : memref<!tpu.dma_semaphore, #tpu.memory_space<semaphore_mem>>)
    %dma_start3A_148 = arith.constant 3000 : i32
    %dma_start3A_149 = tpu.memref_slice %arg6[%dma_start3A_148] : memref<10000xi32, #tpu.memory_space<vmem>> -> memref<1000xi32, #tpu.memory_space<vmem>>
    %dma_start3A_150 = arith.constant 0 : i32
    %dma_start3A_151 = arith.constant 0 : i32
    %dma_start3A_152 = tpu.memref_slice %arg3[%dma_start3A_150, %dma_start3A_151] : memref<10240x16xf32, #tpu.memory_space<hbm>> -> memref<10240x16xf32, #tpu.memory_space<hbm>>
    tpu.enqueue_indirect_dma source(%dma_start3A_152 : memref<10240x16xf32, #tpu.memory_space<hbm>>) target(%arg20 : memref<1000x16xf32, #tpu.memory_space<vmem>>) offsets(%dma_start3A_149 : memref<1000xi32, #tpu.memory_space<vmem>>) semaphore(%arg26 : memref<!tpu.dma_semaphore, #tpu.memory_space<semaphore_mem>>)
    %dma_wait3A_153 = arith.constant 0 : i32
    %dma_wait3A_154 = tpu.memref_slice %arg6[%dma_wait3A_153] : memref<10000xi32, #tpu.memory_space<vmem>> -> memref<1000xi32, #tpu.memory_space<vmem>>
    %dma_wait3A_155 = arith.constant 0 : i32
    %dma_wait3A_156 = arith.constant 0 : i32
    %dma_wait3A_157 = tpu.memref_slice %arg3[%dma_wait3A_155, %dma_wait3A_156] : memref<10240x16xf32, #tpu.memory_space<hbm>> -> memref<10240x16xf32, #tpu.memory_space<hbm>>
    tpu.wait_indirect_dma semaphore(%arg23 : memref<!tpu.dma_semaphore, #tpu.memory_space<semaphore_mem>>) src(%dma_wait3A_157 : memref<10240x16xf32, #tpu.memory_space<hbm>>) dst(%arg17 : memref<1000x16xf32, #tpu.memory_space<vmem>>)
    %dma_start3A_158 = arith.constant 0 : i32
    %dma_start3A_159 = arith.constant 0 : i32
    %dma_start3A_160 = tpu.memref_slice %arg21[%dma_start3A_158, %dma_start3A_159] : memref<10240x16xf32, #tpu.memory_space<vmem_shared>> -> memref<10240x16xf32, #tpu.memory_space<vmem_shared>>
    tpu.enqueue_indirect_dma source(%arg17 : memref<1000x16xf32, #tpu.memory_space<vmem>>) target(%dma_start3A_160 : memref<10240x16xf32, #tpu.memory_space<vmem_shared>>) offsets(%arg7 : memref<1000xi32, #tpu.memory_space<vmem>>) semaphore(%arg27 : memref<!tpu.dma_semaphore, #tpu.memory_space<semaphore_mem>>) {add = true}
    %dma_wait3A_161 = arith.constant 0 : i32
    %dma_wait3A_162 = arith.constant 0 : i32
    %dma_wait3A_163 = tpu.memref_slice %arg21[%dma_wait3A_161, %dma_wait3A_162] : memref<10240x16xf32, #tpu.memory_space<vmem_shared>> -> memref<10240x16xf32, #tpu.memory_space<vmem_shared>>
    tpu.wait_indirect_dma semaphore(%arg27 : memref<!tpu.dma_semaphore, #tpu.memory_space<semaphore_mem>>) src(%arg17 : memref<1000x16xf32, #tpu.memory_space<vmem>>) dst(%dma_wait3A_163 : memref<10240x16xf32, #tpu.memory_space<vmem_shared>>)
    %dma_start3A_164 = arith.constant 4000 : i32
    %dma_start3A_165 = tpu.memref_slice %arg6[%dma_start3A_164] : memref<10000xi32, #tpu.memory_space<vmem>> -> memref<1000xi32, #tpu.memory_space<vmem>>
    %dma_start3A_166 = arith.constant 0 : i32
    %dma_start3A_167 = arith.constant 0 : i32
    %dma_start3A_168 = tpu.memref_slice %arg3[%dma_start3A_166, %dma_start3A_167] : memref<10240x16xf32, #tpu.memory_space<hbm>> -> memref<10240x16xf32, #tpu.memory_space<hbm>>
    tpu.enqueue_indirect_dma source(%dma_start3A_168 : memref<10240x16xf32, #tpu.memory_space<hbm>>) target(%arg17 : memref<1000x16xf32, #tpu.memory_space<vmem>>) offsets(%dma_start3A_165 : memref<1000xi32, #tpu.memory_space<vmem>>) semaphore(%arg23 : memref<!tpu.dma_semaphore, #tpu.memory_space<semaphore_mem>>)
    %dma_wait3A_169 = arith.constant 1000 : i32
    %dma_wait3A_170 = tpu.memref_slice %arg6[%dma_wait3A_169] : memref<10000xi32, #tpu.memory_space<vmem>> -> memref<1000xi32, #tpu.memory_space<vmem>>
    %dma_wait3A_171 = arith.constant 0 : i32
    %dma_wait3A_172 = arith.constant 0 : i32
    %dma_wait3A_173 = tpu.memref_slice %arg3[%dma_wait3A_171, %dma_wait3A_172] : memref<10240x16xf32, #tpu.memory_space<hbm>> -> memref<10240x16xf32, #tpu.memory_space<hbm>>
    tpu.wait_indirect_dma semaphore(%arg24 : memref<!tpu.dma_semaphore, #tpu.memory_space<semaphore_mem>>) src(%dma_wait3A_173 : memref<10240x16xf32, #tpu.memory_space<hbm>>) dst(%arg18 : memref<1000x16xf32, #tpu.memory_space<vmem>>)
    %dma_start3A_174 = arith.constant 0 : i32
    %dma_start3A_175 = arith.constant 0 : i32
    %dma_start3A_176 = tpu.memref_slice %arg21[%dma_start3A_174, %dma_start3A_175] : memref<10240x16xf32, #tpu.memory_space<vmem_shared>> -> memref<10240x16xf32, #tpu.memory_space<vmem_shared>>
    tpu.enqueue_indirect_dma source(%arg18 : memref<1000x16xf32, #tpu.memory_space<vmem>>) target(%dma_start3A_176 : memref<10240x16xf32, #tpu.memory_space<vmem_shared>>) offsets(%arg8 : memref<1000xi32, #tpu.memory_space<vmem>>) semaphore(%arg28 : memref<!tpu.dma_semaphore, #tpu.memory_space<semaphore_mem>>) {add = true}
    %dma_wait3A_177 = arith.constant 0 : i32
    %dma_wait3A_178 = arith.constant 0 : i32
    %dma_wait3A_179 = tpu.memref_slice %arg21[%dma_wait3A_177, %dma_wait3A_178] : memref<10240x16xf32, #tpu.memory_space<vmem_shared>> -> memref<10240x16xf32, #tpu.memory_space<vmem_shared>>
    tpu.wait_indirect_dma semaphore(%arg28 : memref<!tpu.dma_semaphore, #tpu.memory_space<semaphore_mem>>) src(%arg18 : memref<1000x16xf32, #tpu.memory_space<vmem>>) dst(%dma_wait3A_179 : memref<10240x16xf32, #tpu.memory_space<vmem_shared>>)
    %dma_start3A_180 = arith.constant 5000 : i32
    %dma_start3A_181 = tpu.memref_slice %arg6[%dma_start3A_180] : memref<10000xi32, #tpu.memory_space<vmem>> -> memref<1000xi32, #tpu.memory_space<vmem>>
    %dma_start3A_182 = arith.constant 0 : i32
    %dma_start3A_183 = arith.constant 0 : i32
    %dma_start3A_184 = tpu.memref_slice %arg3[%dma_start3A_182, %dma_start3A_183] : memref<10240x16xf32, #tpu.memory_space<hbm>> -> memref<10240x16xf32, #tpu.memory_space<hbm>>
    tpu.enqueue_indirect_dma source(%dma_start3A_184 : memref<10240x16xf32, #tpu.memory_space<hbm>>) target(%arg18 : memref<1000x16xf32, #tpu.memory_space<vmem>>) offsets(%dma_start3A_181 : memref<1000xi32, #tpu.memory_space<vmem>>) semaphore(%arg24 : memref<!tpu.dma_semaphore, #tpu.memory_space<semaphore_mem>>)
    %dma_wait3A_185 = arith.constant 2000 : i32
    %dma_wait3A_186 = tpu.memref_slice %arg6[%dma_wait3A_185] : memref<10000xi32, #tpu.memory_space<vmem>> -> memref<1000xi32, #tpu.memory_space<vmem>>
    %dma_wait3A_187 = arith.constant 0 : i32
    %dma_wait3A_188 = arith.constant 0 : i32
    %dma_wait3A_189 = tpu.memref_slice %arg3[%dma_wait3A_187, %dma_wait3A_188] : memref<10240x16xf32, #tpu.memory_space<hbm>> -> memref<10240x16xf32, #tpu.memory_space<hbm>>
    tpu.wait_indirect_dma semaphore(%arg25 : memref<!tpu.dma_semaphore, #tpu.memory_space<semaphore_mem>>) src(%dma_wait3A_189 : memref<10240x16xf32, #tpu.memory_space<hbm>>) dst(%arg19 : memref<1000x16xf32, #tpu.memory_space<vmem>>)
    %dma_start3A_190 = arith.constant 0 : i32
    %dma_start3A_191 = arith.constant 0 : i32
    %dma_start3A_192 = tpu.memref_slice %arg21[%dma_start3A_190, %dma_start3A_191] : memref<10240x16xf32, #tpu.memory_space<vmem_shared>> -> memref<10240x16xf32, #tpu.memory_space<vmem_shared>>
    tpu.enqueue_indirect_dma source(%arg19 : memref<1000x16xf32, #tpu.memory_space<vmem>>) target(%dma_start3A_192 : memref<10240x16xf32, #tpu.memory_space<vmem_shared>>) offsets(%arg9 : memref<1000xi32, #tpu.memory_space<vmem>>) semaphore(%arg29 : memref<!tpu.dma_semaphore, #tpu.memory_space<semaphore_mem>>) {add = true}
    %dma_wait3A_193 = arith.constant 0 : i32
    %dma_wait3A_194 = arith.constant 0 : i32
    %dma_wait3A_195 = tpu.memref_slice %arg21[%dma_wait3A_193, %dma_wait3A_194] : memref<10240x16xf32, #tpu.memory_space<vmem_shared>> -> memref<10240x16xf32, #tpu.memory_space<vmem_shared>>
    tpu.wait_indirect_dma semaphore(%arg29 : memref<!tpu.dma_semaphore, #tpu.memory_space<semaphore_mem>>) src(%arg19 : memref<1000x16xf32, #tpu.memory_space<vmem>>) dst(%dma_wait3A_195 : memref<10240x16xf32, #tpu.memory_space<vmem_shared>>)
    %dma_start3A_196 = arith.constant 6000 : i32
    %dma_start3A_197 = tpu.memref_slice %arg6[%dma_start3A_196] : memref<10000xi32, #tpu.memory_space<vmem>> -> memref<1000xi32, #tpu.memory_space<vmem>>
    %dma_start3A_198 = arith.constant 0 : i32
    %dma_start3A_199 = arith.constant 0 : i32
    %dma_start3A_200 = tpu.memref_slice %arg3[%dma_start3A_198, %dma_start3A_199] : memref<10240x16xf32, #tpu.memory_space<hbm>> -> memref<10240x16xf32, #tpu.memory_space<hbm>>
    tpu.enqueue_indirect_dma source(%dma_start3A_200 : memref<10240x16xf32, #tpu.memory_space<hbm>>) target(%arg19 : memref<1000x16xf32, #tpu.memory_space<vmem>>) offsets(%dma_start3A_197 : memref<1000xi32, #tpu.memory_space<vmem>>) semaphore(%arg25 : memref<!tpu.dma_semaphore, #tpu.memory_space<semaphore_mem>>)
    %dma_wait3A_201 = arith.constant 3000 : i32
    %dma_wait3A_202 = tpu.memref_slice %arg6[%dma_wait3A_201] : memref<10000xi32, #tpu.memory_space<vmem>> -> memref<1000xi32, #tpu.memory_space<vmem>>
    %dma_wait3A_203 = arith.constant 0 : i32
    %dma_wait3A_204 = arith.constant 0 : i32
    %dma_wait3A_205 = tpu.memref_slice %arg3[%dma_wait3A_203, %dma_wait3A_204] : memref<10240x16xf32, #tpu.memory_space<hbm>> -> memref<10240x16xf32, #tpu.memory_space<hbm>>
    tpu.wait_indirect_dma semaphore(%arg26 : memref<!tpu.dma_semaphore, #tpu.memory_space<semaphore_mem>>) src(%dma_wait3A_205 : memref<10240x16xf32, #tpu.memory_space<hbm>>) dst(%arg20 : memref<1000x16xf32, #tpu.memory_space<vmem>>)
    %dma_start3A_206 = arith.constant 0 : i32
    %dma_start3A_207 = arith.constant 0 : i32
    %dma_start3A_208 = tpu.memref_slice %arg21[%dma_start3A_206, %dma_start3A_207] : memref<10240x16xf32, #tpu.memory_space<vmem_shared>> -> memref<10240x16xf32, #tpu.memory_space<vmem_shared>>
    tpu.enqueue_indirect_dma source(%arg20 : memref<1000x16xf32, #tpu.memory_space<vmem>>) target(%dma_start3A_208 : memref<10240x16xf32, #tpu.memory_space<vmem_shared>>) offsets(%arg10 : memref<1000xi32, #tpu.memory_space<vmem>>) semaphore(%arg30 : memref<!tpu.dma_semaphore, #tpu.memory_space<semaphore_mem>>) {add = true}
    %dma_wait3A_209 = arith.constant 0 : i32
    %dma_wait3A_210 = arith.constant 0 : i32
    %dma_wait3A_211 = tpu.memref_slice %arg21[%dma_wait3A_209, %dma_wait3A_210] : memref<10240x16xf32, #tpu.memory_space<vmem_shared>> -> memref<10240x16xf32, #tpu.memory_space<vmem_shared>>
    tpu.wait_indirect_dma semaphore(%arg30 : memref<!tpu.dma_semaphore, #tpu.memory_space<semaphore_mem>>) src(%arg20 : memref<1000x16xf32, #tpu.memory_space<vmem>>) dst(%dma_wait3A_211 : memref<10240x16xf32, #tpu.memory_space<vmem_shared>>)
    %dma_start3A_212 = arith.constant 7000 : i32
    %dma_start3A_213 = tpu.memref_slice %arg6[%dma_start3A_212] : memref<10000xi32, #tpu.memory_space<vmem>> -> memref<1000xi32, #tpu.memory_space<vmem>>
    %dma_start3A_214 = arith.constant 0 : i32
    %dma_start3A_215 = arith.constant 0 : i32
    %dma_start3A_216 = tpu.memref_slice %arg3[%dma_start3A_214, %dma_start3A_215] : memref<10240x16xf32, #tpu.memory_space<hbm>> -> memref<10240x16xf32, #tpu.memory_space<hbm>>
    tpu.enqueue_indirect_dma source(%dma_start3A_216 : memref<10240x16xf32, #tpu.memory_space<hbm>>) target(%arg20 : memref<1000x16xf32, #tpu.memory_space<vmem>>) offsets(%dma_start3A_213 : memref<1000xi32, #tpu.memory_space<vmem>>) semaphore(%arg26 : memref<!tpu.dma_semaphore, #tpu.memory_space<semaphore_mem>>)
    %dma_wait3A_217 = arith.constant 4000 : i32
    %dma_wait3A_218 = tpu.memref_slice %arg6[%dma_wait3A_217] : memref<10000xi32, #tpu.memory_space<vmem>> -> memref<1000xi32, #tpu.memory_space<vmem>>
    %dma_wait3A_219 = arith.constant 0 : i32
    %dma_wait3A_220 = arith.constant 0 : i32
    %dma_wait3A_221 = tpu.memref_slice %arg3[%dma_wait3A_219, %dma_wait3A_220] : memref<10240x16xf32, #tpu.memory_space<hbm>> -> memref<10240x16xf32, #tpu.memory_space<hbm>>
    tpu.wait_indirect_dma semaphore(%arg23 : memref<!tpu.dma_semaphore, #tpu.memory_space<semaphore_mem>>) src(%dma_wait3A_221 : memref<10240x16xf32, #tpu.memory_space<hbm>>) dst(%arg17 : memref<1000x16xf32, #tpu.memory_space<vmem>>)
    %dma_start3A_222 = arith.constant 0 : i32
    %dma_start3A_223 = arith.constant 0 : i32
    %dma_start3A_224 = tpu.memref_slice %arg21[%dma_start3A_222, %dma_start3A_223] : memref<10240x16xf32, #tpu.memory_space<vmem_shared>> -> memref<10240x16xf32, #tpu.memory_space<vmem_shared>>
    tpu.enqueue_indirect_dma source(%arg17 : memref<1000x16xf32, #tpu.memory_space<vmem>>) target(%dma_start3A_224 : memref<10240x16xf32, #tpu.memory_space<vmem_shared>>) offsets(%arg11 : memref<1000xi32, #tpu.memory_space<vmem>>) semaphore(%arg27 : memref<!tpu.dma_semaphore, #tpu.memory_space<semaphore_mem>>) {add = true}
    %dma_wait3A_225 = arith.constant 0 : i32
    %dma_wait3A_226 = arith.constant 0 : i32
    %dma_wait3A_227 = tpu.memref_slice %arg21[%dma_wait3A_225, %dma_wait3A_226] : memref<10240x16xf32, #tpu.memory_space<vmem_shared>> -> memref<10240x16xf32, #tpu.memory_space<vmem_shared>>
    tpu.wait_indirect_dma semaphore(%arg27 : memref<!tpu.dma_semaphore, #tpu.memory_space<semaphore_mem>>) src(%arg17 : memref<1000x16xf32, #tpu.memory_space<vmem>>) dst(%dma_wait3A_227 : memref<10240x16xf32, #tpu.memory_space<vmem_shared>>)
    %dma_start3A_228 = arith.constant 8000 : i32
    %dma_start3A_229 = tpu.memref_slice %arg6[%dma_start3A_228] : memref<10000xi32, #tpu.memory_space<vmem>> -> memref<1000xi32, #tpu.memory_space<vmem>>
    %dma_start3A_230 = arith.constant 0 : i32
    %dma_start3A_231 = arith.constant 0 : i32
    %dma_start3A_232 = tpu.memref_slice %arg3[%dma_start3A_230, %dma_start3A_231] : memref<10240x16xf32, #tpu.memory_space<hbm>> -> memref<10240x16xf32, #tpu.memory_space<hbm>>
    tpu.enqueue_indirect_dma source(%dma_start3A_232 : memref<10240x16xf32, #tpu.memory_space<hbm>>) target(%arg17 : memref<1000x16xf32, #tpu.memory_space<vmem>>) offsets(%dma_start3A_229 : memref<1000xi32, #tpu.memory_space<vmem>>) semaphore(%arg23 : memref<!tpu.dma_semaphore, #tpu.memory_space<semaphore_mem>>)
    %dma_wait3A_233 = arith.constant 5000 : i32
    %dma_wait3A_234 = tpu.memref_slice %arg6[%dma_wait3A_233] : memref<10000xi32, #tpu.memory_space<vmem>> -> memref<1000xi32, #tpu.memory_space<vmem>>
    %dma_wait3A_235 = arith.constant 0 : i32
    %dma_wait3A_236 = arith.constant 0 : i32
    %dma_wait3A_237 = tpu.memref_slice %arg3[%dma_wait3A_235, %dma_wait3A_236] : memref<10240x16xf32, #tpu.memory_space<hbm>> -> memref<10240x16xf32, #tpu.memory_space<hbm>>
    tpu.wait_indirect_dma semaphore(%arg24 : memref<!tpu.dma_semaphore, #tpu.memory_space<semaphore_mem>>) src(%dma_wait3A_237 : memref<10240x16xf32, #tpu.memory_space<hbm>>) dst(%arg18 : memref<1000x16xf32, #tpu.memory_space<vmem>>)
    %dma_start3A_238 = arith.constant 0 : i32
    %dma_start3A_239 = arith.constant 0 : i32
    %dma_start3A_240 = tpu.memref_slice %arg21[%dma_start3A_238, %dma_start3A_239] : memref<10240x16xf32, #tpu.memory_space<vmem_shared>> -> memref<10240x16xf32, #tpu.memory_space<vmem_shared>>
    tpu.enqueue_indirect_dma source(%arg18 : memref<1000x16xf32, #tpu.memory_space<vmem>>) target(%dma_start3A_240 : memref<10240x16xf32, #tpu.memory_space<vmem_shared>>) offsets(%arg12 : memref<1000xi32, #tpu.memory_space<vmem>>) semaphore(%arg28 : memref<!tpu.dma_semaphore, #tpu.memory_space<semaphore_mem>>) {add = true}
    %dma_wait3A_241 = arith.constant 0 : i32
    %dma_wait3A_242 = arith.constant 0 : i32
    %dma_wait3A_243 = tpu.memref_slice %arg21[%dma_wait3A_241, %dma_wait3A_242] : memref<10240x16xf32, #tpu.memory_space<vmem_shared>> -> memref<10240x16xf32, #tpu.memory_space<vmem_shared>>
    tpu.wait_indirect_dma semaphore(%arg28 : memref<!tpu.dma_semaphore, #tpu.memory_space<semaphore_mem>>) src(%arg18 : memref<1000x16xf32, #tpu.memory_space<vmem>>) dst(%dma_wait3A_243 : memref<10240x16xf32, #tpu.memory_space<vmem_shared>>)
    %dma_start3A_244 = arith.constant 9000 : i32
    %dma_start3A_245 = tpu.memref_slice %arg6[%dma_start3A_244] : memref<10000xi32, #tpu.memory_space<vmem>> -> memref<1000xi32, #tpu.memory_space<vmem>>
    %dma_start3A_246 = arith.constant 0 : i32
    %dma_start3A_247 = arith.constant 0 : i32
    %dma_start3A_248 = tpu.memref_slice %arg3[%dma_start3A_246, %dma_start3A_247] : memref<10240x16xf32, #tpu.memory_space<hbm>> -> memref<10240x16xf32, #tpu.memory_space<hbm>>
    tpu.enqueue_indirect_dma source(%dma_start3A_248 : memref<10240x16xf32, #tpu.memory_space<hbm>>) target(%arg18 : memref<1000x16xf32, #tpu.memory_space<vmem>>) offsets(%dma_start3A_245 : memref<1000xi32, #tpu.memory_space<vmem>>) semaphore(%arg24 : memref<!tpu.dma_semaphore, #tpu.memory_space<semaphore_mem>>)
    %dma_wait3A_249 = arith.constant 6000 : i32
    %dma_wait3A_250 = tpu.memref_slice %arg6[%dma_wait3A_249] : memref<10000xi32, #tpu.memory_space<vmem>> -> memref<1000xi32, #tpu.memory_space<vmem>>
    %dma_wait3A_251 = arith.constant 0 : i32
    %dma_wait3A_252 = arith.constant 0 : i32
    %dma_wait3A_253 = tpu.memref_slice %arg3[%dma_wait3A_251, %dma_wait3A_252] : memref<10240x16xf32, #tpu.memory_space<hbm>> -> memref<10240x16xf32, #tpu.memory_space<hbm>>
    tpu.wait_indirect_dma semaphore(%arg25 : memref<!tpu.dma_semaphore, #tpu.memory_space<semaphore_mem>>) src(%dma_wait3A_253 : memref<10240x16xf32, #tpu.memory_space<hbm>>) dst(%arg19 : memref<1000x16xf32, #tpu.memory_space<vmem>>)
    %dma_start3A_254 = arith.constant 0 : i32
    %dma_start3A_255 = arith.constant 0 : i32
    %dma_start3A_256 = tpu.memref_slice %arg21[%dma_start3A_254, %dma_start3A_255] : memref<10240x16xf32, #tpu.memory_space<vmem_shared>> -> memref<10240x16xf32, #tpu.memory_space<vmem_shared>>
    tpu.enqueue_indirect_dma source(%arg19 : memref<1000x16xf32, #tpu.memory_space<vmem>>) target(%dma_start3A_256 : memref<10240x16xf32, #tpu.memory_space<vmem_shared>>) offsets(%arg13 : memref<1000xi32, #tpu.memory_space<vmem>>) semaphore(%arg29 : memref<!tpu.dma_semaphore, #tpu.memory_space<semaphore_mem>>) {add = true}
    %dma_wait3A_257 = arith.constant 7000 : i32
    %dma_wait3A_258 = tpu.memref_slice %arg6[%dma_wait3A_257] : memref<10000xi32, #tpu.memory_space<vmem>> -> memref<1000xi32, #tpu.memory_space<vmem>>
    %dma_wait3A_259 = arith.constant 0 : i32
    %dma_wait3A_260 = arith.constant 0 : i32
    %dma_wait3A_261 = tpu.memref_slice %arg3[%dma_wait3A_259, %dma_wait3A_260] : memref<10240x16xf32, #tpu.memory_space<hbm>> -> memref<10240x16xf32, #tpu.memory_space<hbm>>
    tpu.wait_indirect_dma semaphore(%arg26 : memref<!tpu.dma_semaphore, #tpu.memory_space<semaphore_mem>>) src(%dma_wait3A_261 : memref<10240x16xf32, #tpu.memory_space<hbm>>) dst(%arg20 : memref<1000x16xf32, #tpu.memory_space<vmem>>)
    %dma_start3A_262 = arith.constant 0 : i32
    %dma_start3A_263 = arith.constant 0 : i32
    %dma_start3A_264 = tpu.memref_slice %arg21[%dma_start3A_262, %dma_start3A_263] : memref<10240x16xf32, #tpu.memory_space<vmem_shared>> -> memref<10240x16xf32, #tpu.memory_space<vmem_shared>>
    tpu.enqueue_indirect_dma source(%arg20 : memref<1000x16xf32, #tpu.memory_space<vmem>>) target(%dma_start3A_264 : memref<10240x16xf32, #tpu.memory_space<vmem_shared>>) offsets(%arg14 : memref<1000xi32, #tpu.memory_space<vmem>>) semaphore(%arg30 : memref<!tpu.dma_semaphore, #tpu.memory_space<semaphore_mem>>) {add = true}
    %dma_wait3A_265 = arith.constant 8000 : i32
    %dma_wait3A_266 = tpu.memref_slice %arg6[%dma_wait3A_265] : memref<10000xi32, #tpu.memory_space<vmem>> -> memref<1000xi32, #tpu.memory_space<vmem>>
    %dma_wait3A_267 = arith.constant 0 : i32
    %dma_wait3A_268 = arith.constant 0 : i32
    %dma_wait3A_269 = tpu.memref_slice %arg3[%dma_wait3A_267, %dma_wait3A_268] : memref<10240x16xf32, #tpu.memory_space<hbm>> -> memref<10240x16xf32, #tpu.memory_space<hbm>>
    tpu.wait_indirect_dma semaphore(%arg23 : memref<!tpu.dma_semaphore, #tpu.memory_space<semaphore_mem>>) src(%dma_wait3A_269 : memref<10240x16xf32, #tpu.memory_space<hbm>>) dst(%arg17 : memref<1000x16xf32, #tpu.memory_space<vmem>>)
    %dma_start3A_270 = arith.constant 0 : i32
    %dma_start3A_271 = arith.constant 0 : i32
    %dma_start3A_272 = tpu.memref_slice %arg21[%dma_start3A_270, %dma_start3A_271] : memref<10240x16xf32, #tpu.memory_space<vmem_shared>> -> memref<10240x16xf32, #tpu.memory_space<vmem_shared>>
    tpu.enqueue_indirect_dma source(%arg17 : memref<1000x16xf32, #tpu.memory_space<vmem>>) target(%dma_start3A_272 : memref<10240x16xf32, #tpu.memory_space<vmem_shared>>) offsets(%arg15 : memref<1000xi32, #tpu.memory_space<vmem>>) semaphore(%arg27 : memref<!tpu.dma_semaphore, #tpu.memory_space<semaphore_mem>>) {add = true}
    %dma_wait3A_273 = arith.constant 9000 : i32
    %dma_wait3A_274 = tpu.memref_slice %arg6[%dma_wait3A_273] : memref<10000xi32, #tpu.memory_space<vmem>> -> memref<1000xi32, #tpu.memory_space<vmem>>
    %dma_wait3A_275 = arith.constant 0 : i32
    %dma_wait3A_276 = arith.constant 0 : i32
    %dma_wait3A_277 = tpu.memref_slice %arg3[%dma_wait3A_275, %dma_wait3A_276] : memref<10240x16xf32, #tpu.memory_space<hbm>> -> memref<10240x16xf32, #tpu.memory_space<hbm>>
    tpu.wait_indirect_dma semaphore(%arg24 : memref<!tpu.dma_semaphore, #tpu.memory_space<semaphore_mem>>) src(%dma_wait3A_277 : memref<10240x16xf32, #tpu.memory_space<hbm>>) dst(%arg18 : memref<1000x16xf32, #tpu.memory_space<vmem>>)
    %dma_start3A_278 = arith.constant 0 : i32
    %dma_start3A_279 = arith.constant 0 : i32
    %dma_start3A_280 = tpu.memref_slice %arg21[%dma_start3A_278, %dma_start3A_279] : memref<10240x16xf32, #tpu.memory_space<vmem_shared>> -> memref<10240x16xf32, #tpu.memory_space<vmem_shared>>
    tpu.enqueue_indirect_dma source(%arg18 : memref<1000x16xf32, #tpu.memory_space<vmem>>) target(%dma_start3A_280 : memref<10240x16xf32, #tpu.memory_space<vmem_shared>>) offsets(%arg16 : memref<1000xi32, #tpu.memory_space<vmem>>) semaphore(%arg28 : memref<!tpu.dma_semaphore, #tpu.memory_space<semaphore_mem>>) {add = true}
    %dma_wait3A_281 = arith.constant 0 : i32
    %dma_wait3A_282 = arith.constant 0 : i32
    %dma_wait3A_283 = tpu.memref_slice %arg21[%dma_wait3A_281, %dma_wait3A_282] : memref<10240x16xf32, #tpu.memory_space<vmem_shared>> -> memref<10240x16xf32, #tpu.memory_space<vmem_shared>>
    tpu.wait_indirect_dma semaphore(%arg29 : memref<!tpu.dma_semaphore, #tpu.memory_space<semaphore_mem>>) src(%arg19 : memref<1000x16xf32, #tpu.memory_space<vmem>>) dst(%dma_wait3A_283 : memref<10240x16xf32, #tpu.memory_space<vmem_shared>>)
    %dma_wait3A_284 = arith.constant 0 : i32
    %dma_wait3A_285 = arith.constant 0 : i32
    %dma_wait3A_286 = tpu.memref_slice %arg21[%dma_wait3A_284, %dma_wait3A_285] : memref<10240x16xf32, #tpu.memory_space<vmem_shared>> -> memref<10240x16xf32, #tpu.memory_space<vmem_shared>>
    tpu.wait_indirect_dma semaphore(%arg30 : memref<!tpu.dma_semaphore, #tpu.memory_space<semaphore_mem>>) src(%arg20 : memref<1000x16xf32, #tpu.memory_space<vmem>>) dst(%dma_wait3A_286 : memref<10240x16xf32, #tpu.memory_space<vmem_shared>>)
    %dma_wait3A_287 = arith.constant 0 : i32
    %dma_wait3A_288 = arith.constant 0 : i32
    %dma_wait3A_289 = tpu.memref_slice %arg21[%dma_wait3A_287, %dma_wait3A_288] : memref<10240x16xf32, #tpu.memory_space<vmem_shared>> -> memref<10240x16xf32, #tpu.memory_space<vmem_shared>>
    tpu.wait_indirect_dma semaphore(%arg27 : memref<!tpu.dma_semaphore, #tpu.memory_space<semaphore_mem>>) src(%arg17 : memref<1000x16xf32, #tpu.memory_space<vmem>>) dst(%dma_wait3A_289 : memref<10240x16xf32, #tpu.memory_space<vmem_shared>>)
    %dma_wait3A_290 = arith.constant 0 : i32
    %dma_wait3A_291 = arith.constant 0 : i32
    %dma_wait3A_292 = tpu.memref_slice %arg21[%dma_wait3A_290, %dma_wait3A_291] : memref<10240x16xf32, #tpu.memory_space<vmem_shared>> -> memref<10240x16xf32, #tpu.memory_space<vmem_shared>>
    tpu.wait_indirect_dma semaphore(%arg28 : memref<!tpu.dma_semaphore, #tpu.memory_space<semaphore_mem>>) src(%arg18 : memref<1000x16xf32, #tpu.memory_space<vmem>>) dst(%dma_wait3A_292 : memref<10240x16xf32, #tpu.memory_space<vmem_shared>>)
    %barrier3A_293 = arith.constant 0 : index
    tpu.barrier barrier_id(%barrier3A_293)
    "tpu.region"() ({
      %run_scoped3A = tpu.sem_alloc : memref<!tpu.dma_semaphore, #tpu.memory_space<semaphore_mem>>
      %dma_start3A_294 = arith.constant 0 : i32
      %dma_start3A_295 = tpu.memref_slice %arg5[%arg0, %mul3A_2, %dma_start3A_294] : memref<2x10240x16xf32, #tpu.memory_space<hbm>> -> memref<1x640x16xf32, #tpu.memory_space<hbm>>
      %dma_start3A_296 = tpu.memref_squeeze %dma_start3A_295 : memref<1x640x16xf32, #tpu.memory_space<hbm>> -> memref<640x16xf32, #tpu.memory_space<hbm>>
      %dma_start3A_297 = arith.constant 0 : i32
      %dma_start3A_298 = tpu.memref_slice %arg21[%mul3A_2, %dma_start3A_297] : memref<10240x16xf32, #tpu.memory_space<vmem_shared>> -> memref<640x16xf32, #tpu.memory_space<vmem_shared>>
      tpu.enqueue_dma source(%dma_start3A_298 : memref<640x16xf32, #tpu.memory_space<vmem_shared>>) target(%dma_start3A_296 : memref<640x16xf32, #tpu.memory_space<hbm>>) target_semaphore(%run_scoped3A : memref<!tpu.dma_semaphore, #tpu.memory_space<semaphore_mem>>)
      %dma_wait3A_299 = arith.constant 0 : i32
      %dma_wait3A_300 = tpu.memref_slice %arg5[%arg0, %mul3A_2, %dma_wait3A_299] : memref<2x10240x16xf32, #tpu.memory_space<hbm>> -> memref<1x640x16xf32, #tpu.memory_space<hbm>>
      %dma_wait3A_301 = tpu.memref_squeeze %dma_wait3A_300 : memref<1x640x16xf32, #tpu.memory_space<hbm>> -> memref<640x16xf32, #tpu.memory_space<hbm>>
      %dma_wait3A_302 = arith.constant 0 : i32
      %dma_wait3A_303 = tpu.memref_slice %arg21[%mul3A_2, %dma_wait3A_302] : memref<10240x16xf32, #tpu.memory_space<vmem_shared>> -> memref<640x16xf32, #tpu.memory_space<vmem_shared>>
      tpu.wait_dma2 semaphore(%run_scoped3A : memref<!tpu.dma_semaphore, #tpu.memory_space<semaphore_mem>>) src(%dma_wait3A_303 : memref<640x16xf32, #tpu.memory_space<vmem_shared>>) dst(%dma_wait3A_301 : memref<640x16xf32, #tpu.memory_space<hbm>>)
      tpu.yield
    }) : () -> ()
    return
  }
}

#map = affine_map<(d0, d1) -> (0, 0)>
#map1 = affine_map<(d0, d1) -> (0, 0, 0)>
module attributes {stable_mosaic.version = 14 : i64} {
  func.func @_agg_kernel(%arg0: i32, %arg1: i32, %arg2: memref<2x320000xi32, #tpu.memory_space<hbm>>, %arg3: memref<10240x16xf32, #tpu.memory_space<hbm>>, %arg4: memref<10240x16xf32, #tpu.memory_space<hbm>>, %arg5: memref<2x10240x16xf32, #tpu.memory_space<hbm>>, %arg6: memref<10000xi32, #tpu.memory_space<vmem>>, %arg7: memref<1000xi32, #tpu.memory_space<vmem>>, %arg8: memref<1000xi32, #tpu.memory_space<vmem>>, %arg9: memref<1000xi32, #tpu.memory_space<vmem>>, %arg10: memref<1000xi32, #tpu.memory_space<vmem>>, %arg11: memref<1000xi32, #tpu.memory_space<vmem>>, %arg12: memref<1000xi32, #tpu.memory_space<vmem>>, %arg13: memref<1000xi32, #tpu.memory_space<vmem>>, %arg14: memref<1000xi32, #tpu.memory_space<vmem>>, %arg15: memref<1000xi32, #tpu.memory_space<vmem>>, %arg16: memref<1000xi32, #tpu.memory_space<vmem>>, %arg17: memref<1000x16xf32, #tpu.memory_space<vmem>>, %arg18: memref<1000x16xf32, #tpu.memory_space<vmem>>, %arg19: memref<1000x16xf32, #tpu.memory_space<vmem>>, %arg20: memref<1000x16xf32, #tpu.memory_space<vmem>>, %arg21: memref<10240x16xf32, #tpu.memory_space<vmem_shared>>, %arg22: memref<!tpu.dma_semaphore, #tpu.memory_space<semaphore_mem>>, %arg23: memref<!tpu.dma_semaphore, #tpu.memory_space<semaphore_mem>>, %arg24: memref<!tpu.dma_semaphore, #tpu.memory_space<semaphore_mem>>, %arg25: memref<!tpu.dma_semaphore, #tpu.memory_space<semaphore_mem>>, %arg26: memref<!tpu.dma_semaphore, #tpu.memory_space<semaphore_mem>>, %arg27: memref<!tpu.dma_semaphore, #tpu.memory_space<semaphore_mem>>, %arg28: memref<!tpu.dma_semaphore, #tpu.memory_space<semaphore_mem>>, %arg29: memref<!tpu.dma_semaphore, #tpu.memory_space<semaphore_mem>>, %arg30: memref<!tpu.dma_semaphore, #tpu.memory_space<semaphore_mem>>) attributes {dimension_semantics = [#tpu.dimension_semantics<core_parallel>, #tpu.dimension_semantics<subcore_parallel>], iteration_bounds = array<i64: 2, 16>, scalar_prefetch = 0 : i64, scratch_operands = 25 : i64, tpu.core_type = #tpu.core_type<sc_vector_subcore>, window_params = [{transform_indices = #map}, {transform_indices = #map}, {transform_indices = #map}, {transform_indices = #map1}]} {
    %mul3A = arith.constant 2 : i32
    %mul3A_0 = arith.muli %arg1, %mul3A : i32
    %add3A = arith.addi %mul3A_0, %arg0 : i32
    %mul3A_1 = arith.constant 640 : i32
    %mul3A_2 = arith.muli %arg1, %mul3A_1 : i32
    %mul3A_3 = arith.constant 10000 : i32
    %mul3A_4 = arith.muli %add3A, %mul3A_3 : i32
    %dma_start3A = arith.constant 0 : i32
    %dma_start3A_5 = tpu.memref_slice %arg2[%dma_start3A, %mul3A_4] : memref<2x320000xi32, #tpu.memory_space<hbm>> -> memref<1x10000xi32, #tpu.memory_space<hbm>>
    %dma_start3A_6 = tpu.memref_squeeze %dma_start3A_5 : memref<1x10000xi32, #tpu.memory_space<hbm>> -> memref<10000xi32, #tpu.memory_space<hbm>>
    %dma_start3A_7 = tpu.memref_slice %arg2[%dma_start3A, %mul3A_4] : memref<2x320000xi32, #tpu.memory_space<hbm>> -> memref<1x10000xi32, #tpu.memory_space<hbm>>
    %dma_start3A_8 = tpu.memref_squeeze %dma_start3A_7 : memref<1x10000xi32, #tpu.memory_space<hbm>> -> memref<10000xi32, #tpu.memory_space<hbm>>
    tpu.enqueue_dma source(%dma_start3A_8 : memref<10000xi32, #tpu.memory_space<hbm>>) target(%arg6 : memref<10000xi32, #tpu.memory_space<vmem>>) target_semaphore(%arg22 : memref<!tpu.dma_semaphore, #tpu.memory_space<semaphore_mem>>)
    %add3A_9 = arith.constant 0 : i32
    %add3A_10 = arith.addi %mul3A_4, %add3A_9 : i32
    %dma_start3A_11 = arith.constant 1 : i32
    %dma_start3A_12 = tpu.memref_slice %arg2[%dma_start3A_11, %add3A_10] : memref<2x320000xi32, #tpu.memory_space<hbm>> -> memref<1x1000xi32, #tpu.memory_space<hbm>>
    %dma_start3A_13 = tpu.memref_squeeze %dma_start3A_12 : memref<1x1000xi32, #tpu.memory_space<hbm>> -> memref<1000xi32, #tpu.memory_space<hbm>>
    %dma_start3A_14 = tpu.memref_slice %arg2[%dma_start3A_11, %add3A_10] : memref<2x320000xi32, #tpu.memory_space<hbm>> -> memref<1x1000xi32, #tpu.memory_space<hbm>>
    %dma_start3A_15 = tpu.memref_squeeze %dma_start3A_14 : memref<1x1000xi32, #tpu.memory_space<hbm>> -> memref<1000xi32, #tpu.memory_space<hbm>>
    tpu.enqueue_dma source(%dma_start3A_15 : memref<1000xi32, #tpu.memory_space<hbm>>) target(%arg7 : memref<1000xi32, #tpu.memory_space<vmem>>) target_semaphore(%arg22 : memref<!tpu.dma_semaphore, #tpu.memory_space<semaphore_mem>>)
    %add3A_16 = arith.constant 1000 : i32
    %add3A_17 = arith.addi %mul3A_4, %add3A_16 : i32
    %dma_start3A_18 = arith.constant 1 : i32
    %dma_start3A_19 = tpu.memref_slice %arg2[%dma_start3A_18, %add3A_17] : memref<2x320000xi32, #tpu.memory_space<hbm>> -> memref<1x1000xi32, #tpu.memory_space<hbm>>
    %dma_start3A_20 = tpu.memref_squeeze %dma_start3A_19 : memref<1x1000xi32, #tpu.memory_space<hbm>> -> memref<1000xi32, #tpu.memory_space<hbm>>
    %dma_start3A_21 = tpu.memref_slice %arg2[%dma_start3A_18, %add3A_17] : memref<2x320000xi32, #tpu.memory_space<hbm>> -> memref<1x1000xi32, #tpu.memory_space<hbm>>
    %dma_start3A_22 = tpu.memref_squeeze %dma_start3A_21 : memref<1x1000xi32, #tpu.memory_space<hbm>> -> memref<1000xi32, #tpu.memory_space<hbm>>
    tpu.enqueue_dma source(%dma_start3A_22 : memref<1000xi32, #tpu.memory_space<hbm>>) target(%arg8 : memref<1000xi32, #tpu.memory_space<vmem>>) target_semaphore(%arg22 : memref<!tpu.dma_semaphore, #tpu.memory_space<semaphore_mem>>)
    %add3A_23 = arith.constant 2000 : i32
    %add3A_24 = arith.addi %mul3A_4, %add3A_23 : i32
    %dma_start3A_25 = arith.constant 1 : i32
    %dma_start3A_26 = tpu.memref_slice %arg2[%dma_start3A_25, %add3A_24] : memref<2x320000xi32, #tpu.memory_space<hbm>> -> memref<1x1000xi32, #tpu.memory_space<hbm>>
    %dma_start3A_27 = tpu.memref_squeeze %dma_start3A_26 : memref<1x1000xi32, #tpu.memory_space<hbm>> -> memref<1000xi32, #tpu.memory_space<hbm>>
    %dma_start3A_28 = tpu.memref_slice %arg2[%dma_start3A_25, %add3A_24] : memref<2x320000xi32, #tpu.memory_space<hbm>> -> memref<1x1000xi32, #tpu.memory_space<hbm>>
    %dma_start3A_29 = tpu.memref_squeeze %dma_start3A_28 : memref<1x1000xi32, #tpu.memory_space<hbm>> -> memref<1000xi32, #tpu.memory_space<hbm>>
    tpu.enqueue_dma source(%dma_start3A_29 : memref<1000xi32, #tpu.memory_space<hbm>>) target(%arg9 : memref<1000xi32, #tpu.memory_space<vmem>>) target_semaphore(%arg22 : memref<!tpu.dma_semaphore, #tpu.memory_space<semaphore_mem>>)
    %add3A_30 = arith.constant 3000 : i32
    %add3A_31 = arith.addi %mul3A_4, %add3A_30 : i32
    %dma_start3A_32 = arith.constant 1 : i32
    %dma_start3A_33 = tpu.memref_slice %arg2[%dma_start3A_32, %add3A_31] : memref<2x320000xi32, #tpu.memory_space<hbm>> -> memref<1x1000xi32, #tpu.memory_space<hbm>>
    %dma_start3A_34 = tpu.memref_squeeze %dma_start3A_33 : memref<1x1000xi32, #tpu.memory_space<hbm>> -> memref<1000xi32, #tpu.memory_space<hbm>>
    %dma_start3A_35 = tpu.memref_slice %arg2[%dma_start3A_32, %add3A_31] : memref<2x320000xi32, #tpu.memory_space<hbm>> -> memref<1x1000xi32, #tpu.memory_space<hbm>>
    %dma_start3A_36 = tpu.memref_squeeze %dma_start3A_35 : memref<1x1000xi32, #tpu.memory_space<hbm>> -> memref<1000xi32, #tpu.memory_space<hbm>>
    tpu.enqueue_dma source(%dma_start3A_36 : memref<1000xi32, #tpu.memory_space<hbm>>) target(%arg10 : memref<1000xi32, #tpu.memory_space<vmem>>) target_semaphore(%arg22 : memref<!tpu.dma_semaphore, #tpu.memory_space<semaphore_mem>>)
    %add3A_37 = arith.constant 4000 : i32
    %add3A_38 = arith.addi %mul3A_4, %add3A_37 : i32
    %dma_start3A_39 = arith.constant 1 : i32
    %dma_start3A_40 = tpu.memref_slice %arg2[%dma_start3A_39, %add3A_38] : memref<2x320000xi32, #tpu.memory_space<hbm>> -> memref<1x1000xi32, #tpu.memory_space<hbm>>
    %dma_start3A_41 = tpu.memref_squeeze %dma_start3A_40 : memref<1x1000xi32, #tpu.memory_space<hbm>> -> memref<1000xi32, #tpu.memory_space<hbm>>
    %dma_start3A_42 = tpu.memref_slice %arg2[%dma_start3A_39, %add3A_38] : memref<2x320000xi32, #tpu.memory_space<hbm>> -> memref<1x1000xi32, #tpu.memory_space<hbm>>
    %dma_start3A_43 = tpu.memref_squeeze %dma_start3A_42 : memref<1x1000xi32, #tpu.memory_space<hbm>> -> memref<1000xi32, #tpu.memory_space<hbm>>
    tpu.enqueue_dma source(%dma_start3A_43 : memref<1000xi32, #tpu.memory_space<hbm>>) target(%arg11 : memref<1000xi32, #tpu.memory_space<vmem>>) target_semaphore(%arg22 : memref<!tpu.dma_semaphore, #tpu.memory_space<semaphore_mem>>)
    %add3A_44 = arith.constant 5000 : i32
    %add3A_45 = arith.addi %mul3A_4, %add3A_44 : i32
    %dma_start3A_46 = arith.constant 1 : i32
    %dma_start3A_47 = tpu.memref_slice %arg2[%dma_start3A_46, %add3A_45] : memref<2x320000xi32, #tpu.memory_space<hbm>> -> memref<1x1000xi32, #tpu.memory_space<hbm>>
    %dma_start3A_48 = tpu.memref_squeeze %dma_start3A_47 : memref<1x1000xi32, #tpu.memory_space<hbm>> -> memref<1000xi32, #tpu.memory_space<hbm>>
    %dma_start3A_49 = tpu.memref_slice %arg2[%dma_start3A_46, %add3A_45] : memref<2x320000xi32, #tpu.memory_space<hbm>> -> memref<1x1000xi32, #tpu.memory_space<hbm>>
    %dma_start3A_50 = tpu.memref_squeeze %dma_start3A_49 : memref<1x1000xi32, #tpu.memory_space<hbm>> -> memref<1000xi32, #tpu.memory_space<hbm>>
    tpu.enqueue_dma source(%dma_start3A_50 : memref<1000xi32, #tpu.memory_space<hbm>>) target(%arg12 : memref<1000xi32, #tpu.memory_space<vmem>>) target_semaphore(%arg22 : memref<!tpu.dma_semaphore, #tpu.memory_space<semaphore_mem>>)
    %add3A_51 = arith.constant 6000 : i32
    %add3A_52 = arith.addi %mul3A_4, %add3A_51 : i32
    %dma_start3A_53 = arith.constant 1 : i32
    %dma_start3A_54 = tpu.memref_slice %arg2[%dma_start3A_53, %add3A_52] : memref<2x320000xi32, #tpu.memory_space<hbm>> -> memref<1x1000xi32, #tpu.memory_space<hbm>>
    %dma_start3A_55 = tpu.memref_squeeze %dma_start3A_54 : memref<1x1000xi32, #tpu.memory_space<hbm>> -> memref<1000xi32, #tpu.memory_space<hbm>>
    %dma_start3A_56 = tpu.memref_slice %arg2[%dma_start3A_53, %add3A_52] : memref<2x320000xi32, #tpu.memory_space<hbm>> -> memref<1x1000xi32, #tpu.memory_space<hbm>>
    %dma_start3A_57 = tpu.memref_squeeze %dma_start3A_56 : memref<1x1000xi32, #tpu.memory_space<hbm>> -> memref<1000xi32, #tpu.memory_space<hbm>>
    tpu.enqueue_dma source(%dma_start3A_57 : memref<1000xi32, #tpu.memory_space<hbm>>) target(%arg13 : memref<1000xi32, #tpu.memory_space<vmem>>) target_semaphore(%arg22 : memref<!tpu.dma_semaphore, #tpu.memory_space<semaphore_mem>>)
    %add3A_58 = arith.constant 7000 : i32
    %add3A_59 = arith.addi %mul3A_4, %add3A_58 : i32
    %dma_start3A_60 = arith.constant 1 : i32
    %dma_start3A_61 = tpu.memref_slice %arg2[%dma_start3A_60, %add3A_59] : memref<2x320000xi32, #tpu.memory_space<hbm>> -> memref<1x1000xi32, #tpu.memory_space<hbm>>
    %dma_start3A_62 = tpu.memref_squeeze %dma_start3A_61 : memref<1x1000xi32, #tpu.memory_space<hbm>> -> memref<1000xi32, #tpu.memory_space<hbm>>
    %dma_start3A_63 = tpu.memref_slice %arg2[%dma_start3A_60, %add3A_59] : memref<2x320000xi32, #tpu.memory_space<hbm>> -> memref<1x1000xi32, #tpu.memory_space<hbm>>
    %dma_start3A_64 = tpu.memref_squeeze %dma_start3A_63 : memref<1x1000xi32, #tpu.memory_space<hbm>> -> memref<1000xi32, #tpu.memory_space<hbm>>
    tpu.enqueue_dma source(%dma_start3A_64 : memref<1000xi32, #tpu.memory_space<hbm>>) target(%arg14 : memref<1000xi32, #tpu.memory_space<vmem>>) target_semaphore(%arg22 : memref<!tpu.dma_semaphore, #tpu.memory_space<semaphore_mem>>)
    %add3A_65 = arith.constant 8000 : i32
    %add3A_66 = arith.addi %mul3A_4, %add3A_65 : i32
    %dma_start3A_67 = arith.constant 1 : i32
    %dma_start3A_68 = tpu.memref_slice %arg2[%dma_start3A_67, %add3A_66] : memref<2x320000xi32, #tpu.memory_space<hbm>> -> memref<1x1000xi32, #tpu.memory_space<hbm>>
    %dma_start3A_69 = tpu.memref_squeeze %dma_start3A_68 : memref<1x1000xi32, #tpu.memory_space<hbm>> -> memref<1000xi32, #tpu.memory_space<hbm>>
    %dma_start3A_70 = tpu.memref_slice %arg2[%dma_start3A_67, %add3A_66] : memref<2x320000xi32, #tpu.memory_space<hbm>> -> memref<1x1000xi32, #tpu.memory_space<hbm>>
    %dma_start3A_71 = tpu.memref_squeeze %dma_start3A_70 : memref<1x1000xi32, #tpu.memory_space<hbm>> -> memref<1000xi32, #tpu.memory_space<hbm>>
    tpu.enqueue_dma source(%dma_start3A_71 : memref<1000xi32, #tpu.memory_space<hbm>>) target(%arg15 : memref<1000xi32, #tpu.memory_space<vmem>>) target_semaphore(%arg22 : memref<!tpu.dma_semaphore, #tpu.memory_space<semaphore_mem>>)
    %add3A_72 = arith.constant 9000 : i32
    %add3A_73 = arith.addi %mul3A_4, %add3A_72 : i32
    %dma_start3A_74 = arith.constant 1 : i32
    %dma_start3A_75 = tpu.memref_slice %arg2[%dma_start3A_74, %add3A_73] : memref<2x320000xi32, #tpu.memory_space<hbm>> -> memref<1x1000xi32, #tpu.memory_space<hbm>>
    %dma_start3A_76 = tpu.memref_squeeze %dma_start3A_75 : memref<1x1000xi32, #tpu.memory_space<hbm>> -> memref<1000xi32, #tpu.memory_space<hbm>>
    %dma_start3A_77 = tpu.memref_slice %arg2[%dma_start3A_74, %add3A_73] : memref<2x320000xi32, #tpu.memory_space<hbm>> -> memref<1x1000xi32, #tpu.memory_space<hbm>>
    %dma_start3A_78 = tpu.memref_squeeze %dma_start3A_77 : memref<1x1000xi32, #tpu.memory_space<hbm>> -> memref<1000xi32, #tpu.memory_space<hbm>>
    tpu.enqueue_dma source(%dma_start3A_78 : memref<1000xi32, #tpu.memory_space<hbm>>) target(%arg16 : memref<1000xi32, #tpu.memory_space<vmem>>) target_semaphore(%arg22 : memref<!tpu.dma_semaphore, #tpu.memory_space<semaphore_mem>>)
    "tpu.region"() ({
      %run_scoped3A = tpu.sem_alloc : memref<!tpu.dma_semaphore, #tpu.memory_space<semaphore_mem>>
      %dma_start3A_294 = arith.constant 0 : i32
      %dma_start3A_295 = tpu.memref_slice %arg21[%mul3A_2, %dma_start3A_294] : memref<10240x16xf32, #tpu.memory_space<vmem_shared>> -> memref<640x16xf32, #tpu.memory_space<vmem_shared>>
      %dma_start3A_296 = arith.constant 0 : i32
      %dma_start3A_297 = tpu.memref_slice %arg4[%mul3A_2, %dma_start3A_296] : memref<10240x16xf32, #tpu.memory_space<hbm>> -> memref<640x16xf32, #tpu.memory_space<hbm>>
      tpu.enqueue_dma source(%dma_start3A_297 : memref<640x16xf32, #tpu.memory_space<hbm>>) target(%dma_start3A_295 : memref<640x16xf32, #tpu.memory_space<vmem_shared>>) target_semaphore(%run_scoped3A : memref<!tpu.dma_semaphore, #tpu.memory_space<semaphore_mem>>)
      %dma_wait3A_298 = arith.constant 0 : i32
      %dma_wait3A_299 = tpu.memref_slice %arg21[%mul3A_2, %dma_wait3A_298] : memref<10240x16xf32, #tpu.memory_space<vmem_shared>> -> memref<640x16xf32, #tpu.memory_space<vmem_shared>>
      %dma_wait3A_300 = arith.constant 0 : i32
      %dma_wait3A_301 = tpu.memref_slice %arg4[%mul3A_2, %dma_wait3A_300] : memref<10240x16xf32, #tpu.memory_space<hbm>> -> memref<640x16xf32, #tpu.memory_space<hbm>>
      tpu.wait_dma2 semaphore(%run_scoped3A : memref<!tpu.dma_semaphore, #tpu.memory_space<semaphore_mem>>) src(%dma_wait3A_301 : memref<640x16xf32, #tpu.memory_space<hbm>>) dst(%dma_wait3A_299 : memref<640x16xf32, #tpu.memory_space<vmem_shared>>)
      tpu.yield
    }) : () -> ()
    %dma_wait3A = arith.constant 0 : i32
    %dma_wait3A_79 = tpu.memref_slice %arg2[%dma_wait3A, %mul3A_4] : memref<2x320000xi32, #tpu.memory_space<hbm>> -> memref<1x10000xi32, #tpu.memory_space<hbm>>
    %dma_wait3A_80 = tpu.memref_squeeze %dma_wait3A_79 : memref<1x10000xi32, #tpu.memory_space<hbm>> -> memref<10000xi32, #tpu.memory_space<hbm>>
    %dma_wait3A_81 = tpu.memref_slice %arg2[%dma_wait3A, %mul3A_4] : memref<2x320000xi32, #tpu.memory_space<hbm>> -> memref<1x10000xi32, #tpu.memory_space<hbm>>
    %dma_wait3A_82 = tpu.memref_squeeze %dma_wait3A_81 : memref<1x10000xi32, #tpu.memory_space<hbm>> -> memref<10000xi32, #tpu.memory_space<hbm>>
    tpu.wait_dma2 semaphore(%arg22 : memref<!tpu.dma_semaphore, #tpu.memory_space<semaphore_mem>>) src(%dma_wait3A_82 : memref<10000xi32, #tpu.memory_space<hbm>>) dst(%arg6 : memref<10000xi32, #tpu.memory_space<vmem>>)
    %dma_wait3A_83 = arith.constant 1 : i32
    %dma_wait3A_84 = tpu.memref_slice %arg2[%dma_wait3A_83, %add3A_10] : memref<2x320000xi32, #tpu.memory_space<hbm>> -> memref<1x1000xi32, #tpu.memory_space<hbm>>
    %dma_wait3A_85 = tpu.memref_squeeze %dma_wait3A_84 : memref<1x1000xi32, #tpu.memory_space<hbm>> -> memref<1000xi32, #tpu.memory_space<hbm>>
    %dma_wait3A_86 = tpu.memref_slice %arg2[%dma_wait3A_83, %add3A_10] : memref<2x320000xi32, #tpu.memory_space<hbm>> -> memref<1x1000xi32, #tpu.memory_space<hbm>>
    %dma_wait3A_87 = tpu.memref_squeeze %dma_wait3A_86 : memref<1x1000xi32, #tpu.memory_space<hbm>> -> memref<1000xi32, #tpu.memory_space<hbm>>
    tpu.wait_dma2 semaphore(%arg22 : memref<!tpu.dma_semaphore, #tpu.memory_space<semaphore_mem>>) src(%dma_wait3A_87 : memref<1000xi32, #tpu.memory_space<hbm>>) dst(%arg7 : memref<1000xi32, #tpu.memory_space<vmem>>)
    %dma_wait3A_88 = arith.constant 1 : i32
    %dma_wait3A_89 = tpu.memref_slice %arg2[%dma_wait3A_88, %add3A_17] : memref<2x320000xi32, #tpu.memory_space<hbm>> -> memref<1x1000xi32, #tpu.memory_space<hbm>>
    %dma_wait3A_90 = tpu.memref_squeeze %dma_wait3A_89 : memref<1x1000xi32, #tpu.memory_space<hbm>> -> memref<1000xi32, #tpu.memory_space<hbm>>
    %dma_wait3A_91 = tpu.memref_slice %arg2[%dma_wait3A_88, %add3A_17] : memref<2x320000xi32, #tpu.memory_space<hbm>> -> memref<1x1000xi32, #tpu.memory_space<hbm>>
    %dma_wait3A_92 = tpu.memref_squeeze %dma_wait3A_91 : memref<1x1000xi32, #tpu.memory_space<hbm>> -> memref<1000xi32, #tpu.memory_space<hbm>>
    tpu.wait_dma2 semaphore(%arg22 : memref<!tpu.dma_semaphore, #tpu.memory_space<semaphore_mem>>) src(%dma_wait3A_92 : memref<1000xi32, #tpu.memory_space<hbm>>) dst(%arg8 : memref<1000xi32, #tpu.memory_space<vmem>>)
    %dma_wait3A_93 = arith.constant 1 : i32
    %dma_wait3A_94 = tpu.memref_slice %arg2[%dma_wait3A_93, %add3A_24] : memref<2x320000xi32, #tpu.memory_space<hbm>> -> memref<1x1000xi32, #tpu.memory_space<hbm>>
    %dma_wait3A_95 = tpu.memref_squeeze %dma_wait3A_94 : memref<1x1000xi32, #tpu.memory_space<hbm>> -> memref<1000xi32, #tpu.memory_space<hbm>>
    %dma_wait3A_96 = tpu.memref_slice %arg2[%dma_wait3A_93, %add3A_24] : memref<2x320000xi32, #tpu.memory_space<hbm>> -> memref<1x1000xi32, #tpu.memory_space<hbm>>
    %dma_wait3A_97 = tpu.memref_squeeze %dma_wait3A_96 : memref<1x1000xi32, #tpu.memory_space<hbm>> -> memref<1000xi32, #tpu.memory_space<hbm>>
    tpu.wait_dma2 semaphore(%arg22 : memref<!tpu.dma_semaphore, #tpu.memory_space<semaphore_mem>>) src(%dma_wait3A_97 : memref<1000xi32, #tpu.memory_space<hbm>>) dst(%arg9 : memref<1000xi32, #tpu.memory_space<vmem>>)
    %dma_wait3A_98 = arith.constant 1 : i32
    %dma_wait3A_99 = tpu.memref_slice %arg2[%dma_wait3A_98, %add3A_31] : memref<2x320000xi32, #tpu.memory_space<hbm>> -> memref<1x1000xi32, #tpu.memory_space<hbm>>
    %dma_wait3A_100 = tpu.memref_squeeze %dma_wait3A_99 : memref<1x1000xi32, #tpu.memory_space<hbm>> -> memref<1000xi32, #tpu.memory_space<hbm>>
    %dma_wait3A_101 = tpu.memref_slice %arg2[%dma_wait3A_98, %add3A_31] : memref<2x320000xi32, #tpu.memory_space<hbm>> -> memref<1x1000xi32, #tpu.memory_space<hbm>>
    %dma_wait3A_102 = tpu.memref_squeeze %dma_wait3A_101 : memref<1x1000xi32, #tpu.memory_space<hbm>> -> memref<1000xi32, #tpu.memory_space<hbm>>
    tpu.wait_dma2 semaphore(%arg22 : memref<!tpu.dma_semaphore, #tpu.memory_space<semaphore_mem>>) src(%dma_wait3A_102 : memref<1000xi32, #tpu.memory_space<hbm>>) dst(%arg10 : memref<1000xi32, #tpu.memory_space<vmem>>)
    %dma_wait3A_103 = arith.constant 1 : i32
    %dma_wait3A_104 = tpu.memref_slice %arg2[%dma_wait3A_103, %add3A_38] : memref<2x320000xi32, #tpu.memory_space<hbm>> -> memref<1x1000xi32, #tpu.memory_space<hbm>>
    %dma_wait3A_105 = tpu.memref_squeeze %dma_wait3A_104 : memref<1x1000xi32, #tpu.memory_space<hbm>> -> memref<1000xi32, #tpu.memory_space<hbm>>
    %dma_wait3A_106 = tpu.memref_slice %arg2[%dma_wait3A_103, %add3A_38] : memref<2x320000xi32, #tpu.memory_space<hbm>> -> memref<1x1000xi32, #tpu.memory_space<hbm>>
    %dma_wait3A_107 = tpu.memref_squeeze %dma_wait3A_106 : memref<1x1000xi32, #tpu.memory_space<hbm>> -> memref<1000xi32, #tpu.memory_space<hbm>>
    tpu.wait_dma2 semaphore(%arg22 : memref<!tpu.dma_semaphore, #tpu.memory_space<semaphore_mem>>) src(%dma_wait3A_107 : memref<1000xi32, #tpu.memory_space<hbm>>) dst(%arg11 : memref<1000xi32, #tpu.memory_space<vmem>>)
    %dma_wait3A_108 = arith.constant 1 : i32
    %dma_wait3A_109 = tpu.memref_slice %arg2[%dma_wait3A_108, %add3A_45] : memref<2x320000xi32, #tpu.memory_space<hbm>> -> memref<1x1000xi32, #tpu.memory_space<hbm>>
    %dma_wait3A_110 = tpu.memref_squeeze %dma_wait3A_109 : memref<1x1000xi32, #tpu.memory_space<hbm>> -> memref<1000xi32, #tpu.memory_space<hbm>>
    %dma_wait3A_111 = tpu.memref_slice %arg2[%dma_wait3A_108, %add3A_45] : memref<2x320000xi32, #tpu.memory_space<hbm>> -> memref<1x1000xi32, #tpu.memory_space<hbm>>
    %dma_wait3A_112 = tpu.memref_squeeze %dma_wait3A_111 : memref<1x1000xi32, #tpu.memory_space<hbm>> -> memref<1000xi32, #tpu.memory_space<hbm>>
    tpu.wait_dma2 semaphore(%arg22 : memref<!tpu.dma_semaphore, #tpu.memory_space<semaphore_mem>>) src(%dma_wait3A_112 : memref<1000xi32, #tpu.memory_space<hbm>>) dst(%arg12 : memref<1000xi32, #tpu.memory_space<vmem>>)
    %dma_wait3A_113 = arith.constant 1 : i32
    %dma_wait3A_114 = tpu.memref_slice %arg2[%dma_wait3A_113, %add3A_52] : memref<2x320000xi32, #tpu.memory_space<hbm>> -> memref<1x1000xi32, #tpu.memory_space<hbm>>
    %dma_wait3A_115 = tpu.memref_squeeze %dma_wait3A_114 : memref<1x1000xi32, #tpu.memory_space<hbm>> -> memref<1000xi32, #tpu.memory_space<hbm>>
    %dma_wait3A_116 = tpu.memref_slice %arg2[%dma_wait3A_113, %add3A_52] : memref<2x320000xi32, #tpu.memory_space<hbm>> -> memref<1x1000xi32, #tpu.memory_space<hbm>>
    %dma_wait3A_117 = tpu.memref_squeeze %dma_wait3A_116 : memref<1x1000xi32, #tpu.memory_space<hbm>> -> memref<1000xi32, #tpu.memory_space<hbm>>
    tpu.wait_dma2 semaphore(%arg22 : memref<!tpu.dma_semaphore, #tpu.memory_space<semaphore_mem>>) src(%dma_wait3A_117 : memref<1000xi32, #tpu.memory_space<hbm>>) dst(%arg13 : memref<1000xi32, #tpu.memory_space<vmem>>)
    %dma_wait3A_118 = arith.constant 1 : i32
    %dma_wait3A_119 = tpu.memref_slice %arg2[%dma_wait3A_118, %add3A_59] : memref<2x320000xi32, #tpu.memory_space<hbm>> -> memref<1x1000xi32, #tpu.memory_space<hbm>>
    %dma_wait3A_120 = tpu.memref_squeeze %dma_wait3A_119 : memref<1x1000xi32, #tpu.memory_space<hbm>> -> memref<1000xi32, #tpu.memory_space<hbm>>
    %dma_wait3A_121 = tpu.memref_slice %arg2[%dma_wait3A_118, %add3A_59] : memref<2x320000xi32, #tpu.memory_space<hbm>> -> memref<1x1000xi32, #tpu.memory_space<hbm>>
    %dma_wait3A_122 = tpu.memref_squeeze %dma_wait3A_121 : memref<1x1000xi32, #tpu.memory_space<hbm>> -> memref<1000xi32, #tpu.memory_space<hbm>>
    tpu.wait_dma2 semaphore(%arg22 : memref<!tpu.dma_semaphore, #tpu.memory_space<semaphore_mem>>) src(%dma_wait3A_122 : memref<1000xi32, #tpu.memory_space<hbm>>) dst(%arg14 : memref<1000xi32, #tpu.memory_space<vmem>>)
    %dma_wait3A_123 = arith.constant 1 : i32
    %dma_wait3A_124 = tpu.memref_slice %arg2[%dma_wait3A_123, %add3A_66] : memref<2x320000xi32, #tpu.memory_space<hbm>> -> memref<1x1000xi32, #tpu.memory_space<hbm>>
    %dma_wait3A_125 = tpu.memref_squeeze %dma_wait3A_124 : memref<1x1000xi32, #tpu.memory_space<hbm>> -> memref<1000xi32, #tpu.memory_space<hbm>>
    %dma_wait3A_126 = tpu.memref_slice %arg2[%dma_wait3A_123, %add3A_66] : memref<2x320000xi32, #tpu.memory_space<hbm>> -> memref<1x1000xi32, #tpu.memory_space<hbm>>
    %dma_wait3A_127 = tpu.memref_squeeze %dma_wait3A_126 : memref<1x1000xi32, #tpu.memory_space<hbm>> -> memref<1000xi32, #tpu.memory_space<hbm>>
    tpu.wait_dma2 semaphore(%arg22 : memref<!tpu.dma_semaphore, #tpu.memory_space<semaphore_mem>>) src(%dma_wait3A_127 : memref<1000xi32, #tpu.memory_space<hbm>>) dst(%arg15 : memref<1000xi32, #tpu.memory_space<vmem>>)
    %dma_wait3A_128 = arith.constant 1 : i32
    %dma_wait3A_129 = tpu.memref_slice %arg2[%dma_wait3A_128, %add3A_73] : memref<2x320000xi32, #tpu.memory_space<hbm>> -> memref<1x1000xi32, #tpu.memory_space<hbm>>
    %dma_wait3A_130 = tpu.memref_squeeze %dma_wait3A_129 : memref<1x1000xi32, #tpu.memory_space<hbm>> -> memref<1000xi32, #tpu.memory_space<hbm>>
    %dma_wait3A_131 = tpu.memref_slice %arg2[%dma_wait3A_128, %add3A_73] : memref<2x320000xi32, #tpu.memory_space<hbm>> -> memref<1x1000xi32, #tpu.memory_space<hbm>>
    %dma_wait3A_132 = tpu.memref_squeeze %dma_wait3A_131 : memref<1x1000xi32, #tpu.memory_space<hbm>> -> memref<1000xi32, #tpu.memory_space<hbm>>
    tpu.wait_dma2 semaphore(%arg22 : memref<!tpu.dma_semaphore, #tpu.memory_space<semaphore_mem>>) src(%dma_wait3A_132 : memref<1000xi32, #tpu.memory_space<hbm>>) dst(%arg16 : memref<1000xi32, #tpu.memory_space<vmem>>)
    %barrier3A = arith.constant 0 : index
    tpu.barrier barrier_id(%barrier3A)
    %dma_start3A_133 = arith.constant 0 : i32
    %dma_start3A_134 = tpu.memref_slice %arg6[%dma_start3A_133] : memref<10000xi32, #tpu.memory_space<vmem>> -> memref<1000xi32, #tpu.memory_space<vmem>>
    %dma_start3A_135 = arith.constant 0 : i32
    %dma_start3A_136 = arith.constant 0 : i32
    %dma_start3A_137 = tpu.memref_slice %arg3[%dma_start3A_135, %dma_start3A_136] : memref<10240x16xf32, #tpu.memory_space<hbm>> -> memref<10240x16xf32, #tpu.memory_space<hbm>>
    tpu.enqueue_indirect_dma source(%dma_start3A_137 : memref<10240x16xf32, #tpu.memory_space<hbm>>) target(%arg17 : memref<1000x16xf32, #tpu.memory_space<vmem>>) offsets(%dma_start3A_134 : memref<1000xi32, #tpu.memory_space<vmem>>) semaphore(%arg23 : memref<!tpu.dma_semaphore, #tpu.memory_space<semaphore_mem>>)
    %dma_start3A_138 = arith.constant 1000 : i32
    %dma_start3A_139 = tpu.memref_slice %arg6[%dma_start3A_138] : memref<10000xi32, #tpu.memory_space<vmem>> -> memref<1000xi32, #tpu.memory_space<vmem>>
    %dma_start3A_140 = arith.constant 0 : i32
    %dma_start3A_141 = arith.constant 0 : i32
    %dma_start3A_142 = tpu.memref_slice %arg3[%dma_start3A_140, %dma_start3A_141] : memref<10240x16xf32, #tpu.memory_space<hbm>> -> memref<10240x16xf32, #tpu.memory_space<hbm>>
    tpu.enqueue_indirect_dma source(%dma_start3A_142 : memref<10240x16xf32, #tpu.memory_space<hbm>>) target(%arg18 : memref<1000x16xf32, #tpu.memory_space<vmem>>) offsets(%dma_start3A_139 : memref<1000xi32, #tpu.memory_space<vmem>>) semaphore(%arg24 : memref<!tpu.dma_semaphore, #tpu.memory_space<semaphore_mem>>)
    %dma_start3A_143 = arith.constant 2000 : i32
    %dma_start3A_144 = tpu.memref_slice %arg6[%dma_start3A_143] : memref<10000xi32, #tpu.memory_space<vmem>> -> memref<1000xi32, #tpu.memory_space<vmem>>
    %dma_start3A_145 = arith.constant 0 : i32
    %dma_start3A_146 = arith.constant 0 : i32
    %dma_start3A_147 = tpu.memref_slice %arg3[%dma_start3A_145, %dma_start3A_146] : memref<10240x16xf32, #tpu.memory_space<hbm>> -> memref<10240x16xf32, #tpu.memory_space<hbm>>
    tpu.enqueue_indirect_dma source(%dma_start3A_147 : memref<10240x16xf32, #tpu.memory_space<hbm>>) target(%arg19 : memref<1000x16xf32, #tpu.memory_space<vmem>>) offsets(%dma_start3A_144 : memref<1000xi32, #tpu.memory_space<vmem>>) semaphore(%arg25 : memref<!tpu.dma_semaphore, #tpu.memory_space<semaphore_mem>>)
    %dma_start3A_148 = arith.constant 3000 : i32
    %dma_start3A_149 = tpu.memref_slice %arg6[%dma_start3A_148] : memref<10000xi32, #tpu.memory_space<vmem>> -> memref<1000xi32, #tpu.memory_space<vmem>>
    %dma_start3A_150 = arith.constant 0 : i32
    %dma_start3A_151 = arith.constant 0 : i32
    %dma_start3A_152 = tpu.memref_slice %arg3[%dma_start3A_150, %dma_start3A_151] : memref<10240x16xf32, #tpu.memory_space<hbm>> -> memref<10240x16xf32, #tpu.memory_space<hbm>>
    tpu.enqueue_indirect_dma source(%dma_start3A_152 : memref<10240x16xf32, #tpu.memory_space<hbm>>) target(%arg20 : memref<1000x16xf32, #tpu.memory_space<vmem>>) offsets(%dma_start3A_149 : memref<1000xi32, #tpu.memory_space<vmem>>) semaphore(%arg26 : memref<!tpu.dma_semaphore, #tpu.memory_space<semaphore_mem>>)
    %dma_wait3A_153 = arith.constant 0 : i32
    %dma_wait3A_154 = tpu.memref_slice %arg6[%dma_wait3A_153] : memref<10000xi32, #tpu.memory_space<vmem>> -> memref<1000xi32, #tpu.memory_space<vmem>>
    %dma_wait3A_155 = arith.constant 0 : i32
    %dma_wait3A_156 = arith.constant 0 : i32
    %dma_wait3A_157 = tpu.memref_slice %arg3[%dma_wait3A_155, %dma_wait3A_156] : memref<10240x16xf32, #tpu.memory_space<hbm>> -> memref<10240x16xf32, #tpu.memory_space<hbm>>
    tpu.wait_indirect_dma semaphore(%arg23 : memref<!tpu.dma_semaphore, #tpu.memory_space<semaphore_mem>>) src(%dma_wait3A_157 : memref<10240x16xf32, #tpu.memory_space<hbm>>) dst(%arg17 : memref<1000x16xf32, #tpu.memory_space<vmem>>)
    %dma_start3A_158 = arith.constant 0 : i32
    %dma_start3A_159 = arith.constant 0 : i32
    %dma_start3A_160 = tpu.memref_slice %arg21[%dma_start3A_158, %dma_start3A_159] : memref<10240x16xf32, #tpu.memory_space<vmem_shared>> -> memref<10240x16xf32, #tpu.memory_space<vmem_shared>>
    tpu.enqueue_indirect_dma source(%arg17 : memref<1000x16xf32, #tpu.memory_space<vmem>>) target(%dma_start3A_160 : memref<10240x16xf32, #tpu.memory_space<vmem_shared>>) offsets(%arg7 : memref<1000xi32, #tpu.memory_space<vmem>>) semaphore(%arg27 : memref<!tpu.dma_semaphore, #tpu.memory_space<semaphore_mem>>) {add = true}
    %dma_wait3A_161 = arith.constant 0 : i32
    %dma_wait3A_162 = arith.constant 0 : i32
    %dma_wait3A_163 = tpu.memref_slice %arg21[%dma_wait3A_161, %dma_wait3A_162] : memref<10240x16xf32, #tpu.memory_space<vmem_shared>> -> memref<10240x16xf32, #tpu.memory_space<vmem_shared>>
    tpu.wait_indirect_dma semaphore(%arg27 : memref<!tpu.dma_semaphore, #tpu.memory_space<semaphore_mem>>) src(%arg17 : memref<1000x16xf32, #tpu.memory_space<vmem>>) dst(%dma_wait3A_163 : memref<10240x16xf32, #tpu.memory_space<vmem_shared>>)
    %dma_start3A_164 = arith.constant 4000 : i32
    %dma_start3A_165 = tpu.memref_slice %arg6[%dma_start3A_164] : memref<10000xi32, #tpu.memory_space<vmem>> -> memref<1000xi32, #tpu.memory_space<vmem>>
    %dma_start3A_166 = arith.constant 0 : i32
    %dma_start3A_167 = arith.constant 0 : i32
    %dma_start3A_168 = tpu.memref_slice %arg3[%dma_start3A_166, %dma_start3A_167] : memref<10240x16xf32, #tpu.memory_space<hbm>> -> memref<10240x16xf32, #tpu.memory_space<hbm>>
    tpu.enqueue_indirect_dma source(%dma_start3A_168 : memref<10240x16xf32, #tpu.memory_space<hbm>>) target(%arg17 : memref<1000x16xf32, #tpu.memory_space<vmem>>) offsets(%dma_start3A_165 : memref<1000xi32, #tpu.memory_space<vmem>>) semaphore(%arg23 : memref<!tpu.dma_semaphore, #tpu.memory_space<semaphore_mem>>)
    %dma_wait3A_169 = arith.constant 1000 : i32
    %dma_wait3A_170 = tpu.memref_slice %arg6[%dma_wait3A_169] : memref<10000xi32, #tpu.memory_space<vmem>> -> memref<1000xi32, #tpu.memory_space<vmem>>
    %dma_wait3A_171 = arith.constant 0 : i32
    %dma_wait3A_172 = arith.constant 0 : i32
    %dma_wait3A_173 = tpu.memref_slice %arg3[%dma_wait3A_171, %dma_wait3A_172] : memref<10240x16xf32, #tpu.memory_space<hbm>> -> memref<10240x16xf32, #tpu.memory_space<hbm>>
    tpu.wait_indirect_dma semaphore(%arg24 : memref<!tpu.dma_semaphore, #tpu.memory_space<semaphore_mem>>) src(%dma_wait3A_173 : memref<10240x16xf32, #tpu.memory_space<hbm>>) dst(%arg18 : memref<1000x16xf32, #tpu.memory_space<vmem>>)
    %dma_start3A_174 = arith.constant 0 : i32
    %dma_start3A_175 = arith.constant 0 : i32
    %dma_start3A_176 = tpu.memref_slice %arg21[%dma_start3A_174, %dma_start3A_175] : memref<10240x16xf32, #tpu.memory_space<vmem_shared>> -> memref<10240x16xf32, #tpu.memory_space<vmem_shared>>
    tpu.enqueue_indirect_dma source(%arg18 : memref<1000x16xf32, #tpu.memory_space<vmem>>) target(%dma_start3A_176 : memref<10240x16xf32, #tpu.memory_space<vmem_shared>>) offsets(%arg8 : memref<1000xi32, #tpu.memory_space<vmem>>) semaphore(%arg28 : memref<!tpu.dma_semaphore, #tpu.memory_space<semaphore_mem>>) {add = true}
    %dma_wait3A_177 = arith.constant 0 : i32
    %dma_wait3A_178 = arith.constant 0 : i32
    %dma_wait3A_179 = tpu.memref_slice %arg21[%dma_wait3A_177, %dma_wait3A_178] : memref<10240x16xf32, #tpu.memory_space<vmem_shared>> -> memref<10240x16xf32, #tpu.memory_space<vmem_shared>>
    tpu.wait_indirect_dma semaphore(%arg28 : memref<!tpu.dma_semaphore, #tpu.memory_space<semaphore_mem>>) src(%arg18 : memref<1000x16xf32, #tpu.memory_space<vmem>>) dst(%dma_wait3A_179 : memref<10240x16xf32, #tpu.memory_space<vmem_shared>>)
    %dma_start3A_180 = arith.constant 5000 : i32
    %dma_start3A_181 = tpu.memref_slice %arg6[%dma_start3A_180] : memref<10000xi32, #tpu.memory_space<vmem>> -> memref<1000xi32, #tpu.memory_space<vmem>>
    %dma_start3A_182 = arith.constant 0 : i32
    %dma_start3A_183 = arith.constant 0 : i32
    %dma_start3A_184 = tpu.memref_slice %arg3[%dma_start3A_182, %dma_start3A_183] : memref<10240x16xf32, #tpu.memory_space<hbm>> -> memref<10240x16xf32, #tpu.memory_space<hbm>>
    tpu.enqueue_indirect_dma source(%dma_start3A_184 : memref<10240x16xf32, #tpu.memory_space<hbm>>) target(%arg18 : memref<1000x16xf32, #tpu.memory_space<vmem>>) offsets(%dma_start3A_181 : memref<1000xi32, #tpu.memory_space<vmem>>) semaphore(%arg24 : memref<!tpu.dma_semaphore, #tpu.memory_space<semaphore_mem>>)
    %dma_wait3A_185 = arith.constant 2000 : i32
    %dma_wait3A_186 = tpu.memref_slice %arg6[%dma_wait3A_185] : memref<10000xi32, #tpu.memory_space<vmem>> -> memref<1000xi32, #tpu.memory_space<vmem>>
    %dma_wait3A_187 = arith.constant 0 : i32
    %dma_wait3A_188 = arith.constant 0 : i32
    %dma_wait3A_189 = tpu.memref_slice %arg3[%dma_wait3A_187, %dma_wait3A_188] : memref<10240x16xf32, #tpu.memory_space<hbm>> -> memref<10240x16xf32, #tpu.memory_space<hbm>>
    tpu.wait_indirect_dma semaphore(%arg25 : memref<!tpu.dma_semaphore, #tpu.memory_space<semaphore_mem>>) src(%dma_wait3A_189 : memref<10240x16xf32, #tpu.memory_space<hbm>>) dst(%arg19 : memref<1000x16xf32, #tpu.memory_space<vmem>>)
    %dma_start3A_190 = arith.constant 0 : i32
    %dma_start3A_191 = arith.constant 0 : i32
    %dma_start3A_192 = tpu.memref_slice %arg21[%dma_start3A_190, %dma_start3A_191] : memref<10240x16xf32, #tpu.memory_space<vmem_shared>> -> memref<10240x16xf32, #tpu.memory_space<vmem_shared>>
    tpu.enqueue_indirect_dma source(%arg19 : memref<1000x16xf32, #tpu.memory_space<vmem>>) target(%dma_start3A_192 : memref<10240x16xf32, #tpu.memory_space<vmem_shared>>) offsets(%arg9 : memref<1000xi32, #tpu.memory_space<vmem>>) semaphore(%arg29 : memref<!tpu.dma_semaphore, #tpu.memory_space<semaphore_mem>>) {add = true}
    %dma_wait3A_193 = arith.constant 0 : i32
    %dma_wait3A_194 = arith.constant 0 : i32
    %dma_wait3A_195 = tpu.memref_slice %arg21[%dma_wait3A_193, %dma_wait3A_194] : memref<10240x16xf32, #tpu.memory_space<vmem_shared>> -> memref<10240x16xf32, #tpu.memory_space<vmem_shared>>
    tpu.wait_indirect_dma semaphore(%arg29 : memref<!tpu.dma_semaphore, #tpu.memory_space<semaphore_mem>>) src(%arg19 : memref<1000x16xf32, #tpu.memory_space<vmem>>) dst(%dma_wait3A_195 : memref<10240x16xf32, #tpu.memory_space<vmem_shared>>)
    %dma_start3A_196 = arith.constant 6000 : i32
    %dma_start3A_197 = tpu.memref_slice %arg6[%dma_start3A_196] : memref<10000xi32, #tpu.memory_space<vmem>> -> memref<1000xi32, #tpu.memory_space<vmem>>
    %dma_start3A_198 = arith.constant 0 : i32
    %dma_start3A_199 = arith.constant 0 : i32
    %dma_start3A_200 = tpu.memref_slice %arg3[%dma_start3A_198, %dma_start3A_199] : memref<10240x16xf32, #tpu.memory_space<hbm>> -> memref<10240x16xf32, #tpu.memory_space<hbm>>
    tpu.enqueue_indirect_dma source(%dma_start3A_200 : memref<10240x16xf32, #tpu.memory_space<hbm>>) target(%arg19 : memref<1000x16xf32, #tpu.memory_space<vmem>>) offsets(%dma_start3A_197 : memref<1000xi32, #tpu.memory_space<vmem>>) semaphore(%arg25 : memref<!tpu.dma_semaphore, #tpu.memory_space<semaphore_mem>>)
    %dma_wait3A_201 = arith.constant 3000 : i32
    %dma_wait3A_202 = tpu.memref_slice %arg6[%dma_wait3A_201] : memref<10000xi32, #tpu.memory_space<vmem>> -> memref<1000xi32, #tpu.memory_space<vmem>>
    %dma_wait3A_203 = arith.constant 0 : i32
    %dma_wait3A_204 = arith.constant 0 : i32
    %dma_wait3A_205 = tpu.memref_slice %arg3[%dma_wait3A_203, %dma_wait3A_204] : memref<10240x16xf32, #tpu.memory_space<hbm>> -> memref<10240x16xf32, #tpu.memory_space<hbm>>
    tpu.wait_indirect_dma semaphore(%arg26 : memref<!tpu.dma_semaphore, #tpu.memory_space<semaphore_mem>>) src(%dma_wait3A_205 : memref<10240x16xf32, #tpu.memory_space<hbm>>) dst(%arg20 : memref<1000x16xf32, #tpu.memory_space<vmem>>)
    %dma_start3A_206 = arith.constant 0 : i32
    %dma_start3A_207 = arith.constant 0 : i32
    %dma_start3A_208 = tpu.memref_slice %arg21[%dma_start3A_206, %dma_start3A_207] : memref<10240x16xf32, #tpu.memory_space<vmem_shared>> -> memref<10240x16xf32, #tpu.memory_space<vmem_shared>>
    tpu.enqueue_indirect_dma source(%arg20 : memref<1000x16xf32, #tpu.memory_space<vmem>>) target(%dma_start3A_208 : memref<10240x16xf32, #tpu.memory_space<vmem_shared>>) offsets(%arg10 : memref<1000xi32, #tpu.memory_space<vmem>>) semaphore(%arg30 : memref<!tpu.dma_semaphore, #tpu.memory_space<semaphore_mem>>) {add = true}
    %dma_wait3A_209 = arith.constant 0 : i32
    %dma_wait3A_210 = arith.constant 0 : i32
    %dma_wait3A_211 = tpu.memref_slice %arg21[%dma_wait3A_209, %dma_wait3A_210] : memref<10240x16xf32, #tpu.memory_space<vmem_shared>> -> memref<10240x16xf32, #tpu.memory_space<vmem_shared>>
    tpu.wait_indirect_dma semaphore(%arg30 : memref<!tpu.dma_semaphore, #tpu.memory_space<semaphore_mem>>) src(%arg20 : memref<1000x16xf32, #tpu.memory_space<vmem>>) dst(%dma_wait3A_211 : memref<10240x16xf32, #tpu.memory_space<vmem_shared>>)
    %dma_start3A_212 = arith.constant 7000 : i32
    %dma_start3A_213 = tpu.memref_slice %arg6[%dma_start3A_212] : memref<10000xi32, #tpu.memory_space<vmem>> -> memref<1000xi32, #tpu.memory_space<vmem>>
    %dma_start3A_214 = arith.constant 0 : i32
    %dma_start3A_215 = arith.constant 0 : i32
    %dma_start3A_216 = tpu.memref_slice %arg3[%dma_start3A_214, %dma_start3A_215] : memref<10240x16xf32, #tpu.memory_space<hbm>> -> memref<10240x16xf32, #tpu.memory_space<hbm>>
    tpu.enqueue_indirect_dma source(%dma_start3A_216 : memref<10240x16xf32, #tpu.memory_space<hbm>>) target(%arg20 : memref<1000x16xf32, #tpu.memory_space<vmem>>) offsets(%dma_start3A_213 : memref<1000xi32, #tpu.memory_space<vmem>>) semaphore(%arg26 : memref<!tpu.dma_semaphore, #tpu.memory_space<semaphore_mem>>)
    %dma_wait3A_217 = arith.constant 4000 : i32
    %dma_wait3A_218 = tpu.memref_slice %arg6[%dma_wait3A_217] : memref<10000xi32, #tpu.memory_space<vmem>> -> memref<1000xi32, #tpu.memory_space<vmem>>
    %dma_wait3A_219 = arith.constant 0 : i32
    %dma_wait3A_220 = arith.constant 0 : i32
    %dma_wait3A_221 = tpu.memref_slice %arg3[%dma_wait3A_219, %dma_wait3A_220] : memref<10240x16xf32, #tpu.memory_space<hbm>> -> memref<10240x16xf32, #tpu.memory_space<hbm>>
    tpu.wait_indirect_dma semaphore(%arg23 : memref<!tpu.dma_semaphore, #tpu.memory_space<semaphore_mem>>) src(%dma_wait3A_221 : memref<10240x16xf32, #tpu.memory_space<hbm>>) dst(%arg17 : memref<1000x16xf32, #tpu.memory_space<vmem>>)
    %dma_start3A_222 = arith.constant 0 : i32
    %dma_start3A_223 = arith.constant 0 : i32
    %dma_start3A_224 = tpu.memref_slice %arg21[%dma_start3A_222, %dma_start3A_223] : memref<10240x16xf32, #tpu.memory_space<vmem_shared>> -> memref<10240x16xf32, #tpu.memory_space<vmem_shared>>
    tpu.enqueue_indirect_dma source(%arg17 : memref<1000x16xf32, #tpu.memory_space<vmem>>) target(%dma_start3A_224 : memref<10240x16xf32, #tpu.memory_space<vmem_shared>>) offsets(%arg11 : memref<1000xi32, #tpu.memory_space<vmem>>) semaphore(%arg27 : memref<!tpu.dma_semaphore, #tpu.memory_space<semaphore_mem>>) {add = true}
    %dma_wait3A_225 = arith.constant 0 : i32
    %dma_wait3A_226 = arith.constant 0 : i32
    %dma_wait3A_227 = tpu.memref_slice %arg21[%dma_wait3A_225, %dma_wait3A_226] : memref<10240x16xf32, #tpu.memory_space<vmem_shared>> -> memref<10240x16xf32, #tpu.memory_space<vmem_shared>>
    tpu.wait_indirect_dma semaphore(%arg27 : memref<!tpu.dma_semaphore, #tpu.memory_space<semaphore_mem>>) src(%arg17 : memref<1000x16xf32, #tpu.memory_space<vmem>>) dst(%dma_wait3A_227 : memref<10240x16xf32, #tpu.memory_space<vmem_shared>>)
    %dma_start3A_228 = arith.constant 8000 : i32
    %dma_start3A_229 = tpu.memref_slice %arg6[%dma_start3A_228] : memref<10000xi32, #tpu.memory_space<vmem>> -> memref<1000xi32, #tpu.memory_space<vmem>>
    %dma_start3A_230 = arith.constant 0 : i32
    %dma_start3A_231 = arith.constant 0 : i32
    %dma_start3A_232 = tpu.memref_slice %arg3[%dma_start3A_230, %dma_start3A_231] : memref<10240x16xf32, #tpu.memory_space<hbm>> -> memref<10240x16xf32, #tpu.memory_space<hbm>>
    tpu.enqueue_indirect_dma source(%dma_start3A_232 : memref<10240x16xf32, #tpu.memory_space<hbm>>) target(%arg17 : memref<1000x16xf32, #tpu.memory_space<vmem>>) offsets(%dma_start3A_229 : memref<1000xi32, #tpu.memory_space<vmem>>) semaphore(%arg23 : memref<!tpu.dma_semaphore, #tpu.memory_space<semaphore_mem>>)
    %dma_wait3A_233 = arith.constant 5000 : i32
    %dma_wait3A_234 = tpu.memref_slice %arg6[%dma_wait3A_233] : memref<10000xi32, #tpu.memory_space<vmem>> -> memref<1000xi32, #tpu.memory_space<vmem>>
    %dma_wait3A_235 = arith.constant 0 : i32
    %dma_wait3A_236 = arith.constant 0 : i32
    %dma_wait3A_237 = tpu.memref_slice %arg3[%dma_wait3A_235, %dma_wait3A_236] : memref<10240x16xf32, #tpu.memory_space<hbm>> -> memref<10240x16xf32, #tpu.memory_space<hbm>>
    tpu.wait_indirect_dma semaphore(%arg24 : memref<!tpu.dma_semaphore, #tpu.memory_space<semaphore_mem>>) src(%dma_wait3A_237 : memref<10240x16xf32, #tpu.memory_space<hbm>>) dst(%arg18 : memref<1000x16xf32, #tpu.memory_space<vmem>>)
    %dma_start3A_238 = arith.constant 0 : i32
    %dma_start3A_239 = arith.constant 0 : i32
    %dma_start3A_240 = tpu.memref_slice %arg21[%dma_start3A_238, %dma_start3A_239] : memref<10240x16xf32, #tpu.memory_space<vmem_shared>> -> memref<10240x16xf32, #tpu.memory_space<vmem_shared>>
    tpu.enqueue_indirect_dma source(%arg18 : memref<1000x16xf32, #tpu.memory_space<vmem>>) target(%dma_start3A_240 : memref<10240x16xf32, #tpu.memory_space<vmem_shared>>) offsets(%arg12 : memref<1000xi32, #tpu.memory_space<vmem>>) semaphore(%arg28 : memref<!tpu.dma_semaphore, #tpu.memory_space<semaphore_mem>>) {add = true}
    %dma_wait3A_241 = arith.constant 0 : i32
    %dma_wait3A_242 = arith.constant 0 : i32
    %dma_wait3A_243 = tpu.memref_slice %arg21[%dma_wait3A_241, %dma_wait3A_242] : memref<10240x16xf32, #tpu.memory_space<vmem_shared>> -> memref<10240x16xf32, #tpu.memory_space<vmem_shared>>
    tpu.wait_indirect_dma semaphore(%arg28 : memref<!tpu.dma_semaphore, #tpu.memory_space<semaphore_mem>>) src(%arg18 : memref<1000x16xf32, #tpu.memory_space<vmem>>) dst(%dma_wait3A_243 : memref<10240x16xf32, #tpu.memory_space<vmem_shared>>)
    %dma_start3A_244 = arith.constant 9000 : i32
    %dma_start3A_245 = tpu.memref_slice %arg6[%dma_start3A_244] : memref<10000xi32, #tpu.memory_space<vmem>> -> memref<1000xi32, #tpu.memory_space<vmem>>
    %dma_start3A_246 = arith.constant 0 : i32
    %dma_start3A_247 = arith.constant 0 : i32
    %dma_start3A_248 = tpu.memref_slice %arg3[%dma_start3A_246, %dma_start3A_247] : memref<10240x16xf32, #tpu.memory_space<hbm>> -> memref<10240x16xf32, #tpu.memory_space<hbm>>
    tpu.enqueue_indirect_dma source(%dma_start3A_248 : memref<10240x16xf32, #tpu.memory_space<hbm>>) target(%arg18 : memref<1000x16xf32, #tpu.memory_space<vmem>>) offsets(%dma_start3A_245 : memref<1000xi32, #tpu.memory_space<vmem>>) semaphore(%arg24 : memref<!tpu.dma_semaphore, #tpu.memory_space<semaphore_mem>>)
    %dma_wait3A_249 = arith.constant 6000 : i32
    %dma_wait3A_250 = tpu.memref_slice %arg6[%dma_wait3A_249] : memref<10000xi32, #tpu.memory_space<vmem>> -> memref<1000xi32, #tpu.memory_space<vmem>>
    %dma_wait3A_251 = arith.constant 0 : i32
    %dma_wait3A_252 = arith.constant 0 : i32
    %dma_wait3A_253 = tpu.memref_slice %arg3[%dma_wait3A_251, %dma_wait3A_252] : memref<10240x16xf32, #tpu.memory_space<hbm>> -> memref<10240x16xf32, #tpu.memory_space<hbm>>
    tpu.wait_indirect_dma semaphore(%arg25 : memref<!tpu.dma_semaphore, #tpu.memory_space<semaphore_mem>>) src(%dma_wait3A_253 : memref<10240x16xf32, #tpu.memory_space<hbm>>) dst(%arg19 : memref<1000x16xf32, #tpu.memory_space<vmem>>)
    %dma_start3A_254 = arith.constant 0 : i32
    %dma_start3A_255 = arith.constant 0 : i32
    %dma_start3A_256 = tpu.memref_slice %arg21[%dma_start3A_254, %dma_start3A_255] : memref<10240x16xf32, #tpu.memory_space<vmem_shared>> -> memref<10240x16xf32, #tpu.memory_space<vmem_shared>>
    tpu.enqueue_indirect_dma source(%arg19 : memref<1000x16xf32, #tpu.memory_space<vmem>>) target(%dma_start3A_256 : memref<10240x16xf32, #tpu.memory_space<vmem_shared>>) offsets(%arg13 : memref<1000xi32, #tpu.memory_space<vmem>>) semaphore(%arg29 : memref<!tpu.dma_semaphore, #tpu.memory_space<semaphore_mem>>) {add = true}
    %dma_wait3A_257 = arith.constant 7000 : i32
    %dma_wait3A_258 = tpu.memref_slice %arg6[%dma_wait3A_257] : memref<10000xi32, #tpu.memory_space<vmem>> -> memref<1000xi32, #tpu.memory_space<vmem>>
    %dma_wait3A_259 = arith.constant 0 : i32
    %dma_wait3A_260 = arith.constant 0 : i32
    %dma_wait3A_261 = tpu.memref_slice %arg3[%dma_wait3A_259, %dma_wait3A_260] : memref<10240x16xf32, #tpu.memory_space<hbm>> -> memref<10240x16xf32, #tpu.memory_space<hbm>>
    tpu.wait_indirect_dma semaphore(%arg26 : memref<!tpu.dma_semaphore, #tpu.memory_space<semaphore_mem>>) src(%dma_wait3A_261 : memref<10240x16xf32, #tpu.memory_space<hbm>>) dst(%arg20 : memref<1000x16xf32, #tpu.memory_space<vmem>>)
    %dma_start3A_262 = arith.constant 0 : i32
    %dma_start3A_263 = arith.constant 0 : i32
    %dma_start3A_264 = tpu.memref_slice %arg21[%dma_start3A_262, %dma_start3A_263] : memref<10240x16xf32, #tpu.memory_space<vmem_shared>> -> memref<10240x16xf32, #tpu.memory_space<vmem_shared>>
    tpu.enqueue_indirect_dma source(%arg20 : memref<1000x16xf32, #tpu.memory_space<vmem>>) target(%dma_start3A_264 : memref<10240x16xf32, #tpu.memory_space<vmem_shared>>) offsets(%arg14 : memref<1000xi32, #tpu.memory_space<vmem>>) semaphore(%arg30 : memref<!tpu.dma_semaphore, #tpu.memory_space<semaphore_mem>>) {add = true}
    %dma_wait3A_265 = arith.constant 8000 : i32
    %dma_wait3A_266 = tpu.memref_slice %arg6[%dma_wait3A_265] : memref<10000xi32, #tpu.memory_space<vmem>> -> memref<1000xi32, #tpu.memory_space<vmem>>
    %dma_wait3A_267 = arith.constant 0 : i32
    %dma_wait3A_268 = arith.constant 0 : i32
    %dma_wait3A_269 = tpu.memref_slice %arg3[%dma_wait3A_267, %dma_wait3A_268] : memref<10240x16xf32, #tpu.memory_space<hbm>> -> memref<10240x16xf32, #tpu.memory_space<hbm>>
    tpu.wait_indirect_dma semaphore(%arg23 : memref<!tpu.dma_semaphore, #tpu.memory_space<semaphore_mem>>) src(%dma_wait3A_269 : memref<10240x16xf32, #tpu.memory_space<hbm>>) dst(%arg17 : memref<1000x16xf32, #tpu.memory_space<vmem>>)
    %dma_start3A_270 = arith.constant 0 : i32
    %dma_start3A_271 = arith.constant 0 : i32
    %dma_start3A_272 = tpu.memref_slice %arg21[%dma_start3A_270, %dma_start3A_271] : memref<10240x16xf32, #tpu.memory_space<vmem_shared>> -> memref<10240x16xf32, #tpu.memory_space<vmem_shared>>
    tpu.enqueue_indirect_dma source(%arg17 : memref<1000x16xf32, #tpu.memory_space<vmem>>) target(%dma_start3A_272 : memref<10240x16xf32, #tpu.memory_space<vmem_shared>>) offsets(%arg15 : memref<1000xi32, #tpu.memory_space<vmem>>) semaphore(%arg27 : memref<!tpu.dma_semaphore, #tpu.memory_space<semaphore_mem>>) {add = true}
    %dma_wait3A_273 = arith.constant 9000 : i32
    %dma_wait3A_274 = tpu.memref_slice %arg6[%dma_wait3A_273] : memref<10000xi32, #tpu.memory_space<vmem>> -> memref<1000xi32, #tpu.memory_space<vmem>>
    %dma_wait3A_275 = arith.constant 0 : i32
    %dma_wait3A_276 = arith.constant 0 : i32
    %dma_wait3A_277 = tpu.memref_slice %arg3[%dma_wait3A_275, %dma_wait3A_276] : memref<10240x16xf32, #tpu.memory_space<hbm>> -> memref<10240x16xf32, #tpu.memory_space<hbm>>
    tpu.wait_indirect_dma semaphore(%arg24 : memref<!tpu.dma_semaphore, #tpu.memory_space<semaphore_mem>>) src(%dma_wait3A_277 : memref<10240x16xf32, #tpu.memory_space<hbm>>) dst(%arg18 : memref<1000x16xf32, #tpu.memory_space<vmem>>)
    %dma_start3A_278 = arith.constant 0 : i32
    %dma_start3A_279 = arith.constant 0 : i32
    %dma_start3A_280 = tpu.memref_slice %arg21[%dma_start3A_278, %dma_start3A_279] : memref<10240x16xf32, #tpu.memory_space<vmem_shared>> -> memref<10240x16xf32, #tpu.memory_space<vmem_shared>>
    tpu.enqueue_indirect_dma source(%arg18 : memref<1000x16xf32, #tpu.memory_space<vmem>>) target(%dma_start3A_280 : memref<10240x16xf32, #tpu.memory_space<vmem_shared>>) offsets(%arg16 : memref<1000xi32, #tpu.memory_space<vmem>>) semaphore(%arg28 : memref<!tpu.dma_semaphore, #tpu.memory_space<semaphore_mem>>) {add = true}
    %dma_wait3A_281 = arith.constant 0 : i32
    %dma_wait3A_282 = arith.constant 0 : i32
    %dma_wait3A_283 = tpu.memref_slice %arg21[%dma_wait3A_281, %dma_wait3A_282] : memref<10240x16xf32, #tpu.memory_space<vmem_shared>> -> memref<10240x16xf32, #tpu.memory_space<vmem_shared>>
    tpu.wait_indirect_dma semaphore(%arg29 : memref<!tpu.dma_semaphore, #tpu.memory_space<semaphore_mem>>) src(%arg19 : memref<1000x16xf32, #tpu.memory_space<vmem>>) dst(%dma_wait3A_283 : memref<10240x16xf32, #tpu.memory_space<vmem_shared>>)
    %dma_wait3A_284 = arith.constant 0 : i32
    %dma_wait3A_285 = arith.constant 0 : i32
    %dma_wait3A_286 = tpu.memref_slice %arg21[%dma_wait3A_284, %dma_wait3A_285] : memref<10240x16xf32, #tpu.memory_space<vmem_shared>> -> memref<10240x16xf32, #tpu.memory_space<vmem_shared>>
    tpu.wait_indirect_dma semaphore(%arg30 : memref<!tpu.dma_semaphore, #tpu.memory_space<semaphore_mem>>) src(%arg20 : memref<1000x16xf32, #tpu.memory_space<vmem>>) dst(%dma_wait3A_286 : memref<10240x16xf32, #tpu.memory_space<vmem_shared>>)
    %dma_wait3A_287 = arith.constant 0 : i32
    %dma_wait3A_288 = arith.constant 0 : i32
    %dma_wait3A_289 = tpu.memref_slice %arg21[%dma_wait3A_287, %dma_wait3A_288] : memref<10240x16xf32, #tpu.memory_space<vmem_shared>> -> memref<10240x16xf32, #tpu.memory_space<vmem_shared>>
    tpu.wait_indirect_dma semaphore(%arg27 : memref<!tpu.dma_semaphore, #tpu.memory_space<semaphore_mem>>) src(%arg17 : memref<1000x16xf32, #tpu.memory_space<vmem>>) dst(%dma_wait3A_289 : memref<10240x16xf32, #tpu.memory_space<vmem_shared>>)
    %dma_wait3A_290 = arith.constant 0 : i32
    %dma_wait3A_291 = arith.constant 0 : i32
    %dma_wait3A_292 = tpu.memref_slice %arg21[%dma_wait3A_290, %dma_wait3A_291] : memref<10240x16xf32, #tpu.memory_space<vmem_shared>> -> memref<10240x16xf32, #tpu.memory_space<vmem_shared>>
    tpu.wait_indirect_dma semaphore(%arg28 : memref<!tpu.dma_semaphore, #tpu.memory_space<semaphore_mem>>) src(%arg18 : memref<1000x16xf32, #tpu.memory_space<vmem>>) dst(%dma_wait3A_292 : memref<10240x16xf32, #tpu.memory_space<vmem_shared>>)
    %barrier3A_293 = arith.constant 0 : index
    tpu.barrier barrier_id(%barrier3A_293)
    "tpu.region"() ({
      %run_scoped3A = tpu.sem_alloc : memref<!tpu.dma_semaphore, #tpu.memory_space<semaphore_mem>>
      %dma_start3A_294 = arith.constant 0 : i32
      %dma_start3A_295 = tpu.memref_slice %arg5[%arg0, %mul3A_2, %dma_start3A_294] : memref<2x10240x16xf32, #tpu.memory_space<hbm>> -> memref<1x640x16xf32, #tpu.memory_space<hbm>>
      %dma_start3A_296 = tpu.memref_squeeze %dma_start3A_295 : memref<1x640x16xf32, #tpu.memory_space<hbm>> -> memref<640x16xf32, #tpu.memory_space<hbm>>
      %dma_start3A_297 = arith.constant 0 : i32
      %dma_start3A_298 = tpu.memref_slice %arg21[%mul3A_2, %dma_start3A_297] : memref<10240x16xf32, #tpu.memory_space<vmem_shared>> -> memref<640x16xf32, #tpu.memory_space<vmem_shared>>
      tpu.enqueue_dma source(%dma_start3A_298 : memref<640x16xf32, #tpu.memory_space<vmem_shared>>) target(%dma_start3A_296 : memref<640x16xf32, #tpu.memory_space<hbm>>) target_semaphore(%run_scoped3A : memref<!tpu.dma_semaphore, #tpu.memory_space<semaphore_mem>>)
      %dma_wait3A_299 = arith.constant 0 : i32
      %dma_wait3A_300 = tpu.memref_slice %arg5[%arg0, %mul3A_2, %dma_wait3A_299] : memref<2x10240x16xf32, #tpu.memory_space<hbm>> -> memref<1x640x16xf32, #tpu.memory_space<hbm>>
      %dma_wait3A_301 = tpu.memref_squeeze %dma_wait3A_300 : memref<1x640x16xf32, #tpu.memory_space<hbm>> -> memref<640x16xf32, #tpu.memory_space<hbm>>
      %dma_wait3A_302 = arith.constant 0 : i32
      %dma_wait3A_303 = tpu.memref_slice %arg21[%mul3A_2, %dma_wait3A_302] : memref<10240x16xf32, #tpu.memory_space<vmem_shared>> -> memref<640x16xf32, #tpu.memory_space<vmem_shared>>
      tpu.wait_dma2 semaphore(%run_scoped3A : memref<!tpu.dma_semaphore, #tpu.memory_space<semaphore_mem>>) src(%dma_wait3A_303 : memref<640x16xf32, #tpu.memory_space<vmem_shared>>) dst(%dma_wait3A_301 : memref<640x16xf32, #tpu.memory_space<hbm>>)
      tpu.yield
    }) : () -> ()
    return
  }
}

#map = affine_map<(d0, d1) -> (0, 0)>
#map1 = affine_map<(d0, d1) -> (0)>
module attributes {stable_mosaic.version = 14 : i64} {
  func.func @_deg_kernel(%arg0: i32, %arg1: i32, %arg2: memref<2x320000xi32, #tpu.memory_space<hbm>>, %arg3: memref<1000xf32, #tpu.memory_space<hbm>>, %arg4: memref<10240xf32, #tpu.memory_space<hbm>>, %arg5: memref<2x10240xf32, #tpu.memory_space<hbm>>, %arg6: memref<1000xi32, #tpu.memory_space<vmem>>, %arg7: memref<1000xi32, #tpu.memory_space<vmem>>, %arg8: memref<1000xi32, #tpu.memory_space<vmem>>, %arg9: memref<1000xi32, #tpu.memory_space<vmem>>, %arg10: memref<1000xi32, #tpu.memory_space<vmem>>, %arg11: memref<1000xi32, #tpu.memory_space<vmem>>, %arg12: memref<1000xi32, #tpu.memory_space<vmem>>, %arg13: memref<1000xi32, #tpu.memory_space<vmem>>, %arg14: memref<1000xi32, #tpu.memory_space<vmem>>, %arg15: memref<1000xi32, #tpu.memory_space<vmem>>, %arg16: memref<1000xf32, #tpu.memory_space<vmem>>, %arg17: memref<10240xf32, #tpu.memory_space<vmem_shared>>, %arg18: memref<!tpu.dma_semaphore, #tpu.memory_space<semaphore_mem>>, %arg19: memref<!tpu.dma_semaphore, #tpu.memory_space<semaphore_mem>>) attributes {dimension_semantics = [#tpu.dimension_semantics<core_parallel>, #tpu.dimension_semantics<subcore_parallel>], iteration_bounds = array<i64: 2, 16>, scalar_prefetch = 0 : i64, scratch_operands = 14 : i64, tpu.core_type = #tpu.core_type<sc_vector_subcore>, window_params = [{transform_indices = #map}, {transform_indices = #map1}, {transform_indices = #map1}, {transform_indices = #map}]} {
    %mul3A = arith.constant 2 : i32
    %mul3A_0 = arith.muli %arg1, %mul3A : i32
    %add3A = arith.addi %mul3A_0, %arg0 : i32
    %mul3A_1 = arith.constant 640 : i32
    %mul3A_2 = arith.muli %arg1, %mul3A_1 : i32
    %mul3A_3 = arith.constant 10000 : i32
    %mul3A_4 = arith.muli %add3A, %mul3A_3 : i32
    %add3A_5 = arith.constant 0 : i32
    %add3A_6 = arith.addi %mul3A_4, %add3A_5 : i32
    %dma_start3A = arith.constant 1 : i32
    %dma_start3A_7 = tpu.memref_slice %arg2[%dma_start3A, %add3A_6] : memref<2x320000xi32, #tpu.memory_space<hbm>> -> memref<1x1000xi32, #tpu.memory_space<hbm>>
    %dma_start3A_8 = tpu.memref_squeeze %dma_start3A_7 : memref<1x1000xi32, #tpu.memory_space<hbm>> -> memref<1000xi32, #tpu.memory_space<hbm>>
    %dma_start3A_9 = tpu.memref_slice %arg2[%dma_start3A, %add3A_6] : memref<2x320000xi32, #tpu.memory_space<hbm>> -> memref<1x1000xi32, #tpu.memory_space<hbm>>
    %dma_start3A_10 = tpu.memref_squeeze %dma_start3A_9 : memref<1x1000xi32, #tpu.memory_space<hbm>> -> memref<1000xi32, #tpu.memory_space<hbm>>
    tpu.enqueue_dma source(%dma_start3A_10 : memref<1000xi32, #tpu.memory_space<hbm>>) target(%arg6 : memref<1000xi32, #tpu.memory_space<vmem>>) target_semaphore(%arg18 : memref<!tpu.dma_semaphore, #tpu.memory_space<semaphore_mem>>)
    %add3A_11 = arith.constant 1000 : i32
    %add3A_12 = arith.addi %mul3A_4, %add3A_11 : i32
    %dma_start3A_13 = arith.constant 1 : i32
    %dma_start3A_14 = tpu.memref_slice %arg2[%dma_start3A_13, %add3A_12] : memref<2x320000xi32, #tpu.memory_space<hbm>> -> memref<1x1000xi32, #tpu.memory_space<hbm>>
    %dma_start3A_15 = tpu.memref_squeeze %dma_start3A_14 : memref<1x1000xi32, #tpu.memory_space<hbm>> -> memref<1000xi32, #tpu.memory_space<hbm>>
    %dma_start3A_16 = tpu.memref_slice %arg2[%dma_start3A_13, %add3A_12] : memref<2x320000xi32, #tpu.memory_space<hbm>> -> memref<1x1000xi32, #tpu.memory_space<hbm>>
    %dma_start3A_17 = tpu.memref_squeeze %dma_start3A_16 : memref<1x1000xi32, #tpu.memory_space<hbm>> -> memref<1000xi32, #tpu.memory_space<hbm>>
    tpu.enqueue_dma source(%dma_start3A_17 : memref<1000xi32, #tpu.memory_space<hbm>>) target(%arg7 : memref<1000xi32, #tpu.memory_space<vmem>>) target_semaphore(%arg18 : memref<!tpu.dma_semaphore, #tpu.memory_space<semaphore_mem>>)
    %add3A_18 = arith.constant 2000 : i32
    %add3A_19 = arith.addi %mul3A_4, %add3A_18 : i32
    %dma_start3A_20 = arith.constant 1 : i32
    %dma_start3A_21 = tpu.memref_slice %arg2[%dma_start3A_20, %add3A_19] : memref<2x320000xi32, #tpu.memory_space<hbm>> -> memref<1x1000xi32, #tpu.memory_space<hbm>>
    %dma_start3A_22 = tpu.memref_squeeze %dma_start3A_21 : memref<1x1000xi32, #tpu.memory_space<hbm>> -> memref<1000xi32, #tpu.memory_space<hbm>>
    %dma_start3A_23 = tpu.memref_slice %arg2[%dma_start3A_20, %add3A_19] : memref<2x320000xi32, #tpu.memory_space<hbm>> -> memref<1x1000xi32, #tpu.memory_space<hbm>>
    %dma_start3A_24 = tpu.memref_squeeze %dma_start3A_23 : memref<1x1000xi32, #tpu.memory_space<hbm>> -> memref<1000xi32, #tpu.memory_space<hbm>>
    tpu.enqueue_dma source(%dma_start3A_24 : memref<1000xi32, #tpu.memory_space<hbm>>) target(%arg8 : memref<1000xi32, #tpu.memory_space<vmem>>) target_semaphore(%arg18 : memref<!tpu.dma_semaphore, #tpu.memory_space<semaphore_mem>>)
    %add3A_25 = arith.constant 3000 : i32
    %add3A_26 = arith.addi %mul3A_4, %add3A_25 : i32
    %dma_start3A_27 = arith.constant 1 : i32
    %dma_start3A_28 = tpu.memref_slice %arg2[%dma_start3A_27, %add3A_26] : memref<2x320000xi32, #tpu.memory_space<hbm>> -> memref<1x1000xi32, #tpu.memory_space<hbm>>
    %dma_start3A_29 = tpu.memref_squeeze %dma_start3A_28 : memref<1x1000xi32, #tpu.memory_space<hbm>> -> memref<1000xi32, #tpu.memory_space<hbm>>
    %dma_start3A_30 = tpu.memref_slice %arg2[%dma_start3A_27, %add3A_26] : memref<2x320000xi32, #tpu.memory_space<hbm>> -> memref<1x1000xi32, #tpu.memory_space<hbm>>
    %dma_start3A_31 = tpu.memref_squeeze %dma_start3A_30 : memref<1x1000xi32, #tpu.memory_space<hbm>> -> memref<1000xi32, #tpu.memory_space<hbm>>
    tpu.enqueue_dma source(%dma_start3A_31 : memref<1000xi32, #tpu.memory_space<hbm>>) target(%arg9 : memref<1000xi32, #tpu.memory_space<vmem>>) target_semaphore(%arg18 : memref<!tpu.dma_semaphore, #tpu.memory_space<semaphore_mem>>)
    %add3A_32 = arith.constant 4000 : i32
    %add3A_33 = arith.addi %mul3A_4, %add3A_32 : i32
    %dma_start3A_34 = arith.constant 1 : i32
    %dma_start3A_35 = tpu.memref_slice %arg2[%dma_start3A_34, %add3A_33] : memref<2x320000xi32, #tpu.memory_space<hbm>> -> memref<1x1000xi32, #tpu.memory_space<hbm>>
    %dma_start3A_36 = tpu.memref_squeeze %dma_start3A_35 : memref<1x1000xi32, #tpu.memory_space<hbm>> -> memref<1000xi32, #tpu.memory_space<hbm>>
    %dma_start3A_37 = tpu.memref_slice %arg2[%dma_start3A_34, %add3A_33] : memref<2x320000xi32, #tpu.memory_space<hbm>> -> memref<1x1000xi32, #tpu.memory_space<hbm>>
    %dma_start3A_38 = tpu.memref_squeeze %dma_start3A_37 : memref<1x1000xi32, #tpu.memory_space<hbm>> -> memref<1000xi32, #tpu.memory_space<hbm>>
    tpu.enqueue_dma source(%dma_start3A_38 : memref<1000xi32, #tpu.memory_space<hbm>>) target(%arg10 : memref<1000xi32, #tpu.memory_space<vmem>>) target_semaphore(%arg18 : memref<!tpu.dma_semaphore, #tpu.memory_space<semaphore_mem>>)
    %add3A_39 = arith.constant 5000 : i32
    %add3A_40 = arith.addi %mul3A_4, %add3A_39 : i32
    %dma_start3A_41 = arith.constant 1 : i32
    %dma_start3A_42 = tpu.memref_slice %arg2[%dma_start3A_41, %add3A_40] : memref<2x320000xi32, #tpu.memory_space<hbm>> -> memref<1x1000xi32, #tpu.memory_space<hbm>>
    %dma_start3A_43 = tpu.memref_squeeze %dma_start3A_42 : memref<1x1000xi32, #tpu.memory_space<hbm>> -> memref<1000xi32, #tpu.memory_space<hbm>>
    %dma_start3A_44 = tpu.memref_slice %arg2[%dma_start3A_41, %add3A_40] : memref<2x320000xi32, #tpu.memory_space<hbm>> -> memref<1x1000xi32, #tpu.memory_space<hbm>>
    %dma_start3A_45 = tpu.memref_squeeze %dma_start3A_44 : memref<1x1000xi32, #tpu.memory_space<hbm>> -> memref<1000xi32, #tpu.memory_space<hbm>>
    tpu.enqueue_dma source(%dma_start3A_45 : memref<1000xi32, #tpu.memory_space<hbm>>) target(%arg11 : memref<1000xi32, #tpu.memory_space<vmem>>) target_semaphore(%arg18 : memref<!tpu.dma_semaphore, #tpu.memory_space<semaphore_mem>>)
    %add3A_46 = arith.constant 6000 : i32
    %add3A_47 = arith.addi %mul3A_4, %add3A_46 : i32
    %dma_start3A_48 = arith.constant 1 : i32
    %dma_start3A_49 = tpu.memref_slice %arg2[%dma_start3A_48, %add3A_47] : memref<2x320000xi32, #tpu.memory_space<hbm>> -> memref<1x1000xi32, #tpu.memory_space<hbm>>
    %dma_start3A_50 = tpu.memref_squeeze %dma_start3A_49 : memref<1x1000xi32, #tpu.memory_space<hbm>> -> memref<1000xi32, #tpu.memory_space<hbm>>
    %dma_start3A_51 = tpu.memref_slice %arg2[%dma_start3A_48, %add3A_47] : memref<2x320000xi32, #tpu.memory_space<hbm>> -> memref<1x1000xi32, #tpu.memory_space<hbm>>
    %dma_start3A_52 = tpu.memref_squeeze %dma_start3A_51 : memref<1x1000xi32, #tpu.memory_space<hbm>> -> memref<1000xi32, #tpu.memory_space<hbm>>
    tpu.enqueue_dma source(%dma_start3A_52 : memref<1000xi32, #tpu.memory_space<hbm>>) target(%arg12 : memref<1000xi32, #tpu.memory_space<vmem>>) target_semaphore(%arg18 : memref<!tpu.dma_semaphore, #tpu.memory_space<semaphore_mem>>)
    %add3A_53 = arith.constant 7000 : i32
    %add3A_54 = arith.addi %mul3A_4, %add3A_53 : i32
    %dma_start3A_55 = arith.constant 1 : i32
    %dma_start3A_56 = tpu.memref_slice %arg2[%dma_start3A_55, %add3A_54] : memref<2x320000xi32, #tpu.memory_space<hbm>> -> memref<1x1000xi32, #tpu.memory_space<hbm>>
    %dma_start3A_57 = tpu.memref_squeeze %dma_start3A_56 : memref<1x1000xi32, #tpu.memory_space<hbm>> -> memref<1000xi32, #tpu.memory_space<hbm>>
    %dma_start3A_58 = tpu.memref_slice %arg2[%dma_start3A_55, %add3A_54] : memref<2x320000xi32, #tpu.memory_space<hbm>> -> memref<1x1000xi32, #tpu.memory_space<hbm>>
    %dma_start3A_59 = tpu.memref_squeeze %dma_start3A_58 : memref<1x1000xi32, #tpu.memory_space<hbm>> -> memref<1000xi32, #tpu.memory_space<hbm>>
    tpu.enqueue_dma source(%dma_start3A_59 : memref<1000xi32, #tpu.memory_space<hbm>>) target(%arg13 : memref<1000xi32, #tpu.memory_space<vmem>>) target_semaphore(%arg18 : memref<!tpu.dma_semaphore, #tpu.memory_space<semaphore_mem>>)
    %add3A_60 = arith.constant 8000 : i32
    %add3A_61 = arith.addi %mul3A_4, %add3A_60 : i32
    %dma_start3A_62 = arith.constant 1 : i32
    %dma_start3A_63 = tpu.memref_slice %arg2[%dma_start3A_62, %add3A_61] : memref<2x320000xi32, #tpu.memory_space<hbm>> -> memref<1x1000xi32, #tpu.memory_space<hbm>>
    %dma_start3A_64 = tpu.memref_squeeze %dma_start3A_63 : memref<1x1000xi32, #tpu.memory_space<hbm>> -> memref<1000xi32, #tpu.memory_space<hbm>>
    %dma_start3A_65 = tpu.memref_slice %arg2[%dma_start3A_62, %add3A_61] : memref<2x320000xi32, #tpu.memory_space<hbm>> -> memref<1x1000xi32, #tpu.memory_space<hbm>>
    %dma_start3A_66 = tpu.memref_squeeze %dma_start3A_65 : memref<1x1000xi32, #tpu.memory_space<hbm>> -> memref<1000xi32, #tpu.memory_space<hbm>>
    tpu.enqueue_dma source(%dma_start3A_66 : memref<1000xi32, #tpu.memory_space<hbm>>) target(%arg14 : memref<1000xi32, #tpu.memory_space<vmem>>) target_semaphore(%arg18 : memref<!tpu.dma_semaphore, #tpu.memory_space<semaphore_mem>>)
    %add3A_67 = arith.constant 9000 : i32
    %add3A_68 = arith.addi %mul3A_4, %add3A_67 : i32
    %dma_start3A_69 = arith.constant 1 : i32
    %dma_start3A_70 = tpu.memref_slice %arg2[%dma_start3A_69, %add3A_68] : memref<2x320000xi32, #tpu.memory_space<hbm>> -> memref<1x1000xi32, #tpu.memory_space<hbm>>
    %dma_start3A_71 = tpu.memref_squeeze %dma_start3A_70 : memref<1x1000xi32, #tpu.memory_space<hbm>> -> memref<1000xi32, #tpu.memory_space<hbm>>
    %dma_start3A_72 = tpu.memref_slice %arg2[%dma_start3A_69, %add3A_68] : memref<2x320000xi32, #tpu.memory_space<hbm>> -> memref<1x1000xi32, #tpu.memory_space<hbm>>
    %dma_start3A_73 = tpu.memref_squeeze %dma_start3A_72 : memref<1x1000xi32, #tpu.memory_space<hbm>> -> memref<1000xi32, #tpu.memory_space<hbm>>
    tpu.enqueue_dma source(%dma_start3A_73 : memref<1000xi32, #tpu.memory_space<hbm>>) target(%arg15 : memref<1000xi32, #tpu.memory_space<vmem>>) target_semaphore(%arg18 : memref<!tpu.dma_semaphore, #tpu.memory_space<semaphore_mem>>)
    tpu.enqueue_dma source(%arg3 : memref<1000xf32, #tpu.memory_space<hbm>>) target(%arg16 : memref<1000xf32, #tpu.memory_space<vmem>>) target_semaphore(%arg18 : memref<!tpu.dma_semaphore, #tpu.memory_space<semaphore_mem>>)
    "tpu.region"() ({
      %run_scoped3A = tpu.sem_alloc : memref<!tpu.dma_semaphore, #tpu.memory_space<semaphore_mem>>
      %dma_start3A_164 = tpu.memref_slice %arg17[%mul3A_2] : memref<10240xf32, #tpu.memory_space<vmem_shared>> -> memref<640xf32, #tpu.memory_space<vmem_shared>>
      %dma_start3A_165 = tpu.memref_slice %arg4[%mul3A_2] : memref<10240xf32, #tpu.memory_space<hbm>> -> memref<640xf32, #tpu.memory_space<hbm>>
      tpu.enqueue_dma source(%dma_start3A_165 : memref<640xf32, #tpu.memory_space<hbm>>) target(%dma_start3A_164 : memref<640xf32, #tpu.memory_space<vmem_shared>>) target_semaphore(%run_scoped3A : memref<!tpu.dma_semaphore, #tpu.memory_space<semaphore_mem>>)
      %dma_wait3A_166 = tpu.memref_slice %arg17[%mul3A_2] : memref<10240xf32, #tpu.memory_space<vmem_shared>> -> memref<640xf32, #tpu.memory_space<vmem_shared>>
      %dma_wait3A_167 = tpu.memref_slice %arg4[%mul3A_2] : memref<10240xf32, #tpu.memory_space<hbm>> -> memref<640xf32, #tpu.memory_space<hbm>>
      tpu.wait_dma2 semaphore(%run_scoped3A : memref<!tpu.dma_semaphore, #tpu.memory_space<semaphore_mem>>) src(%dma_wait3A_167 : memref<640xf32, #tpu.memory_space<hbm>>) dst(%dma_wait3A_166 : memref<640xf32, #tpu.memory_space<vmem_shared>>)
      tpu.yield
    }) : () -> ()
    %dma_wait3A = arith.constant 1 : i32
    %dma_wait3A_74 = tpu.memref_slice %arg2[%dma_wait3A, %add3A_6] : memref<2x320000xi32, #tpu.memory_space<hbm>> -> memref<1x1000xi32, #tpu.memory_space<hbm>>
    %dma_wait3A_75 = tpu.memref_squeeze %dma_wait3A_74 : memref<1x1000xi32, #tpu.memory_space<hbm>> -> memref<1000xi32, #tpu.memory_space<hbm>>
    %dma_wait3A_76 = tpu.memref_slice %arg2[%dma_wait3A, %add3A_6] : memref<2x320000xi32, #tpu.memory_space<hbm>> -> memref<1x1000xi32, #tpu.memory_space<hbm>>
    %dma_wait3A_77 = tpu.memref_squeeze %dma_wait3A_76 : memref<1x1000xi32, #tpu.memory_space<hbm>> -> memref<1000xi32, #tpu.memory_space<hbm>>
    tpu.wait_dma2 semaphore(%arg18 : memref<!tpu.dma_semaphore, #tpu.memory_space<semaphore_mem>>) src(%dma_wait3A_77 : memref<1000xi32, #tpu.memory_space<hbm>>) dst(%arg6 : memref<1000xi32, #tpu.memory_space<vmem>>)
    %dma_wait3A_78 = arith.constant 1 : i32
    %dma_wait3A_79 = tpu.memref_slice %arg2[%dma_wait3A_78, %add3A_12] : memref<2x320000xi32, #tpu.memory_space<hbm>> -> memref<1x1000xi32, #tpu.memory_space<hbm>>
    %dma_wait3A_80 = tpu.memref_squeeze %dma_wait3A_79 : memref<1x1000xi32, #tpu.memory_space<hbm>> -> memref<1000xi32, #tpu.memory_space<hbm>>
    %dma_wait3A_81 = tpu.memref_slice %arg2[%dma_wait3A_78, %add3A_12] : memref<2x320000xi32, #tpu.memory_space<hbm>> -> memref<1x1000xi32, #tpu.memory_space<hbm>>
    %dma_wait3A_82 = tpu.memref_squeeze %dma_wait3A_81 : memref<1x1000xi32, #tpu.memory_space<hbm>> -> memref<1000xi32, #tpu.memory_space<hbm>>
    tpu.wait_dma2 semaphore(%arg18 : memref<!tpu.dma_semaphore, #tpu.memory_space<semaphore_mem>>) src(%dma_wait3A_82 : memref<1000xi32, #tpu.memory_space<hbm>>) dst(%arg7 : memref<1000xi32, #tpu.memory_space<vmem>>)
    %dma_wait3A_83 = arith.constant 1 : i32
    %dma_wait3A_84 = tpu.memref_slice %arg2[%dma_wait3A_83, %add3A_19] : memref<2x320000xi32, #tpu.memory_space<hbm>> -> memref<1x1000xi32, #tpu.memory_space<hbm>>
    %dma_wait3A_85 = tpu.memref_squeeze %dma_wait3A_84 : memref<1x1000xi32, #tpu.memory_space<hbm>> -> memref<1000xi32, #tpu.memory_space<hbm>>
    %dma_wait3A_86 = tpu.memref_slice %arg2[%dma_wait3A_83, %add3A_19] : memref<2x320000xi32, #tpu.memory_space<hbm>> -> memref<1x1000xi32, #tpu.memory_space<hbm>>
    %dma_wait3A_87 = tpu.memref_squeeze %dma_wait3A_86 : memref<1x1000xi32, #tpu.memory_space<hbm>> -> memref<1000xi32, #tpu.memory_space<hbm>>
    tpu.wait_dma2 semaphore(%arg18 : memref<!tpu.dma_semaphore, #tpu.memory_space<semaphore_mem>>) src(%dma_wait3A_87 : memref<1000xi32, #tpu.memory_space<hbm>>) dst(%arg8 : memref<1000xi32, #tpu.memory_space<vmem>>)
    %dma_wait3A_88 = arith.constant 1 : i32
    %dma_wait3A_89 = tpu.memref_slice %arg2[%dma_wait3A_88, %add3A_26] : memref<2x320000xi32, #tpu.memory_space<hbm>> -> memref<1x1000xi32, #tpu.memory_space<hbm>>
    %dma_wait3A_90 = tpu.memref_squeeze %dma_wait3A_89 : memref<1x1000xi32, #tpu.memory_space<hbm>> -> memref<1000xi32, #tpu.memory_space<hbm>>
    %dma_wait3A_91 = tpu.memref_slice %arg2[%dma_wait3A_88, %add3A_26] : memref<2x320000xi32, #tpu.memory_space<hbm>> -> memref<1x1000xi32, #tpu.memory_space<hbm>>
    %dma_wait3A_92 = tpu.memref_squeeze %dma_wait3A_91 : memref<1x1000xi32, #tpu.memory_space<hbm>> -> memref<1000xi32, #tpu.memory_space<hbm>>
    tpu.wait_dma2 semaphore(%arg18 : memref<!tpu.dma_semaphore, #tpu.memory_space<semaphore_mem>>) src(%dma_wait3A_92 : memref<1000xi32, #tpu.memory_space<hbm>>) dst(%arg9 : memref<1000xi32, #tpu.memory_space<vmem>>)
    %dma_wait3A_93 = arith.constant 1 : i32
    %dma_wait3A_94 = tpu.memref_slice %arg2[%dma_wait3A_93, %add3A_33] : memref<2x320000xi32, #tpu.memory_space<hbm>> -> memref<1x1000xi32, #tpu.memory_space<hbm>>
    %dma_wait3A_95 = tpu.memref_squeeze %dma_wait3A_94 : memref<1x1000xi32, #tpu.memory_space<hbm>> -> memref<1000xi32, #tpu.memory_space<hbm>>
    %dma_wait3A_96 = tpu.memref_slice %arg2[%dma_wait3A_93, %add3A_33] : memref<2x320000xi32, #tpu.memory_space<hbm>> -> memref<1x1000xi32, #tpu.memory_space<hbm>>
    %dma_wait3A_97 = tpu.memref_squeeze %dma_wait3A_96 : memref<1x1000xi32, #tpu.memory_space<hbm>> -> memref<1000xi32, #tpu.memory_space<hbm>>
    tpu.wait_dma2 semaphore(%arg18 : memref<!tpu.dma_semaphore, #tpu.memory_space<semaphore_mem>>) src(%dma_wait3A_97 : memref<1000xi32, #tpu.memory_space<hbm>>) dst(%arg10 : memref<1000xi32, #tpu.memory_space<vmem>>)
    %dma_wait3A_98 = arith.constant 1 : i32
    %dma_wait3A_99 = tpu.memref_slice %arg2[%dma_wait3A_98, %add3A_40] : memref<2x320000xi32, #tpu.memory_space<hbm>> -> memref<1x1000xi32, #tpu.memory_space<hbm>>
    %dma_wait3A_100 = tpu.memref_squeeze %dma_wait3A_99 : memref<1x1000xi32, #tpu.memory_space<hbm>> -> memref<1000xi32, #tpu.memory_space<hbm>>
    %dma_wait3A_101 = tpu.memref_slice %arg2[%dma_wait3A_98, %add3A_40] : memref<2x320000xi32, #tpu.memory_space<hbm>> -> memref<1x1000xi32, #tpu.memory_space<hbm>>
    %dma_wait3A_102 = tpu.memref_squeeze %dma_wait3A_101 : memref<1x1000xi32, #tpu.memory_space<hbm>> -> memref<1000xi32, #tpu.memory_space<hbm>>
    tpu.wait_dma2 semaphore(%arg18 : memref<!tpu.dma_semaphore, #tpu.memory_space<semaphore_mem>>) src(%dma_wait3A_102 : memref<1000xi32, #tpu.memory_space<hbm>>) dst(%arg11 : memref<1000xi32, #tpu.memory_space<vmem>>)
    %dma_wait3A_103 = arith.constant 1 : i32
    %dma_wait3A_104 = tpu.memref_slice %arg2[%dma_wait3A_103, %add3A_47] : memref<2x320000xi32, #tpu.memory_space<hbm>> -> memref<1x1000xi32, #tpu.memory_space<hbm>>
    %dma_wait3A_105 = tpu.memref_squeeze %dma_wait3A_104 : memref<1x1000xi32, #tpu.memory_space<hbm>> -> memref<1000xi32, #tpu.memory_space<hbm>>
    %dma_wait3A_106 = tpu.memref_slice %arg2[%dma_wait3A_103, %add3A_47] : memref<2x320000xi32, #tpu.memory_space<hbm>> -> memref<1x1000xi32, #tpu.memory_space<hbm>>
    %dma_wait3A_107 = tpu.memref_squeeze %dma_wait3A_106 : memref<1x1000xi32, #tpu.memory_space<hbm>> -> memref<1000xi32, #tpu.memory_space<hbm>>
    tpu.wait_dma2 semaphore(%arg18 : memref<!tpu.dma_semaphore, #tpu.memory_space<semaphore_mem>>) src(%dma_wait3A_107 : memref<1000xi32, #tpu.memory_space<hbm>>) dst(%arg12 : memref<1000xi32, #tpu.memory_space<vmem>>)
    %dma_wait3A_108 = arith.constant 1 : i32
    %dma_wait3A_109 = tpu.memref_slice %arg2[%dma_wait3A_108, %add3A_54] : memref<2x320000xi32, #tpu.memory_space<hbm>> -> memref<1x1000xi32, #tpu.memory_space<hbm>>
    %dma_wait3A_110 = tpu.memref_squeeze %dma_wait3A_109 : memref<1x1000xi32, #tpu.memory_space<hbm>> -> memref<1000xi32, #tpu.memory_space<hbm>>
    %dma_wait3A_111 = tpu.memref_slice %arg2[%dma_wait3A_108, %add3A_54] : memref<2x320000xi32, #tpu.memory_space<hbm>> -> memref<1x1000xi32, #tpu.memory_space<hbm>>
    %dma_wait3A_112 = tpu.memref_squeeze %dma_wait3A_111 : memref<1x1000xi32, #tpu.memory_space<hbm>> -> memref<1000xi32, #tpu.memory_space<hbm>>
    tpu.wait_dma2 semaphore(%arg18 : memref<!tpu.dma_semaphore, #tpu.memory_space<semaphore_mem>>) src(%dma_wait3A_112 : memref<1000xi32, #tpu.memory_space<hbm>>) dst(%arg13 : memref<1000xi32, #tpu.memory_space<vmem>>)
    %dma_wait3A_113 = arith.constant 1 : i32
    %dma_wait3A_114 = tpu.memref_slice %arg2[%dma_wait3A_113, %add3A_61] : memref<2x320000xi32, #tpu.memory_space<hbm>> -> memref<1x1000xi32, #tpu.memory_space<hbm>>
    %dma_wait3A_115 = tpu.memref_squeeze %dma_wait3A_114 : memref<1x1000xi32, #tpu.memory_space<hbm>> -> memref<1000xi32, #tpu.memory_space<hbm>>
    %dma_wait3A_116 = tpu.memref_slice %arg2[%dma_wait3A_113, %add3A_61] : memref<2x320000xi32, #tpu.memory_space<hbm>> -> memref<1x1000xi32, #tpu.memory_space<hbm>>
    %dma_wait3A_117 = tpu.memref_squeeze %dma_wait3A_116 : memref<1x1000xi32, #tpu.memory_space<hbm>> -> memref<1000xi32, #tpu.memory_space<hbm>>
    tpu.wait_dma2 semaphore(%arg18 : memref<!tpu.dma_semaphore, #tpu.memory_space<semaphore_mem>>) src(%dma_wait3A_117 : memref<1000xi32, #tpu.memory_space<hbm>>) dst(%arg14 : memref<1000xi32, #tpu.memory_space<vmem>>)
    %dma_wait3A_118 = arith.constant 1 : i32
    %dma_wait3A_119 = tpu.memref_slice %arg2[%dma_wait3A_118, %add3A_68] : memref<2x320000xi32, #tpu.memory_space<hbm>> -> memref<1x1000xi32, #tpu.memory_space<hbm>>
    %dma_wait3A_120 = tpu.memref_squeeze %dma_wait3A_119 : memref<1x1000xi32, #tpu.memory_space<hbm>> -> memref<1000xi32, #tpu.memory_space<hbm>>
    %dma_wait3A_121 = tpu.memref_slice %arg2[%dma_wait3A_118, %add3A_68] : memref<2x320000xi32, #tpu.memory_space<hbm>> -> memref<1x1000xi32, #tpu.memory_space<hbm>>
    %dma_wait3A_122 = tpu.memref_squeeze %dma_wait3A_121 : memref<1x1000xi32, #tpu.memory_space<hbm>> -> memref<1000xi32, #tpu.memory_space<hbm>>
    tpu.wait_dma2 semaphore(%arg18 : memref<!tpu.dma_semaphore, #tpu.memory_space<semaphore_mem>>) src(%dma_wait3A_122 : memref<1000xi32, #tpu.memory_space<hbm>>) dst(%arg15 : memref<1000xi32, #tpu.memory_space<vmem>>)
    tpu.wait_dma2 semaphore(%arg18 : memref<!tpu.dma_semaphore, #tpu.memory_space<semaphore_mem>>) src(%arg3 : memref<1000xf32, #tpu.memory_space<hbm>>) dst(%arg16 : memref<1000xf32, #tpu.memory_space<vmem>>)
    %barrier3A = arith.constant 0 : index
    tpu.barrier barrier_id(%barrier3A)
    %dma_start3A_123 = arith.constant 0 : i32
    %dma_start3A_124 = tpu.memref_slice %arg17[%dma_start3A_123] : memref<10240xf32, #tpu.memory_space<vmem_shared>> -> memref<10240xf32, #tpu.memory_space<vmem_shared>>
    tpu.enqueue_indirect_dma source(%arg16 : memref<1000xf32, #tpu.memory_space<vmem>>) target(%dma_start3A_124 : memref<10240xf32, #tpu.memory_space<vmem_shared>>) offsets(%arg6 : memref<1000xi32, #tpu.memory_space<vmem>>) semaphore(%arg19 : memref<!tpu.dma_semaphore, #tpu.memory_space<semaphore_mem>>) {add = true}
    %dma_start3A_125 = arith.constant 0 : i32
    %dma_start3A_126 = tpu.memref_slice %arg17[%dma_start3A_125] : memref<10240xf32, #tpu.memory_space<vmem_shared>> -> memref<10240xf32, #tpu.memory_space<vmem_shared>>
    tpu.enqueue_indirect_dma source(%arg16 : memref<1000xf32, #tpu.memory_space<vmem>>) target(%dma_start3A_126 : memref<10240xf32, #tpu.memory_space<vmem_shared>>) offsets(%arg7 : memref<1000xi32, #tpu.memory_space<vmem>>) semaphore(%arg19 : memref<!tpu.dma_semaphore, #tpu.memory_space<semaphore_mem>>) {add = true}
    %dma_start3A_127 = arith.constant 0 : i32
    %dma_start3A_128 = tpu.memref_slice %arg17[%dma_start3A_127] : memref<10240xf32, #tpu.memory_space<vmem_shared>> -> memref<10240xf32, #tpu.memory_space<vmem_shared>>
    tpu.enqueue_indirect_dma source(%arg16 : memref<1000xf32, #tpu.memory_space<vmem>>) target(%dma_start3A_128 : memref<10240xf32, #tpu.memory_space<vmem_shared>>) offsets(%arg8 : memref<1000xi32, #tpu.memory_space<vmem>>) semaphore(%arg19 : memref<!tpu.dma_semaphore, #tpu.memory_space<semaphore_mem>>) {add = true}
    %dma_start3A_129 = arith.constant 0 : i32
    %dma_start3A_130 = tpu.memref_slice %arg17[%dma_start3A_129] : memref<10240xf32, #tpu.memory_space<vmem_shared>> -> memref<10240xf32, #tpu.memory_space<vmem_shared>>
    tpu.enqueue_indirect_dma source(%arg16 : memref<1000xf32, #tpu.memory_space<vmem>>) target(%dma_start3A_130 : memref<10240xf32, #tpu.memory_space<vmem_shared>>) offsets(%arg9 : memref<1000xi32, #tpu.memory_space<vmem>>) semaphore(%arg19 : memref<!tpu.dma_semaphore, #tpu.memory_space<semaphore_mem>>) {add = true}
    %dma_start3A_131 = arith.constant 0 : i32
    %dma_start3A_132 = tpu.memref_slice %arg17[%dma_start3A_131] : memref<10240xf32, #tpu.memory_space<vmem_shared>> -> memref<10240xf32, #tpu.memory_space<vmem_shared>>
    tpu.enqueue_indirect_dma source(%arg16 : memref<1000xf32, #tpu.memory_space<vmem>>) target(%dma_start3A_132 : memref<10240xf32, #tpu.memory_space<vmem_shared>>) offsets(%arg10 : memref<1000xi32, #tpu.memory_space<vmem>>) semaphore(%arg19 : memref<!tpu.dma_semaphore, #tpu.memory_space<semaphore_mem>>) {add = true}
    %dma_start3A_133 = arith.constant 0 : i32
    %dma_start3A_134 = tpu.memref_slice %arg17[%dma_start3A_133] : memref<10240xf32, #tpu.memory_space<vmem_shared>> -> memref<10240xf32, #tpu.memory_space<vmem_shared>>
    tpu.enqueue_indirect_dma source(%arg16 : memref<1000xf32, #tpu.memory_space<vmem>>) target(%dma_start3A_134 : memref<10240xf32, #tpu.memory_space<vmem_shared>>) offsets(%arg11 : memref<1000xi32, #tpu.memory_space<vmem>>) semaphore(%arg19 : memref<!tpu.dma_semaphore, #tpu.memory_space<semaphore_mem>>) {add = true}
    %dma_start3A_135 = arith.constant 0 : i32
    %dma_start3A_136 = tpu.memref_slice %arg17[%dma_start3A_135] : memref<10240xf32, #tpu.memory_space<vmem_shared>> -> memref<10240xf32, #tpu.memory_space<vmem_shared>>
    tpu.enqueue_indirect_dma source(%arg16 : memref<1000xf32, #tpu.memory_space<vmem>>) target(%dma_start3A_136 : memref<10240xf32, #tpu.memory_space<vmem_shared>>) offsets(%arg12 : memref<1000xi32, #tpu.memory_space<vmem>>) semaphore(%arg19 : memref<!tpu.dma_semaphore, #tpu.memory_space<semaphore_mem>>) {add = true}
    %dma_start3A_137 = arith.constant 0 : i32
    %dma_start3A_138 = tpu.memref_slice %arg17[%dma_start3A_137] : memref<10240xf32, #tpu.memory_space<vmem_shared>> -> memref<10240xf32, #tpu.memory_space<vmem_shared>>
    tpu.enqueue_indirect_dma source(%arg16 : memref<1000xf32, #tpu.memory_space<vmem>>) target(%dma_start3A_138 : memref<10240xf32, #tpu.memory_space<vmem_shared>>) offsets(%arg13 : memref<1000xi32, #tpu.memory_space<vmem>>) semaphore(%arg19 : memref<!tpu.dma_semaphore, #tpu.memory_space<semaphore_mem>>) {add = true}
    %dma_start3A_139 = arith.constant 0 : i32
    %dma_start3A_140 = tpu.memref_slice %arg17[%dma_start3A_139] : memref<10240xf32, #tpu.memory_space<vmem_shared>> -> memref<10240xf32, #tpu.memory_space<vmem_shared>>
    tpu.enqueue_indirect_dma source(%arg16 : memref<1000xf32, #tpu.memory_space<vmem>>) target(%dma_start3A_140 : memref<10240xf32, #tpu.memory_space<vmem_shared>>) offsets(%arg14 : memref<1000xi32, #tpu.memory_space<vmem>>) semaphore(%arg19 : memref<!tpu.dma_semaphore, #tpu.memory_space<semaphore_mem>>) {add = true}
    %dma_start3A_141 = arith.constant 0 : i32
    %dma_start3A_142 = tpu.memref_slice %arg17[%dma_start3A_141] : memref<10240xf32, #tpu.memory_space<vmem_shared>> -> memref<10240xf32, #tpu.memory_space<vmem_shared>>
    tpu.enqueue_indirect_dma source(%arg16 : memref<1000xf32, #tpu.memory_space<vmem>>) target(%dma_start3A_142 : memref<10240xf32, #tpu.memory_space<vmem_shared>>) offsets(%arg15 : memref<1000xi32, #tpu.memory_space<vmem>>) semaphore(%arg19 : memref<!tpu.dma_semaphore, #tpu.memory_space<semaphore_mem>>) {add = true}
    %dma_wait3A_143 = arith.constant 0 : i32
    %dma_wait3A_144 = tpu.memref_slice %arg17[%dma_wait3A_143] : memref<10240xf32, #tpu.memory_space<vmem_shared>> -> memref<10240xf32, #tpu.memory_space<vmem_shared>>
    tpu.wait_indirect_dma semaphore(%arg19 : memref<!tpu.dma_semaphore, #tpu.memory_space<semaphore_mem>>) src(%arg16 : memref<1000xf32, #tpu.memory_space<vmem>>) dst(%dma_wait3A_144 : memref<10240xf32, #tpu.memory_space<vmem_shared>>)
    %dma_wait3A_145 = arith.constant 0 : i32
    %dma_wait3A_146 = tpu.memref_slice %arg17[%dma_wait3A_145] : memref<10240xf32, #tpu.memory_space<vmem_shared>> -> memref<10240xf32, #tpu.memory_space<vmem_shared>>
    tpu.wait_indirect_dma semaphore(%arg19 : memref<!tpu.dma_semaphore, #tpu.memory_space<semaphore_mem>>) src(%arg16 : memref<1000xf32, #tpu.memory_space<vmem>>) dst(%dma_wait3A_146 : memref<10240xf32, #tpu.memory_space<vmem_shared>>)
    %dma_wait3A_147 = arith.constant 0 : i32
    %dma_wait3A_148 = tpu.memref_slice %arg17[%dma_wait3A_147] : memref<10240xf32, #tpu.memory_space<vmem_shared>> -> memref<10240xf32, #tpu.memory_space<vmem_shared>>
    tpu.wait_indirect_dma semaphore(%arg19 : memref<!tpu.dma_semaphore, #tpu.memory_space<semaphore_mem>>) src(%arg16 : memref<1000xf32, #tpu.memory_space<vmem>>) dst(%dma_wait3A_148 : memref<10240xf32, #tpu.memory_space<vmem_shared>>)
    %dma_wait3A_149 = arith.constant 0 : i32
    %dma_wait3A_150 = tpu.memref_slice %arg17[%dma_wait3A_149] : memref<10240xf32, #tpu.memory_space<vmem_shared>> -> memref<10240xf32, #tpu.memory_space<vmem_shared>>
    tpu.wait_indirect_dma semaphore(%arg19 : memref<!tpu.dma_semaphore, #tpu.memory_space<semaphore_mem>>) src(%arg16 : memref<1000xf32, #tpu.memory_space<vmem>>) dst(%dma_wait3A_150 : memref<10240xf32, #tpu.memory_space<vmem_shared>>)
    %dma_wait3A_151 = arith.constant 0 : i32
    %dma_wait3A_152 = tpu.memref_slice %arg17[%dma_wait3A_151] : memref<10240xf32, #tpu.memory_space<vmem_shared>> -> memref<10240xf32, #tpu.memory_space<vmem_shared>>
    tpu.wait_indirect_dma semaphore(%arg19 : memref<!tpu.dma_semaphore, #tpu.memory_space<semaphore_mem>>) src(%arg16 : memref<1000xf32, #tpu.memory_space<vmem>>) dst(%dma_wait3A_152 : memref<10240xf32, #tpu.memory_space<vmem_shared>>)
    %dma_wait3A_153 = arith.constant 0 : i32
    %dma_wait3A_154 = tpu.memref_slice %arg17[%dma_wait3A_153] : memref<10240xf32, #tpu.memory_space<vmem_shared>> -> memref<10240xf32, #tpu.memory_space<vmem_shared>>
    tpu.wait_indirect_dma semaphore(%arg19 : memref<!tpu.dma_semaphore, #tpu.memory_space<semaphore_mem>>) src(%arg16 : memref<1000xf32, #tpu.memory_space<vmem>>) dst(%dma_wait3A_154 : memref<10240xf32, #tpu.memory_space<vmem_shared>>)
    %dma_wait3A_155 = arith.constant 0 : i32
    %dma_wait3A_156 = tpu.memref_slice %arg17[%dma_wait3A_155] : memref<10240xf32, #tpu.memory_space<vmem_shared>> -> memref<10240xf32, #tpu.memory_space<vmem_shared>>
    tpu.wait_indirect_dma semaphore(%arg19 : memref<!tpu.dma_semaphore, #tpu.memory_space<semaphore_mem>>) src(%arg16 : memref<1000xf32, #tpu.memory_space<vmem>>) dst(%dma_wait3A_156 : memref<10240xf32, #tpu.memory_space<vmem_shared>>)
    %dma_wait3A_157 = arith.constant 0 : i32
    %dma_wait3A_158 = tpu.memref_slice %arg17[%dma_wait3A_157] : memref<10240xf32, #tpu.memory_space<vmem_shared>> -> memref<10240xf32, #tpu.memory_space<vmem_shared>>
    tpu.wait_indirect_dma semaphore(%arg19 : memref<!tpu.dma_semaphore, #tpu.memory_space<semaphore_mem>>) src(%arg16 : memref<1000xf32, #tpu.memory_space<vmem>>) dst(%dma_wait3A_158 : memref<10240xf32, #tpu.memory_space<vmem_shared>>)
    %dma_wait3A_159 = arith.constant 0 : i32
    %dma_wait3A_160 = tpu.memref_slice %arg17[%dma_wait3A_159] : memref<10240xf32, #tpu.memory_space<vmem_shared>> -> memref<10240xf32, #tpu.memory_space<vmem_shared>>
    tpu.wait_indirect_dma semaphore(%arg19 : memref<!tpu.dma_semaphore, #tpu.memory_space<semaphore_mem>>) src(%arg16 : memref<1000xf32, #tpu.memory_space<vmem>>) dst(%dma_wait3A_160 : memref<10240xf32, #tpu.memory_space<vmem_shared>>)
    %dma_wait3A_161 = arith.constant 0 : i32
    %dma_wait3A_162 = tpu.memref_slice %arg17[%dma_wait3A_161] : memref<10240xf32, #tpu.memory_space<vmem_shared>> -> memref<10240xf32, #tpu.memory_space<vmem_shared>>
    tpu.wait_indirect_dma semaphore(%arg19 : memref<!tpu.dma_semaphore, #tpu.memory_space<semaphore_mem>>) src(%arg16 : memref<1000xf32, #tpu.memory_space<vmem>>) dst(%dma_wait3A_162 : memref<10240xf32, #tpu.memory_space<vmem_shared>>)
    %barrier3A_163 = arith.constant 0 : index
    tpu.barrier barrier_id(%barrier3A_163)
    "tpu.region"() ({
      %run_scoped3A = tpu.sem_alloc : memref<!tpu.dma_semaphore, #tpu.memory_space<semaphore_mem>>
      %dma_start3A_164 = tpu.memref_slice %arg5[%arg0, %mul3A_2] : memref<2x10240xf32, #tpu.memory_space<hbm>> -> memref<1x640xf32, #tpu.memory_space<hbm>>
      %dma_start3A_165 = tpu.memref_squeeze %dma_start3A_164 : memref<1x640xf32, #tpu.memory_space<hbm>> -> memref<640xf32, #tpu.memory_space<hbm>>
      %dma_start3A_166 = tpu.memref_slice %arg17[%mul3A_2] : memref<10240xf32, #tpu.memory_space<vmem_shared>> -> memref<640xf32, #tpu.memory_space<vmem_shared>>
      tpu.enqueue_dma source(%dma_start3A_166 : memref<640xf32, #tpu.memory_space<vmem_shared>>) target(%dma_start3A_165 : memref<640xf32, #tpu.memory_space<hbm>>) target_semaphore(%run_scoped3A : memref<!tpu.dma_semaphore, #tpu.memory_space<semaphore_mem>>)
      %dma_wait3A_167 = tpu.memref_slice %arg5[%arg0, %mul3A_2] : memref<2x10240xf32, #tpu.memory_space<hbm>> -> memref<1x640xf32, #tpu.memory_space<hbm>>
      %dma_wait3A_168 = tpu.memref_squeeze %dma_wait3A_167 : memref<1x640xf32, #tpu.memory_space<hbm>> -> memref<640xf32, #tpu.memory_space<hbm>>
      %dma_wait3A_169 = tpu.memref_slice %arg17[%mul3A_2] : memref<10240xf32, #tpu.memory_space<vmem_shared>> -> memref<640xf32, #tpu.memory_space<vmem_shared>>
      tpu.wait_dma2 semaphore(%run_scoped3A : memref<!tpu.dma_semaphore, #tpu.memory_space<semaphore_mem>>) src(%dma_wait3A_169 : memref<640xf32, #tpu.memory_space<vmem_shared>>) dst(%dma_wait3A_168 : memref<640xf32, #tpu.memory_space<hbm>>)
      tpu.yield
    }) : () -> ()
    return
  }
}

module attributes {stable_mosaic.version = 14 : i64} {
  func.func @_tcmm_body(%arg0: memref<1250x1024xf32, #tpu.memory_space<vmem>>, %arg1: memref<1024x128xf32, #tpu.memory_space<vmem>>, %arg2: memref<1280x128xf32, #tpu.memory_space<vmem>>) attributes {dimension_semantics = [], scalar_prefetch = 0 : i64, scratch_operands = 0 : i64, tpu.core_type = #tpu.core_type<tc>} {
    %get3A = arith.constant 0 : index
    %get3A_0 = arith.constant 0 : index
    %get3A_1 = vector.load %arg0[%get3A, %get3A_0] : memref<1250x1024xf32, #tpu.memory_space<vmem>>, vector<1250x1024xf32>
    %get3A_2 = arith.constant 0 : index
    %get3A_3 = arith.constant 0 : index
    %get3A_4 = vector.load %arg1[%get3A_2, %get3A_3] : memref<1024x128xf32, #tpu.memory_space<vmem>>, vector<1024x128xf32>
    %dot_general3A = arith.constant dense<0.000000e+00> : vector<1250x128xf32>
    %dot_general3A_5 = tpu.matmul %get3A_1, %get3A_4, %dot_general3A {dimension_numbers = #tpu.dot_dimension_numbers<[1], [0], [0], [1], [0, 0, 1, 1], [], []>, transpose_lhs_hint = false} : vector<1250x1024xf32>, vector<1024x128xf32>, vector<1250x128xf32> -> vector<1250x128xf32>
    %swap3A = arith.constant 0 : index
    %swap3A_6 = arith.constant 0 : index
    %swap3A_7 = vector.load %arg2[%swap3A, %swap3A_6] : memref<1280x128xf32, #tpu.memory_space<vmem>>, vector<1250x128xf32>
    tpu.vector_store %arg2[%swap3A, %swap3A_6], %dot_general3A_5 {strides = array<i32>} : memref<1280x128xf32, #tpu.memory_space<vmem>>, vector<1250x128xf32>,
    %broadcast_in_dim3A = arith.constant 0.000000e+00 : f32
    %broadcast_in_dim3A_8 = vector.broadcast %broadcast_in_dim3A : f32 to vector<30x128xf32>
    %swap3A_9 = arith.constant 1250 : index
    %swap3A_10 = arith.constant 0 : index
    %swap3A_11 = vector.load %arg2[%swap3A_9, %swap3A_10] : memref<1280x128xf32, #tpu.memory_space<vmem>>, vector<30x128xf32>
    tpu.vector_store %arg2[%swap3A_9, %swap3A_10], %broadcast_in_dim3A_8 {strides = array<i32>} : memref<1280x128xf32, #tpu.memory_space<vmem>>, vector<30x128xf32>,
    return
  }
}

module attributes {stable_mosaic.version = 14 : i64} {
  func.func @_tcscale_body(%arg0: memref<2x1280x8xf32, #tpu.memory_space<vmem>>, %arg1: memref<8x128xf32, #tpu.memory_space<vmem>>, %arg2: memref<1280x128xf32, #tpu.memory_space<vmem>>, %arg3: memref<1280x128xf32, #tpu.memory_space<vmem>>, %arg4: memref<1280x128xf32, #tpu.memory_space<vmem>>) attributes {dimension_semantics = [], scalar_prefetch = 0 : i64, scratch_operands = 0 : i64, tpu.core_type = #tpu.core_type<tc>} {
    %get3A = arith.constant 0 : index
    %get3A_0 = arith.constant 0 : index
    %get3A_1 = arith.constant 0 : index
    %get3A_2 = vector.load %arg0[%get3A, %get3A_0, %get3A_1] : memref<2x1280x8xf32, #tpu.memory_space<vmem>>, vector<1x1280x8xf32>
    %get3A_3 = vector.shape_cast %get3A_2 : vector<1x1280x8xf32> to vector<1280x8xf32>
    %add3A = arith.constant 1.000000e+00 : f32
    %add3A_4 = vector.broadcast %add3A : f32 to vector<1280x8xf32>
    %add3A_5 = arith.addf %add3A_4, %get3A_3 : vector<1280x8xf32>
    %get3A_6 = arith.constant 1 : index
    %get3A_7 = arith.constant 0 : index
    %get3A_8 = arith.constant 0 : index
    %get3A_9 = vector.load %arg0[%get3A_6, %get3A_7, %get3A_8] : memref<2x1280x8xf32, #tpu.memory_space<vmem>>, vector<1x1280x8xf32>
    %get3A_10 = vector.shape_cast %get3A_9 : vector<1x1280x8xf32> to vector<1280x8xf32>
    %add3A_11 = arith.addf %add3A_5, %get3A_10 : vector<1280x8xf32>
    %rsqrt3A = math.rsqrt %add3A_11 : vector<1280x8xf32>
    %get3A_12 = arith.constant 0 : index
    %get3A_13 = arith.constant 0 : index
    %get3A_14 = vector.load %arg1[%get3A_12, %get3A_13] : memref<8x128xf32, #tpu.memory_space<vmem>>, vector<8x128xf32>
    %dot_general3A = arith.constant dense<0.000000e+00> : vector<1280x128xf32>
    %dot_general3A_15 = tpu.matmul %rsqrt3A, %get3A_14, %dot_general3A {dimension_numbers = #tpu.dot_dimension_numbers<[1], [0], [0], [1], [0, 0, 1, 1], [], []>, transpose_lhs_hint = false} : vector<1280x8xf32>, vector<8x128xf32>, vector<1280x128xf32> -> vector<1280x128xf32>
    %get3A_16 = arith.constant 0 : index
    %get3A_17 = arith.constant 0 : index
    %get3A_18 = vector.load %arg2[%get3A_16, %get3A_17] : memref<1280x128xf32, #tpu.memory_space<vmem>>, vector<1280x128xf32>
    %mul3A = arith.mulf %dot_general3A_15, %get3A_18 : vector<1280x128xf32>
    %swap3A = arith.constant 0 : index
    %swap3A_19 = arith.constant 0 : index
    %swap3A_20 = vector.load %arg3[%swap3A, %swap3A_19] : memref<1280x128xf32, #tpu.memory_space<vmem>>, vector<1280x128xf32>
    tpu.vector_store %arg3[%swap3A, %swap3A_19], %mul3A {strides = array<i32>} : memref<1280x128xf32, #tpu.memory_space<vmem>>, vector<1280x128xf32>,
    %swap3A_21 = arith.constant 0 : index
    %swap3A_22 = arith.constant 0 : index
    %swap3A_23 = vector.load %arg4[%swap3A_21, %swap3A_22] : memref<1280x128xf32, #tpu.memory_space<vmem>>, vector<1280x128xf32>
    tpu.vector_store %arg4[%swap3A_21, %swap3A_22], %dot_general3A_15 {strides = array<i32>} : memref<1280x128xf32, #tpu.memory_space<vmem>>, vector<1280x128xf32>,
    return
  }
}

module attributes {stable_mosaic.version = 14 : i64} {
  func.func @_tc2_body(%arg0: memref<2x1280x128xf32, #tpu.memory_space<vmem>>, %arg1: memref<1280x128xf32, #tpu.memory_space<vmem>>, %arg2: memref<1280x128xf32, #tpu.memory_space<vmem>>, %arg3: memref<1x128xf32, #tpu.memory_space<vmem>>, %arg4: memref<128x128xf32, #tpu.memory_space<vmem>>, %arg5: memref<1280x128xf32, #tpu.memory_space<vmem>>) attributes {dimension_semantics = [], scalar_prefetch = 0 : i64, scratch_operands = 0 : i64, tpu.core_type = #tpu.core_type<tc>} {
    %get3A = arith.constant 0 : index
    %get3A_0 = arith.constant 0 : index
    %get3A_1 = vector.load %arg2[%get3A, %get3A_0] : memref<1280x128xf32, #tpu.memory_space<vmem>>, vector<1280x128xf32>
    %get3A_2 = arith.constant 0 : index
    %get3A_3 = arith.constant 0 : index
    %get3A_4 = arith.constant 0 : index
    %get3A_5 = vector.load %arg0[%get3A_2, %get3A_3, %get3A_4] : memref<2x1280x128xf32, #tpu.memory_space<vmem>>, vector<1x1280x128xf32>
    %get3A_6 = vector.shape_cast %get3A_5 : vector<1x1280x128xf32> to vector<1280x128xf32>
    %get3A_7 = arith.constant 1 : index
    %get3A_8 = arith.constant 0 : index
    %get3A_9 = arith.constant 0 : index
    %get3A_10 = vector.load %arg0[%get3A_7, %get3A_8, %get3A_9] : memref<2x1280x128xf32, #tpu.memory_space<vmem>>, vector<1x1280x128xf32>
    %get3A_11 = vector.shape_cast %get3A_10 : vector<1x1280x128xf32> to vector<1280x128xf32>
    %add3A = arith.addf %get3A_6, %get3A_11 : vector<1280x128xf32>
    %get3A_12 = arith.constant 0 : index
    %get3A_13 = arith.constant 0 : index
    %get3A_14 = vector.load %arg1[%get3A_12, %get3A_13] : memref<1280x128xf32, #tpu.memory_space<vmem>>, vector<1280x128xf32>
    %add3A_15 = arith.addf %add3A, %get3A_14 : vector<1280x128xf32>
    %mul3A = arith.mulf %get3A_1, %add3A_15 : vector<1280x128xf32>
    %get3A_16 = arith.constant 0 : index
    %get3A_17 = arith.constant 0 : index
    %get3A_18 = vector.load %arg3[%get3A_16, %get3A_17] : memref<1x128xf32, #tpu.memory_space<vmem>>, vector<1x128xf32>
    %add3A_19 = vector.broadcast %get3A_18 : vector<1x128xf32> to vector<1280x128xf32>
    %add3A_20 = arith.addf %mul3A, %add3A_19 : vector<1280x128xf32>
    %max3A = arith.constant 0.000000e+00 : f32
    %max3A_21 = vector.broadcast %max3A : f32 to vector<1280x128xf32>
    %max3A_22 = arith.maximumf %add3A_20, %max3A_21 : vector<1280x128xf32>
    %get3A_23 = arith.constant 0 : index
    %get3A_24 = arith.constant 0 : index
    %get3A_25 = vector.load %arg4[%get3A_23, %get3A_24] : memref<128x128xf32, #tpu.memory_space<vmem>>, vector<128x128xf32>
    %dot_general3A = arith.constant dense<0.000000e+00> : vector<1280x128xf32>
    %dot_general3A_26 = tpu.matmul %max3A_22, %get3A_25, %dot_general3A {dimension_numbers = #tpu.dot_dimension_numbers<[1], [0], [0], [1], [0, 0, 1, 1], [], []>, transpose_lhs_hint = false} : vector<1280x128xf32>, vector<128x128xf32>, vector<1280x128xf32> -> vector<1280x128xf32>
    %slice3A = vector.extract_strided_slice %get3A_1 {offsets = [0, 0], sizes = [1250, 128], strides = [1, 1]} : vector<1280x128xf32> to vector<1250x128xf32>
    %slice3A_27 = vector.extract_strided_slice %dot_general3A_26 {offsets = [0, 0], sizes = [1250, 128], strides = [1, 1]} : vector<1280x128xf32> to vector<1250x128xf32>
    %mul3A_28 = arith.mulf %slice3A, %slice3A_27 : vector<1250x128xf32>
    %swap3A = arith.constant 0 : index
    %swap3A_29 = arith.constant 0 : index
    %swap3A_30 = vector.load %arg5[%swap3A, %swap3A_29] : memref<1280x128xf32, #tpu.memory_space<vmem>>, vector<1250x128xf32>
    tpu.vector_store %arg5[%swap3A, %swap3A_29], %mul3A_28 {strides = array<i32>} : memref<1280x128xf32, #tpu.memory_space<vmem>>, vector<1250x128xf32>,
    %broadcast_in_dim3A = arith.constant 0.000000e+00 : f32
    %broadcast_in_dim3A_31 = vector.broadcast %broadcast_in_dim3A : f32 to vector<30x128xf32>
    %swap3A_32 = arith.constant 1250 : index
    %swap3A_33 = arith.constant 0 : index
    %swap3A_34 = vector.load %arg5[%swap3A_32, %swap3A_33] : memref<1280x128xf32, #tpu.memory_space<vmem>>, vector<30x128xf32>
    tpu.vector_store %arg5[%swap3A_32, %swap3A_33], %broadcast_in_dim3A_31 {strides = array<i32>} : memref<1280x128xf32, #tpu.memory_space<vmem>>, vector<30x128xf32>,
    return
  }
}

module attributes {stable_mosaic.version = 14 : i64} {
  func.func @_tc3_body(%arg0: memref<2x1280x128xf32, #tpu.memory_space<vmem>>, %arg1: memref<1280x128xf32, #tpu.memory_space<vmem>>, %arg2: memref<1280x128xf32, #tpu.memory_space<vmem>>, %arg3: memref<1x128xf32, #tpu.memory_space<vmem>>, %arg4: memref<1250x128xf32, #tpu.memory_space<vmem>>) attributes {dimension_semantics = [], scalar_prefetch = 0 : i64, scratch_operands = 0 : i64, tpu.core_type = #tpu.core_type<tc>} {
    %get3A = arith.constant 0 : index
    %get3A_0 = arith.constant 0 : index
    %get3A_1 = vector.load %arg2[%get3A, %get3A_0] : memref<1280x128xf32, #tpu.memory_space<vmem>>, vector<1250x128xf32>
    %get3A_2 = arith.constant 0 : index
    %get3A_3 = arith.constant 0 : index
    %get3A_4 = arith.constant 0 : index
    %get3A_5 = vector.load %arg0[%get3A_2, %get3A_3, %get3A_4] : memref<2x1280x128xf32, #tpu.memory_space<vmem>>, vector<1x1250x128xf32>
    %get3A_6 = vector.shape_cast %get3A_5 : vector<1x1250x128xf32> to vector<1250x128xf32>
    %get3A_7 = arith.constant 1 : index
    %get3A_8 = arith.constant 0 : index
    %get3A_9 = arith.constant 0 : index
    %get3A_10 = vector.load %arg0[%get3A_7, %get3A_8, %get3A_9] : memref<2x1280x128xf32, #tpu.memory_space<vmem>>, vector<1x1250x128xf32>
    %get3A_11 = vector.shape_cast %get3A_10 : vector<1x1250x128xf32> to vector<1250x128xf32>
    %add3A = arith.addf %get3A_6, %get3A_11 : vector<1250x128xf32>
    %get3A_12 = arith.constant 0 : index
    %get3A_13 = arith.constant 0 : index
    %get3A_14 = vector.load %arg1[%get3A_12, %get3A_13] : memref<1280x128xf32, #tpu.memory_space<vmem>>, vector<1250x128xf32>
    %add3A_15 = arith.addf %add3A, %get3A_14 : vector<1250x128xf32>
    %mul3A = arith.mulf %get3A_1, %add3A_15 : vector<1250x128xf32>
    %get3A_16 = arith.constant 0 : index
    %get3A_17 = arith.constant 0 : index
    %get3A_18 = vector.load %arg3[%get3A_16, %get3A_17] : memref<1x128xf32, #tpu.memory_space<vmem>>, vector<1x128xf32>
    %add3A_19 = vector.broadcast %get3A_18 : vector<1x128xf32> to vector<1250x128xf32>
    %add3A_20 = arith.addf %mul3A, %add3A_19 : vector<1250x128xf32>
    %logistic3A = arith.negf %add3A_20 : vector<1250x128xf32>
    %logistic3A_21 = math.exp %logistic3A : vector<1250x128xf32>
    %logistic3A_22 = arith.constant 1.000000e+00 : f32
    %logistic3A_23 = vector.broadcast %logistic3A_22 : f32 to vector<1250x128xf32>
    %logistic3A_24 = arith.addf %logistic3A_23, %logistic3A_21 : vector<1250x128xf32>
    %logistic3A_25 = arith.divf %logistic3A_23, %logistic3A_24 : vector<1250x128xf32>
    %swap3A = arith.constant 0 : index
    %swap3A_26 = arith.constant 0 : index
    %swap3A_27 = vector.load %arg4[%swap3A, %swap3A_26] : memref<1250x128xf32, #tpu.memory_space<vmem>>, vector<1250x128xf32>
    tpu.vector_store %arg4[%swap3A, %swap3A_26], %logistic3A_25 {strides = array<i32>} : memref<1250x128xf32, #tpu.memory_space<vmem>>, vector<1250x128xf32>,
    return
  }
}

</mosaic_0001>

<sc_bundles>
// kernel: kernel.12.cloned.1.call-start
scs
__scs_entry_jumppad:
0x0: {  	(pc) =	sbr.rel $0x88, $3  }
0x1: {  	(tag) =	ssettag $0x0;
	lr =	simm.s32 $0x1  }
0x2: {  	[smem:$0x3F9B] =	sst lr;
	_ =	strace $0xD0000000  }
0x3: {  	_ = 	snop  }
0x4: {  	_ = 	snop  }
0x5: {  	_ = 	snop  }
0x6: {  	_ = 	snop  }
0x7: {  	_ = 	snop  }
__scs_overlays_trampoline_lowered:
0x8: {  	[smem:$0x3FAA] =	sst s0  }
0x9: {  	[smem:$0x3FAB] =	sst s1  }
0xa: {  	[smem:$0x3FAC] =	sst s2  }
0xb: {  	[smem:$0x3FAD] =	sst s3  }
0xc: {  	[smem:$0x3FAE] =	sst s4  }
0xd: {  	[smem:$0x3FAF] =	sst s5  }
0xe: {  	[smem:$0x3FB0] =	sst s6  }
0xf: {  	[smem:$0x3FB1] =	sst s7  }
0x10: {  	[smem:$0x3FB2] =	sst s8  }
0x11: {  	[smem:$0x3FB3] =	sst s9;
	s0 =	simm.s32 @!p0 $0x0  }
0x12: {  	s1 =	sld [smem:$0x3F99];
	s0 =	simm.s32 @p0 $0x1  }
0x13: {  	[smem:$0x3FB4] =	sst s0;
	s0 =	simm.s32 @!p1 $0x0  }
0x14: {  	s2 =	sld [smem:$0x3F98];
	s0 =	simm.s32 @p1 $0x1  }
0x15: {  	[smem:$0x3FB5] =	sst s0;
	s0 =	simm.s32 @!p2 $0x0  }
0x16: {  	s3 =	sld [smem:$0x3FDB];
	s0 =	simm.s32 @p2 $0x1  }
0x17: {  	s4 =	simm.s32 $0x1BF5;
	[smem:$0x3FB7] =	sst s0  }
0x18: {  	s0 =	sld [smem:$0x3F9A];
	_ =	swait.ge [sflag:s4], $0x0  }
0x19: {  	s7 =	sld [smem:$0x3F9B]  }
0x1a: {  	s8 =	sadd.s32 $0xFFFFE003, lr  }
0x1b: {  	s9 =	sadd.s32 $0xFFFFFEF7, lr;
	s5 =	simm.s32 $0xFFFFFFFF;
	p2 =	slt.u32 s8, $0xFFFFF086  }
0x1c: {  	p1 =	slt.u32 s9, $0xF7A;
	s5 =	simm.s32 @!p2 $0x0  }
0x1d: {  	s5 =	simm.s32 @p1 $0x1;
	p0 =	seq.s32 s7, s2  }
0x1e: {  	s7 =	smul.u32 @!p0 $0xF7A, s2;
	p2 =	seq.s32 @!p0 s5, $0x0  }
0x1f: {  	s9 =	smul.u32 $0xF7A, s1;
	s8 =	simm.s32 @!p0 $0x1BF5;
	p2 =	por !p2, p0  }
0x20: {  	[sflag:s8] =	ssyncset.s32 @!p0 $0xFFFFF086;
	s6 =	sadd.s32 @!p0 s3, s7;
	s7 =	simm.s32 @!p0 $0x108  }
0x21: {  	s3 =	sadd.s32 s3, s9;
	s6 =	sadd.s32 @!p0 $0x88, s6;
	s7 =	simm.s32 @p2 $0x1082  }
0x22: {  	[simem:s7], [sflag:s8] =	dma.local @!p0 [hbm:s6], $0xF7A  }
0x23: {  	s9 =	sor.u32 $0xD0000000, s2;
	s6 =	simm.s32 $0x108;
	_ =	swait.ge @!p0 [sflag:s8], $0x0  }
0x24: {  	s3 =	sadd.s32 $0x88, s3;
	s6 =	simm.s32 @!p1 $0x1082;
	[sflag:s4] =	ssyncset.s32 $0xFFFFF086  }
0x25: {  	[simem:s6], [sflag:s4] =	dma.local [hbm:s3], $0xF7A  }
0x26: {  	[smem:$0x3F9B] =	sst s1;
	(tag) =	ssettag s2;
	_ =	strace s9  }
0x27: {  	s1 =	sld [smem:$0x3FAB]  }
0x28: {  	s2 =	sld [smem:$0x3FAC]  }
0x29: {  	s4 =	sld [smem:$0x3FAE]  }
0x2a: {  	p0 =	seq.s32 s5, $0x0;
	s5 =	sld [smem:$0x3FAF]  }
0x2b: {  	s6 =	sld [smem:$0x3FB0]  }
0x2c: {  	s7 =	sld [smem:$0x3FB1]  }
0x2d: {  	s3 =	simm.s32 $0x108;
	s8 =	sld [smem:$0x3FB2]  }
0x2e: {  	s3 =	simm.s32 @!p0 $0x1082;
	s9 =	sld [smem:$0x3FB3]  }
0x2f: {  	lr =	sadd.s32 s0, s3;
	s0 =	sld [smem:$0x3FAA]  }
0x30: {  	s3 =	sld [smem:$0x3FAD]  }
0x31: {  	[smem:$0x3FB6] =	sst s10  }
0x32: {  	s10 =	sld [smem:$0x3FB4];
	_ =	sdelay $0x3  }
0x33: {  	p0 =	seq.s32 s10, $0x1;
	s10 =	sld [smem:$0x3FB6];
	_ =	sdelay $0x3  }
0x34: {  	[smem:$0x3FB6] =	sst s10  }
0x35: {  	s10 =	sld [smem:$0x3FB5];
	_ =	sdelay $0x3  }
0x36: {  	p1 =	seq.s32 s10, $0x1;
	s10 =	sld [smem:$0x3FB6];
	_ =	sdelay $0x3  }
0x37: {  	[smem:$0x3FB6] =	sst s10  }
0x38: {  	s10 =	sld [smem:$0x3FB7]  }
0x39: {  	_ = 	snop;
	(pc) =	sbr.ind lr, $3  }
0x3a: {  	_ = 	snop  }
0x3b: {  	_ = 	snop  }
0x3c: {  	p2 =	seq.s32 s10, $0x1;
	s10 =	sld [smem:$0x3FB6]  }
0x3d: {  	_ =	shalt  }
0x3e: {  	_ =	shalt  }
0x3f: {  	_ =	shalt  }
0x40: {  	_ =	shalt  }
0x41: {  	_ =	shalt  }
0x42: {  	_ =	shalt  }
0x43: {  	_ =	shalt  }
0x44: {  	_ =	shalt  }
0x45: {  	_ =	shalt  }
0x46: {  	_ =	shalt  }
0x47: {  	_ =	shalt  }
0x48: {  	_ =	shalt  }
0x49: {  	_ =	shalt  }
0x4a: {  	_ =	shalt  }
0x4b: {  	_ =	shalt  }
0x4c: {  	_ =	shalt  }
0x4d: {  	_ =	shalt  }
0x4e: {  	_ =	shalt  }
0x4f: {  	_ =	shalt  }
0x50: {  	_ =	shalt  }
0x51: {  	_ =	shalt  }
0x52: {  	_ =	shalt  }
0x53: {  	_ =	shalt  }
0x54: {  	_ =	shalt  }
0x55: {  	_ =	shalt  }
0x56: {  	_ =	shalt  }
0x57: {  	_ =	shalt  }
0x58: {  	_ =	shalt  }
0x59: {  	_ =	shalt  }
0x5a: {  	_ =	shalt  }
0x5b: {  	_ =	shalt  }
0x5c: {  	_ =	shalt  }
0x5d: {  	_ =	shalt  }
0x5e: {  	_ =	shalt  }
0x5f: {  	_ =	shalt  }
0x60: {  	_ =	shalt  }
0x61: {  	_ =	shalt  }
0x62: {  	_ =	shalt  }
0x63: {  	_ =	shalt  }
0x64: {  	_ =	shalt  }
0x65: {  	_ =	shalt  }
0x66: {  	_ =	shalt  }
0x67: {  	_ =	shalt  }
0x68: {  	_ =	shalt  }
0x69: {  	_ =	shalt  }
0x6a: {  	_ =	shalt  }
0x6b: {  	_ =	shalt  }
0x6c: {  	_ =	shalt  }
0x6d: {  	_ =	shalt  }
0x6e: {  	_ =	shalt  }
0x6f: {  	_ =	shalt  }
0x70: {  	_ =	shalt  }
0x71: {  	_ =	shalt  }
0x72: {  	_ =	shalt  }
0x73: {  	_ =	shalt  }
0x74: {  	_ =	shalt  }
0x75: {  	_ =	shalt  }
0x76: {  	_ =	shalt  }
0x77: {  	_ =	shalt  }
0x78: {  	_ =	shalt  }
0x79: {  	_ =	shalt  }
0x7a: {  	_ =	shalt  }
0x7b: {  	_ =	shalt  }
0x7c: {  	_ =	shalt  }
0x7d: {  	_ =	shalt  }
0x7e: {  	_ =	shalt  }
0x7f: {  	_ =	shalt  }
0x80: {  	_ =	shalt  }
0x81: {  	_ =	shalt  }
0x82: {  	_ =	shalt  }
0x83: {  	_ =	shalt  }
0x84: {  	_ =	shalt  }
0x85: {  	_ =	shalt  }
0x86: {  	_ =	shalt  }
0x87: {  	_ =	shalt  }
.Lfunc_end0:
.L_simem_size_0:
called_computation.1_lowered:
.L_overlay_start_0:
0x88: {  	s2 =	sld [smem:$0x3FD9]  }
0x89: {  	s3 =	sld [smem:$0x3FFE];
	_ =	sdelay $0x1  }
0x8a: {  	s1 =	srdreg.scid  }
0x8b: {  	s0 =	sand.u32 $0x1, s1  }
0x8c: {  	s16 =	sshll.u32 s0, $0xA;
	s2 =	sadd.s32 s3, s2  }
0x8d: {  	s2 =	sadd.s32 s2, s16  }
0x8e: {  	[smem:$0x3FC2] =	sst s2  }
0x8f: {  	_ = 	snop  }
0x90: {  	(tm) =	ssettm $0x1  }
0x91: {  	s17 =	sld [smem:$0x3FFB];
	_ =	sdelay $0x3  }
0x92: {  	_ =	strace s17  }
0x93: {  	s2 =	sld [smem:$0x3FFC];
	_ =	sdelay $0x3  }
0x94: {  	_ =	strace s2  }
0x95: {  	s2 =	sld [smem:$0x3FFD];
	_ =	sdelay $0x3  }
0x96: {  	_ =	strace s2  }
0x97: {  	_ =	strace $0x8FFFFFFF  }
0x98: {  	s18 =	sld [smem:$0x3FDB];
	_ =	sdelay $0x1  }
0x99: {  	s19 =	simm.s32 $_scs_section_size  }
0x9a: {  	s4 =	simm.s32 $_size__tile_overlayer_lowered;
	s5 =	simm.s32 $_tile_overlayer_lowered  }
0x9b: {  	s22 =	simm.s32 $0x1BFF;
	s21 =	sshll.u32 s5, $0x1;
	s2 =	sadd.s32 s19, s18  }
0x9c: {  	s6 =	simm.s32 $0x0;
	s20 =	sshll.u32 s4, $0x1;
	s4 =	sadd.s32 s21, s2  }
0x9d: {  	[timem:s6], [sflag:s22] =	dma.local [hbm:s4], s20  }
0x9e: {  	_ =	swait.ge [sflag:s22], s20  }
0x9f: {  	s3 =	ssub.s32 $0x0, s20;
	[sflag:s22] =	ssyncset.done $0x0  }
0xa0: {  	[sflag:s22] =	ssyncadd.s32 s3;
	_ =	sdelay $0x1  }
0xa1: {  	s23 =	simm.s32 $0x1B8B  }
0xa2: {  	_ =	swait.ge [sflag:s23], $0x1  }
0xa3: {  	[sflag:s23] =	ssyncset.done $0x0  }
0xa4: {  	s25 =	simm.s32 $0x1B8E;
	s24 =	sld [smem:$0x3FFE];
	[sflag:s23] =	ssyncadd.s32 $0xFFFFFFFF  }
0xa5: {  	s26 =	simm.s32 $execute0_lowered;
	[smem:$0x3FD2] =	sst s25  }
0xa6: {  	s4 =	sshll.u32 s26, $0x1;
	_ =	strace $0x80000049;
	[dreg:$0x1] =	wrdreg $0xFFFFFFFF  }
0xa7: {  	s28 =	simm.s32 $_size_execute0_lowered;
	s2 =	sadd.s32 s2, s4;
	[dreg:$0x0] =	wrdreg $0x0  }
0xa8: {  	s4 =	sshll.u32 s28, $0x1;
	[dreg:$0x2] =	wrdreg s2  }
0xa9: {  	[dreg:$0x3] =	wrdreg s4  }
0xaa: {  	[dreg:$0x4] =	wrdreg $0xC0  }
0xab: {  	_ =	task [dreg:s6], $0x5FFFF  }
0xac: {  	[dreg:$0x1] =	wrdreg $0xFFFFFFFF  }
0xad: {  	[dreg:$0x0] =	wrdreg $0x60  }
0xae: {  	[dreg:$0x2] =	wrdreg s24  }
0xaf: {  	[dreg:$0x3] =	wrdreg $0x148200  }
0xb0: {  	[dreg:$0x4] =	wrdreg $0x9  }
0xb1: {  	_ =	task.clear_ibuf [dreg:s6], $0x5FFFF;
	_ =	strace $0x90000049  }
0xb2: {  	s29 =	simm.s32 $0x9;
	_ =	strace $0x8000004B  }
0xb3: {  	_ =	swait.ge [sflag:s29], $0x1  }
0xb4: {  	[sflag:s29] =	ssyncadd.s32 $0xFFFFFFFF  }
0xb5: {  	_ =	strace $0x9000004B  }
0xb6: {  	_ =	sfence  }
0xb7: {  	s30 =	sld [smem:$0x0];
	_ =	sdelay $0x2  }
0xb8: {  	s31 =	sshll.u32 s1, $0xD;
	s1 =	sshrl.u32 s1, $0x2  }
0xb9: {  	s3 =	sand.u32 $0x4000, s31;
	s1 =	sadd.s32 s1, s30  }
0xba: {  	s0 =	sor.u32 s3, s0;
	s1 =	sshll.u32 s1, $0x11  }
0xbb: {  	s0 =	sor.u32 s1, s0  }
0xbc: {  	s0 =	sadd.s32 $0x8F2B, s0  }
0xbd: {  	[sflag:s0] =	ssyncadd.remote.s32 $0x1  }
0xbe: {  	_ =	sfence.sel $0xFFFF  }
0xbf: {  	[dreg:$0x0] =	wrdreg $0xFFFFFFFF;
	(pc) =	sbr.abs _section_cstart, $3  }
0xc0: {  	[dreg:$0x1] =	wrdreg $0xFFFFFFFF  }
0xc1: {  	_ =	task.clear_ibuf [dreg:s6], $0x2FFFF;
	_ =	strace $0x9FFFFFFF  }
0xc2: {  	(tm) =	ssettm $0x7FFFFFFF  }
0xc3: {  	_ =	shalt  }
tec
execute0_lowered:
.L_overlay_start_1:
0x0: {  	(tag) =	ssettag $0x1  }
0x1: {  	s1 =	rddreg [dreg:$0x0]  }
0x2: {  	s2 =	rddreg [dreg:$0x1];
	s9 =	simm.s32 $0x0;
	s13 =	stileid.u32  }
0x3: {  	s0 =	srdreg.scid;
	s31 =	simm.s32 $0x2EE0;
	s30 =	simm.s32 $0x32C8  }
0x4: {  	p0 =	por $0x0, $0x0;
	s29 =	simm.s32 $0x4;
	s28 =	simm.s32 $0x5  }
0x5: {  	s4 =	smul.u32 $0x2800, s13;
	s5 =	sand.u32 $0x1, s0;
	s19 =	sshll.u32 s13, $0x1  }
0x6: {  	[smem:$0x7FF] =	sst s9;
	s6 =	smul.u32 $0x28000, s5;
	s0 =	sor.u32 s5, s19  }
0x7: {  	s8 =	sadd.s32 $0x2A00, s1;
	s3 =	sadd.s32 $0x16400, s1;
	s7 =	smul.u32 $0x2710, s0  }
0x8: {  	_ =	strace $0x8000004A;
	s5 =	ssub.s32 $0x2, s5;
	s20 =	sshrl.u32 s4, $0x3  }
0x9: {  	s10 =	sadd.s32 s20, s1;
	s21 =	sadd.s32 s4, s6;
	s22 =	sshrl.u32 s7, $0x3  }
0xa: {  	s11 =	sshrl.u32 s21, $0x3;
	s24 =	sadd.s32 $0x4E5E8, s7;
	s25 =	sadd.s32 $0x4EDB8, s7  }
0xb: {  	s15 =	sadd.s32 $0x4F588, s7;
	s18 =	sadd.s32 $0x4FD58, s7;
	s7 =	sadd.s32 $0x50528, s7  }
0xc: {  	s23 =	sadd.s32 s8, s22;
	s6 =	sshrl.u32 s24, $0x3;
	s7 =	sshrl.u32 s7, $0x3  }
0xd: {  	s22 =	sshrl.u32 s5, $0x1;
	s12 =	sadd.s32 $0x9C40, s23;
	[dreg:$0x17] =	wrdreg s23  }
0xe: {  	s1 =	sadd.s32 s11, s1;
	s6 =	sadd.s32 s8, s6;
	[dreg:$0x3] =	wrdreg s12  }
0xf: {  	s24 =	sadd.s32 s4, s2;
	s26 =	sadd.s32 $0x9D3A, s23;
	[dreg:$0x4] =	wrdreg s6  }
0x10: {  	s11 =	simm.s32 $0x4A38;
	s16 =	sadd.s32 $0x9E34, s23;
	[dreg:$0x5] =	wrdreg s26  }
0x11: {  	s19 =	sadd.s32 $0x9F2E, s23;
	s21 =	sadd.s32 $0xA028, s23;
	[dreg:$0x7] =	wrdreg s16  }
0x12: {  	s23 =	sadd.s32 s8, s7;
	s5 =	ssub.s32 s5, s22;
	[dreg:$0x9] =	wrdreg s19  }
0x13: {  	s1 =	sadd.s32 $0x20400, s1;
	s22 =	simm.s32 $0x1F40;
	[dreg:$0xb] =	wrdreg s21  }
0x14: {  	s12 =	sshrl.u32 s25, $0x3;
	[dreg:$0xc] =	wrdreg s23;
	s25 =	sadd.s32 $0x1B400, s10  }
0x15: {  	s26 =	sshll.u32 s13, $0x6;
	[dreg:$0xe] =	wrdreg s1;
	s0 =	smax.u32 s5, $0x1  }
0x16: {  	s23 =	simm.s32 $0x3A98;
	s13 =	simm.s32 $0x4268;
	s10 =	simm.s32 $0x4650  }
0x17: {  	s16 =	simm.s32 $0xBB8;
	s5 =	sshrl.u32 s24, $0x3;
	s6 =	simm.s32 $0xA  }
0x18: {  	s19 =	simm.s32 $0x1388;
	s1 =	simm.s32 $0x1;
	[dreg:$0x15] =	wrdreg s22  }
0x19: {  	s21 =	simm.s32 $0x1B58;
	s24 =	simm.s32 $0x2328;
	[dreg:$0xd] =	wrdreg s25  }
0x1a: {  	s22 =	simm.s32 $0x109A0;
	s14 =	sadd.s32 s8, s12;
	[dreg:$0x10] =	wrdreg s16  }
0x1b: {  	s12 =	sshrl.u32 s15, $0x3;
	s4 =	sor.u32 $0x1C0A, s26;
	[dreg:$0x12] =	wrdreg s19  }
0x1c: {  	s26 =	simm.s32 $0x36B0;
	s15 =	simm.s32 $0x7D0;
	[dreg:$0x14] =	wrdreg s21  }
0x1d: {  	s16 =	simm.s32 $0x4E20;
	s25 =	simm.s32 $0xCB20;
	[dreg:$0x16] =	wrdreg s24  }
0x1e: {  	p1 =	sne.s32 s0, $0x1;
	s0 =	sadd.s32 $0xFFFFFFFF, s0;
	s24 =	simm.s32 $0x2  }
0x1f: {  	s21 =	simm.s32 $0x3;
	s19 =	simm.s32 $0x9;
	[dreg:$0x6] =	wrdreg s14  }
0x20: {  	s17 =	sadd.s32 s8, s12;
	s12 =	sshrl.u32 s18, $0x3;
	[dreg:$0xf] =	wrdreg s15  }
.Ltmp0:
0x21: {  	s18 =	simm.s32 $0x3E80;
	[dreg:$0x8] =	wrdreg s17;
	(pc) =	sbr.rel @!p1 .LBB2_1-.Ltmp0, $4  }
0x22: {  	s14 =	simm.s32 $0x8CA0;
	s20 =	sadd.s32 s8, s12;
	s8 =	rddreg [dreg:$0xd]  }
0x23: {  	s15 =	simm.s32 $0x7;
	s17 =	simm.s32 $0xFA0;
	[dreg:$0xa] =	wrdreg s20  }
0x24: {  	s12 =	simm.s32 $0x3E8;
	[dreg:$0x11] =	wrdreg s17;
	s20 =	simm.s32 $0x1770  }
0x25: {  	s17 =	simm.s32 $0x6;
	[dreg:$0x13] =	wrdreg s20;
	s20 =	simm.s32 $0x8  }
0x26: {  	s7 =	rddreg [dreg:$0x3]  }
0x27: {  	[dreg:$0x18] =	wrdreg s0  }
0x28: {  	s0 =	rddreg [dreg:$0x17]  }
0x29: {  	[tilespmem:s9], [sflag:$0x1] =	stream.linear.gather [hbm4b:s0+s9], $0x2710, $0x38;
	[tilespmem:$0x17020] =	vst v63  }
0x2a: {  	s0 =	rddreg [dreg:$0x4]  }
0x2b: {  	[dreg:$0x19] =	wrdreg s0;
	s0 =	simm.s32 $0x2710  }
0x2c: {  	[tilespmem:s0], [sflag:$0x1] =	stream.linear.gather [hbm4b:s7+s9], $0x3E8, $0x38;
	[tilespmem:$0x17020] =	vst v63  }
0x2d: {  	s7 =	rddreg [dreg:$0x5]  }
0x2e: {  	[dreg:$0x1a] =	wrdreg s7  }
0x2f: {  	s0 =	simm.s32 $0x2AF8;
	s7 =	rddreg [dreg:$0x19]  }
0x30: {  	[tilespmem:s0], [sflag:$0x1] =	stream.linear.gather [hbm4b:s7+s9], $0x3E8, $0x38;
	[tilespmem:$0x17020] =	vst v63  }
0x31: {  	s7 =	rddreg [dreg:$0x6]  }
0x32: {  	s0 =	rddreg [dreg:$0x1a]  }
0x33: {  	[dreg:$0x1b] =	wrdreg s7  }
0x34: {  	s7 =	rddreg [dreg:$0x7]  }
0x35: {  	[tilespmem:s31], [sflag:$0x1] =	stream.linear.gather [hbm4b:s0+s9], $0x3E8, $0x38;
	[tilespmem:$0x17020] =	vst v63  }
0x36: {  	s0 =	rddreg [dreg:$0x1b]  }
0x37: {  	[tilespmem:s30], [sflag:$0x1] =	stream.linear.gather [hbm4b:s0+s9], $0x3E8, $0x38;
	[tilespmem:$0x17020] =	vst v63  }
0x38: {  	s0 =	rddreg [dreg:$0x8]  }
0x39: {  	[tilespmem:s26], [sflag:$0x1] =	stream.linear.gather [hbm4b:s7+s9], $0x3E8, $0x38;
	[tilespmem:$0x17020] =	vst v63  }
0x3a: {  	s7 =	rddreg [dreg:$0x9]  }
0x3b: {  	[tilespmem:s23], [sflag:$0x1] =	stream.linear.gather [hbm4b:s0+s9], $0x3E8, $0x38;
	[tilespmem:$0x17020] =	vst v63  }
0x3c: {  	s0 =	rddreg [dreg:$0xa]  }
0x3d: {  	[tilespmem:s18], [sflag:$0x1] =	stream.linear.gather [hbm4b:s7+s9], $0x3E8, $0x38;
	[tilespmem:$0x17020] =	vst v63  }
0x3e: {  	s7 =	rddreg [dreg:$0xb]  }
0x3f: {  	[dreg:$0x1c] =	wrdreg s7  }
0x40: {  	[tilespmem:s13], [sflag:$0x1] =	stream.linear.gather [hbm4b:s0+s9], $0x3E8, $0x38;
	[tilespmem:$0x17020] =	vst v63  }
0x41: {  	s0 =	rddreg [dreg:$0x1c]  }
0x42: {  	[tilespmem:s10], [sflag:$0x1] =	stream.linear.gather [hbm4b:s0+s9], $0x3E8, $0x38;
	[tilespmem:$0x17020] =	vst v63  }
0x43: {  	s7 =	rddreg [dreg:$0xc]  }
0x44: {  	[tilespmem:s11], [sflag:$0x1] =	stream.linear.gather [hbm4b:s7+s9], $0x3E8, $0x38;
	[tilespmem:$0x17020] =	vst v63  }
0x45: {  	[spmem:s5], [sflag:s4] =	dma.local [hbm:s8], $0x500  }
0x46: {  	_ =	swait.ge [sflag:s6], $0x500  }
0x47: {  	[sflag:s6] =	ssyncset.done $0x0  }
0x48: {  	[sflag:s6] =	ssyncadd.s32 $0xFFFFFB00  }
0x49: {  	_ =	swait.ge [sflag:s1], $0x2710  }
0x4a: {  	[sflag:s1] =	ssyncset.done $0x0  }
0x4b: {  	[sflag:s1] =	ssyncadd.s32 $0xFFFFD8F0  }
0x4c: {  	_ =	swait.ge [sflag:s1], $0x3E8  }
0x4d: {  	[sflag:s1] =	ssyncset.done $0x0  }
0x4e: {  	[sflag:s1] =	ssyncadd.s32 $0xFFFFFC18  }
0x4f: {  	_ =	swait.ge [sflag:s1], $0x3E8  }
0x50: {  	[sflag:s1] =	ssyncset.done $0x0  }
0x51: {  	[sflag:s1] =	ssyncadd.s32 $0xFFFFFC18  }
0x52: {  	_ =	swait.ge [sflag:s1], $0x3E8  }
0x53: {  	[sflag:s1] =	ssyncset.done $0x0  }
0x54: {  	[sflag:s1] =	ssyncadd.s32 $0xFFFFFC18  }
0x55: {  	_ =	swait.ge [sflag:s1], $0x3E8  }
0x56: {  	[sflag:s1] =	ssyncset.done $0x0  }
0x57: {  	[sflag:s1] =	ssyncadd.s32 $0xFFFFFC18  }
0x58: {  	_ =	swait.ge [sflag:s1], $0x3E8  }
0x59: {  	[sflag:s1] =	ssyncset.done $0x0  }
0x5a: {  	[sflag:s1] =	ssyncadd.s32 $0xFFFFFC18  }
0x5b: {  	_ =	swait.ge [sflag:s1], $0x3E8  }
0x5c: {  	[sflag:s1] =	ssyncset.done $0x0  }
0x5d: {  	[sflag:s1] =	ssyncadd.s32 $0xFFFFFC18  }
0x5e: {  	_ =	swait.ge [sflag:s1], $0x3E8  }
0x5f: {  	[sflag:s1] =	ssyncset.done $0x0  }
0x60: {  	[sflag:s1] =	ssyncadd.s32 $0xFFFFFC18  }
0x61: {  	_ =	swait.ge [sflag:s1], $0x3E8  }
0x62: {  	[sflag:s1] =	ssyncset.done $0x0  }
0x63: {  	[sflag:s1] =	ssyncadd.s32 $0xFFFFFC18  }
0x64: {  	_ =	swait.ge [sflag:s1], $0x3E8  }
0x65: {  	[sflag:s1] =	ssyncset.done $0x0  }
0x66: {  	[sflag:s1] =	ssyncadd.s32 $0xFFFFFC18  }
0x67: {  	_ =	swait.ge [sflag:s1], $0x3E8  }
0x68: {  	[sflag:s1] =	ssyncset.done $0x0  }
0x69: {  	[sflag:s1] =	ssyncadd.s32 $0xFFFFFC18  }
0x6a: {  	[bflag:$0x0] =	sbarrier.arrive $0xFFFF  }
0x6b: {  	[tilespmem:s16], [sflag:$0x2] =	stream.indirect.gather [hbm4b:s3+s12], $0x10, s9, s12, $0xb8;
	[tilespmem:$0x17020] =	vst v63  }
0x6c: {  	_ = 	snop  }
0x6d: {  	[tilespmem:s14], [sflag:$0x3] =	stream.indirect.gather [hbm4b:s3+s12], $0x10, s12, s12, $0xb8;
	[tilespmem:$0x17020] =	vst v63  }
0x6e: {  	s8 =	rddreg [dreg:$0xf]  }
0x6f: {  	[tilespmem:s25], [sflag:$0x4] =	stream.indirect.gather [hbm4b:s3+s12], $0x10, s8, s12, $0xb8;
	[tilespmem:$0x17020] =	vst v63  }
0x70: {  	s0 =	rddreg [dreg:$0x10]  }
0x71: {  	[tilespmem:s22], [sflag:$0x5] =	stream.indirect.gather [hbm4b:s3+s12], $0x10, s0, s12, $0xb8;
	[tilespmem:$0x17020] =	vst v63  }
0x72: {  	_ =	swait.ge [sflag:s24], $0x3E80  }
0x73: {  	[sflag:s24] =	ssyncset.done $0x0  }
0x74: {  	s8 =	simm.s32 $0x2710;
	[sflag:s24] =	ssyncadd.s32 $0xFFFFC180  }
0x75: {  	[spmem:s2] =	stream.indirect.scatter.add.f32 [tilespmem:s16], [sflag:$0x6], $0x10, s8, s12, $0xb8;
	[tilespmem:$0x17020] =	vst v63  }
0x76: {  	_ =	swait.ge [sflag:s17], $0x3E80  }
0x77: {  	[sflag:s17] =	ssyncset.done $0x0  }
0x78: {  	s0 =	rddreg [dreg:$0x11];
	[sflag:s17] =	ssyncadd.s32 $0xFFFFC180  }
0x79: {  	[tilespmem:s16], [sflag:$0x2] =	stream.indirect.gather [hbm4b:s3+s12], $0x10, s0, s12, $0xb8;
	[tilespmem:$0x17020] =	vst v63  }
0x7a: {  	_ =	swait.ge [sflag:s21], $0x3E80  }
0x7b: {  	[sflag:s21] =	ssyncset.done $0x0  }
0x7c: {  	s7 =	simm.s32 $0x2AF8;
	[sflag:s21] =	ssyncadd.s32 $0xFFFFC180  }
0x7d: {  	[spmem:s2] =	stream.indirect.scatter.add.f32 [tilespmem:s14], [sflag:$0x7], $0x10, s7, s12, $0xb8;
	[tilespmem:$0x17020] =	vst v63  }
0x7e: {  	_ =	swait.ge [sflag:s15], $0x3E80  }
0x7f: {  	[sflag:s15] =	ssyncset.done $0x0  }
0x80: {  	s8 =	rddreg [dreg:$0x12];
	[sflag:s15] =	ssyncadd.s32 $0xFFFFC180  }
0x81: {  	[tilespmem:s14], [sflag:$0x3] =	stream.indirect.gather [hbm4b:s3+s12], $0x10, s8, s12, $0xb8;
	[tilespmem:$0x17020] =	vst v63  }
0x82: {  	_ =	swait.ge [sflag:s29], $0x3E80  }
0x83: {  	[sflag:s29] =	ssyncset.done $0x0  }
0x84: {  	[sflag:s29] =	ssyncadd.s32 $0xFFFFC180  }
0x85: {  	[spmem:s2] =	stream.indirect.scatter.add.f32 [tilespmem:s25], [sflag:$0x8], $0x10, s31, s12, $0xb8;
	[tilespmem:$0x17020] =	vst v63  }
0x86: {  	_ =	swait.ge [sflag:s20], $0x3E80  }
0x87: {  	[sflag:s20] =	ssyncset.done $0x0  }
0x88: {  	s0 =	rddreg [dreg:$0x13];
	[sflag:s20] =	ssyncadd.s32 $0xFFFFC180  }
0x89: {  	[tilespmem:s25], [sflag:$0x4] =	stream.indirect.gather [hbm4b:s3+s12], $0x10, s0, s12, $0xb8;
	[tilespmem:$0x17020] =	vst v63  }
0x8a: {  	_ =	swait.ge [sflag:s28], $0x3E80  }
0x8b: {  	[sflag:s28] =	ssyncset.done $0x0  }
0x8c: {  	[sflag:s28] =	ssyncadd.s32 $0xFFFFC180  }
0x8d: {  	[spmem:s2] =	stream.indirect.scatter.add.f32 [tilespmem:s22], [sflag:$0x9], $0x10, s30, s12, $0xb8;
	[tilespmem:$0x17020] =	vst v63  }
0x8e: {  	_ =	swait.ge [sflag:s19], $0x3E80  }
0x8f: {  	[sflag:s19] =	ssyncset.done $0x0  }
0x90: {  	s8 =	rddreg [dreg:$0x14];
	[sflag:s19] =	ssyncadd.s32 $0xFFFFC180  }
0x91: {  	[tilespmem:s22], [sflag:$0x5] =	stream.indirect.gather [hbm4b:s3+s12], $0x10, s8, s12, $0xb8;
	[tilespmem:$0x17020] =	vst v63  }
0x92: {  	_ =	swait.ge [sflag:s24], $0x3E80  }
0x93: {  	[sflag:s24] =	ssyncset.done $0x0  }
0x94: {  	[sflag:s24] =	ssyncadd.s32 $0xFFFFC180  }
0x95: {  	[spmem:s2] =	stream.indirect.scatter.add.f32 [tilespmem:s16], [sflag:$0x6], $0x10, s26, s12, $0xb8;
	[tilespmem:$0x17020] =	vst v63  }
0x96: {  	_ =	swait.ge [sflag:s17], $0x3E80  }
0x97: {  	[sflag:s17] =	ssyncset.done $0x0  }
0x98: {  	s0 =	rddreg [dreg:$0x15];
	[sflag:s17] =	ssyncadd.s32 $0xFFFFC180  }
0x99: {  	[tilespmem:s16], [sflag:$0x2] =	stream.indirect.gather [hbm4b:s3+s12], $0x10, s0, s12, $0xb8;
	[tilespmem:$0x17020] =	vst v63  }
0x9a: {  	_ =	swait.ge [sflag:s21], $0x3E80  }
0x9b: {  	[sflag:s21] =	ssyncset.done $0x0  }
0x9c: {  	[sflag:s21] =	ssyncadd.s32 $0xFFFFC180  }
0x9d: {  	[spmem:s2] =	stream.indirect.scatter.add.f32 [tilespmem:s14], [sflag:$0x7], $0x10, s23, s12, $0xb8;
	[tilespmem:$0x17020] =	vst v63  }
0x9e: {  	_ =	swait.ge [sflag:s15], $0x3E80  }
0x9f: {  	[sflag:s15] =	ssyncset.done $0x0  }
0xa0: {  	s8 =	rddreg [dreg:$0x16];
	[sflag:s15] =	ssyncadd.s32 $0xFFFFC180  }
0xa1: {  	[tilespmem:s14], [sflag:$0x3] =	stream.indirect.gather [hbm4b:s3+s12], $0x10, s8, s12, $0xb8;
	[tilespmem:$0x17020] =	vst v63  }
0xa2: {  	_ =	swait.ge [sflag:s29], $0x3E80  }
0xa3: {  	[sflag:s29] =	ssyncset.done $0x0  }
0xa4: {  	[sflag:s29] =	ssyncadd.s32 $0xFFFFC180  }
0xa5: {  	[spmem:s2] =	stream.indirect.scatter.add.f32 [tilespmem:s25], [sflag:$0x8], $0x10, s18, s12, $0xb8;
	[tilespmem:$0x17020] =	vst v63  }
0xa6: {  	_ =	swait.ge [sflag:s28], $0x3E80  }
0xa7: {  	[sflag:s28] =	ssyncset.done $0x0  }
0xa8: {  	[sflag:s28] =	ssyncadd.s32 $0xFFFFC180  }
0xa9: {  	[spmem:s2] =	stream.indirect.scatter.add.f32 [tilespmem:s22], [sflag:$0x9], $0x10, s13, s12, $0xb8;
	[tilespmem:$0x17020] =	vst v63  }
0xaa: {  	_ =	swait.ge [sflag:s24], $0x3E80  }
0xab: {  	[sflag:s24] =	ssyncset.done $0x0  }
0xac: {  	[sflag:s24] =	ssyncadd.s32 $0xFFFFC180  }
0xad: {  	[spmem:s2] =	stream.indirect.scatter.add.f32 [tilespmem:s16], [sflag:$0x6], $0x10, s10, s12, $0xb8;
	[tilespmem:$0x17020] =	vst v63  }
0xae: {  	_ =	swait.ge [sflag:s21], $0x3E80  }
0xaf: {  	[sflag:s21] =	ssyncset.done $0x0  }
0xb0: {  	[sflag:s21] =	ssyncadd.s32 $0xFFFFC180  }
0xb1: {  	[spmem:s2] =	stream.indirect.scatter.add.f32 [tilespmem:s14], [sflag:$0x7], $0x10, s11, s12, $0xb8;
	[tilespmem:$0x17020] =	vst v63  }
0xb2: {  	_ =	swait.ge [sflag:s20], $0x3E80  }
0xb3: {  	[sflag:s20] =	ssyncset.done $0x0  }
0xb4: {  	[sflag:s20] =	ssyncadd.s32 $0xFFFFC180  }
0xb5: {  	_ =	swait.ge [sflag:s19], $0x3E80  }
0xb6: {  	[sflag:s19] =	ssyncset.done $0x0  }
0xb7: {  	[sflag:s19] =	ssyncadd.s32 $0xFFFFC180  }
0xb8: {  	_ =	swait.ge [sflag:s17], $0x3E80  }
0xb9: {  	[sflag:s17] =	ssyncset.done $0x0  }
0xba: {  	[sflag:s17] =	ssyncadd.s32 $0xFFFFC180  }
0xbb: {  	_ =	swait.ge [sflag:s15], $0x3E80  }
0xbc: {  	[sflag:s15] =	ssyncset.done $0x0  }
0xbd: {  	[sflag:s15] =	ssyncadd.s32 $0xFFFFC180  }
0xbe: {  	[bflag:$0x0] =	sbarrier.arrive $0xFFFF  }
0xbf: {  	s0 =	rddreg [dreg:$0xe]  }
0xc0: {  	[hbm:s0], [sflag:s4] =	dma.local [spmem:s5], $0x500  }
0xc1: {  	s8 =	rddreg [dreg:$0x18]  }
0xc2: {  	p1 =	sne.s32 s8, $0x1  }
.Ltmp1:
0xc3: {  	_ = 	snop;
	(pc) =	sbr.rel @!p1 .LBB2_3-.Ltmp1, $3  }
0xc4: {  	_ =	sdelay $0x1  }
0xc5: {  	p0 =	por $0x1, $0x1;
	_ =	swait.ge [sflag:s6], $0x500  }
0xc6: {  	s7 =	sadd.s32 $0xFFFFFFFF, s8;
	s8 =	rddreg [dreg:$0xd];
	[sflag:s6] =	ssyncset.done $0x0  }
.LBB2_4:
0xc7: {  	[sflag:s6] =	ssyncadd.s32 $0xFFFFFB00;
	s0 =	rddreg [dreg:$0x17]  }
0xc8: {  	[tilespmem:s9], [sflag:$0x1] =	stream.linear.gather [hbm4b:s0+s9], $0x2710, $0x38;
	[tilespmem:$0x17020] =	vst v63  }
0xc9: {  	s10 =	rddreg [dreg:$0x3];
	s6 =	simm.s32 $0x2710  }
0xca: {  	[tilespmem:s6], [sflag:$0x1] =	stream.linear.gather [hbm4b:s10+s9], $0x3E8, $0x38;
	[tilespmem:$0x17020] =	vst v63  }
0xcb: {  	s25 =	simm.s32 $0x2AF8;
	s11 =	rddreg [dreg:$0x4]  }
0xcc: {  	[tilespmem:s25], [sflag:$0x1] =	stream.linear.gather [hbm4b:s11+s9], $0x3E8, $0x38;
	[tilespmem:$0x17020] =	vst v63  }
0xcd: {  	s22 =	simm.s32 $0x2EE0;
	s10 =	rddreg [dreg:$0x5]  }
0xce: {  	[tilespmem:s22], [sflag:$0x1] =	stream.linear.gather [hbm4b:s10+s9], $0x3E8, $0x38;
	[tilespmem:$0x17020] =	vst v63  }
0xcf: {  	s0 =	simm.s32 $0x32C8;
	s11 =	rddreg [dreg:$0x6]  }
0xd0: {  	[tilespmem:s0], [sflag:$0x1] =	stream.linear.gather [hbm4b:s11+s9], $0x3E8, $0x38;
	[tilespmem:$0x17020] =	vst v63  }
0xd1: {  	s31 =	simm.s32 $0x36B0;
	s10 =	rddreg [dreg:$0x7]  }
0xd2: {  	[tilespmem:s31], [sflag:$0x1] =	stream.linear.gather [hbm4b:s10+s9], $0x3E8, $0x38;
	[tilespmem:$0x17020] =	vst v63  }
0xd3: {  	s30 =	simm.s32 $0x3A98;
	s11 =	rddreg [dreg:$0x8]  }
0xd4: {  	[tilespmem:s30], [sflag:$0x1] =	stream.linear.gather [hbm4b:s11+s9], $0x3E8, $0x38;
	[tilespmem:$0x17020] =	vst v63  }
0xd5: {  	s26 =	simm.s32 $0x3E80;
	s10 =	rddreg [dreg:$0x9]  }
0xd6: {  	[tilespmem:s26], [sflag:$0x1] =	stream.linear.gather [hbm4b:s10+s9], $0x3E8, $0x38;
	[tilespmem:$0x17020] =	vst v63  }
0xd7: {  	s23 =	simm.s32 $0x4268;
	s11 =	rddreg [dreg:$0xa]  }
0xd8: {  	[tilespmem:s23], [sflag:$0x1] =	stream.linear.gather [hbm4b:s11+s9], $0x3E8, $0x38;
	[tilespmem:$0x17020] =	vst v63  }
0xd9: {  	s18 =	simm.s32 $0x4650;
	s10 =	rddreg [dreg:$0xb]  }
0xda: {  	[tilespmem:s18], [sflag:$0x1] =	stream.linear.gather [hbm4b:s10+s9], $0x3E8, $0x38;
	[tilespmem:$0x17020] =	vst v63  }
0xdb: {  	s13 =	simm.s32 $0x4A38;
	s14 =	simm.s32 $0xA;
	s11 =	rddreg [dreg:$0xc]  }
0xdc: {  	[tilespmem:s13], [sflag:$0x1] =	stream.linear.gather [hbm4b:s11+s9], $0x3E8, $0x38;
	[tilespmem:$0x17020] =	vst v63  }
0xdd: {  	[spmem:s5], [sflag:s4] =	dma.local [hbm:s8], $0x500  }
0xde: {  	_ =	swait.ge [sflag:s14], $0x500  }
0xdf: {  	[sflag:s14] =	ssyncset.done $0x0  }
0xe0: {  	[sflag:s14] =	ssyncadd.s32 $0xFFFFFB00  }
0xe1: {  	_ =	swait.ge [sflag:s1], $0x2710  }
0xe2: {  	[sflag:s1] =	ssyncset.done $0x0  }
0xe3: {  	[sflag:s1] =	ssyncadd.s32 $0xFFFFD8F0  }
0xe4: {  	_ =	swait.ge [sflag:s1], $0x3E8  }
0xe5: {  	[sflag:s1] =	ssyncset.done $0x0  }
0xe6: {  	[sflag:s1] =	ssyncadd.s32 $0xFFFFFC18  }
0xe7: {  	_ =	swait.ge [sflag:s1], $0x3E8  }
0xe8: {  	[sflag:s1] =	ssyncset.done $0x0  }
0xe9: {  	[sflag:s1] =	ssyncadd.s32 $0xFFFFFC18  }
0xea: {  	_ =	swait.ge [sflag:s1], $0x3E8  }
0xeb: {  	[sflag:s1] =	ssyncset.done $0x0  }
0xec: {  	[sflag:s1] =	ssyncadd.s32 $0xFFFFFC18  }
0xed: {  	_ =	swait.ge [sflag:s1], $0x3E8  }
0xee: {  	[sflag:s1] =	ssyncset.done $0x0  }
0xef: {  	[sflag:s1] =	ssyncadd.s32 $0xFFFFFC18  }
0xf0: {  	_ =	swait.ge [sflag:s1], $0x3E8  }
0xf1: {  	[sflag:s1] =	ssyncset.done $0x0  }
0xf2: {  	[sflag:s1] =	ssyncadd.s32 $0xFFFFFC18  }
0xf3: {  	_ =	swait.ge [sflag:s1], $0x3E8  }
0xf4: {  	[sflag:s1] =	ssyncset.done $0x0  }
0xf5: {  	[sflag:s1] =	ssyncadd.s32 $0xFFFFFC18  }
0xf6: {  	_ =	swait.ge [sflag:s1], $0x3E8  }
0xf7: {  	[sflag:s1] =	ssyncset.done $0x0  }
0xf8: {  	[sflag:s1] =	ssyncadd.s32 $0xFFFFFC18  }
0xf9: {  	_ =	swait.ge [sflag:s1], $0x3E8  }
0xfa: {  	[sflag:s1] =	ssyncset.done $0x0  }
0xfb: {  	[sflag:s1] =	ssyncadd.s32 $0xFFFFFC18  }
0xfc: {  	_ =	swait.ge [sflag:s1], $0x3E8  }
0xfd: {  	[sflag:s1] =	ssyncset.done $0x0  }
0xfe: {  	[sflag:s1] =	ssyncadd.s32 $0xFFFFFC18  }
0xff: {  	_ =	swait.ge [sflag:s1], $0x3E8  }
0x100: {  	[sflag:s1] =	ssyncset.done $0x0  }
0x101: {  	[sflag:s1] =	ssyncadd.s32 $0xFFFFFC18  }
0x102: {  	[bflag:$0x0] =	sbarrier.arrive $0xFFFF  }
0x103: {  	[tilespmem:s16], [sflag:$0x2] =	stream.indirect.gather [hbm4b:s3+s12], $0x10, s9, s12, $0xb8;
	[tilespmem:$0x17020] =	vst v63  }
0x104: {  	s14 =	simm.s32 $0x8CA0  }
0x105: {  	[tilespmem:s14], [sflag:$0x3] =	stream.indirect.gather [hbm4b:s3+s12], $0x10, s12, s12, $0xb8;
	[tilespmem:$0x17020] =	vst v63  }
0x106: {  	s25 =	simm.s32 $0xCB20;
	s8 =	rddreg [dreg:$0xf]  }
0x107: {  	[tilespmem:s25], [sflag:$0x4] =	stream.indirect.gather [hbm4b:s3+s12], $0x10, s8, s12, $0xb8;
	[tilespmem:$0x17020] =	vst v63  }
0x108: {  	s22 =	simm.s32 $0x109A0;
	s10 =	rddreg [dreg:$0x10]  }
0x109: {  	[tilespmem:s22], [sflag:$0x5] =	stream.indirect.gather [hbm4b:s3+s12], $0x10, s10, s12, $0xb8;
	[tilespmem:$0x17020] =	vst v63  }
0x10a: {  	_ =	swait.ge [sflag:s24], $0x3E80  }
0x10b: {  	[sflag:s24] =	ssyncset.done $0x0  }
0x10c: {  	[sflag:s24] =	ssyncadd.s32 $0xFFFFC180  }
0x10d: {  	[spmem:s2] =	stream.indirect.scatter.add.f32 [tilespmem:s16], [sflag:$0x6], $0x10, s6, s12, $0xb8;
	[tilespmem:$0x17020] =	vst v63  }
0x10e: {  	_ =	swait.ge [sflag:s17], $0x3E80  }
0x10f: {  	[sflag:s17] =	ssyncset.done $0x0  }
0x110: {  	s8 =	rddreg [dreg:$0x11];
	[sflag:s17] =	ssyncadd.s32 $0xFFFFC180  }
0x111: {  	[tilespmem:s16], [sflag:$0x2] =	stream.indirect.gather [hbm4b:s3+s12], $0x10, s8, s12, $0xb8;
	[tilespmem:$0x17020] =	vst v63  }
0x112: {  	_ =	swait.ge [sflag:s21], $0x3E80  }
0x113: {  	[sflag:s21] =	ssyncset.done $0x0  }
0x114: {  	s0 =	simm.s32 $0x2AF8;
	[sflag:s21] =	ssyncadd.s32 $0xFFFFC180  }
0x115: {  	[spmem:s2] =	stream.indirect.scatter.add.f32 [tilespmem:s14], [sflag:$0x7], $0x10, s0, s12, $0xb8;
	[tilespmem:$0x17020] =	vst v63  }
0x116: {  	_ =	swait.ge [sflag:s15], $0x3E80  }
0x117: {  	[sflag:s15] =	ssyncset.done $0x0  }
0x118: {  	s0 =	rddreg [dreg:$0x12];
	[sflag:s15] =	ssyncadd.s32 $0xFFFFC180  }
0x119: {  	[tilespmem:s14], [sflag:$0x3] =	stream.indirect.gather [hbm4b:s3+s12], $0x10, s0, s12, $0xb8;
	[tilespmem:$0x17020] =	vst v63  }
0x11a: {  	_ =	swait.ge [sflag:s29], $0x3E80  }
0x11b: {  	[sflag:s29] =	ssyncset.done $0x0  }
0x11c: {  	s31 =	simm.s32 $0x2EE0;
	[sflag:s29] =	ssyncadd.s32 $0xFFFFC180  }
0x11d: {  	[spmem:s2] =	stream.indirect.scatter.add.f32 [tilespmem:s25], [sflag:$0x8], $0x10, s31, s12, $0xb8;
	[tilespmem:$0x17020] =	vst v63  }
0x11e: {  	_ =	swait.ge [sflag:s20], $0x3E80  }
0x11f: {  	[sflag:s20] =	ssyncset.done $0x0  }
0x120: {  	s0 =	rddreg [dreg:$0x13];
	[sflag:s20] =	ssyncadd.s32 $0xFFFFC180  }
0x121: {  	[tilespmem:s25], [sflag:$0x4] =	stream.indirect.gather [hbm4b:s3+s12], $0x10, s0, s12, $0xb8;
	[tilespmem:$0x17020] =	vst v63  }
0x122: {  	_ =	swait.ge [sflag:s28], $0x3E80  }
0x123: {  	[sflag:s28] =	ssyncset.done $0x0  }
0x124: {  	s30 =	simm.s32 $0x32C8;
	[sflag:s28] =	ssyncadd.s32 $0xFFFFC180  }
0x125: {  	[spmem:s2] =	stream.indirect.scatter.add.f32 [tilespmem:s22], [sflag:$0x9], $0x10, s30, s12, $0xb8;
	[tilespmem:$0x17020] =	vst v63  }
0x126: {  	_ =	swait.ge [sflag:s19], $0x3E80  }
0x127: {  	[sflag:s19] =	ssyncset.done $0x0  }
0x128: {  	s0 =	rddreg [dreg:$0x14];
	[sflag:s19] =	ssyncadd.s32 $0xFFFFC180  }
0x129: {  	[tilespmem:s22], [sflag:$0x5] =	stream.indirect.gather [hbm4b:s3+s12], $0x10, s0, s12, $0xb8;
	[tilespmem:$0x17020] =	vst v63  }
0x12a: {  	_ =	swait.ge [sflag:s24], $0x3E80  }
0x12b: {  	[sflag:s24] =	ssyncset.done $0x0  }
0x12c: {  	s26 =	simm.s32 $0x36B0;
	[sflag:s24] =	ssyncadd.s32 $0xFFFFC180  }
0x12d: {  	[spmem:s2] =	stream.indirect.scatter.add.f32 [tilespmem:s16], [sflag:$0x6], $0x10, s26, s12, $0xb8;
	[tilespmem:$0x17020] =	vst v63  }
0x12e: {  	_ =	swait.ge [sflag:s17], $0x3E80  }
0x12f: {  	[sflag:s17] =	ssyncset.done $0x0  }
0x130: {  	s0 =	rddreg [dreg:$0x15];
	[sflag:s17] =	ssyncadd.s32 $0xFFFFC180  }
0x131: {  	[tilespmem:s16], [sflag:$0x2] =	stream.indirect.gather [hbm4b:s3+s12], $0x10, s0, s12, $0xb8;
	[tilespmem:$0x17020] =	vst v63  }
0x132: {  	_ =	swait.ge [sflag:s21], $0x3E80  }
0x133: {  	[sflag:s21] =	ssyncset.done $0x0  }
0x134: {  	s23 =	simm.s32 $0x3A98;
	[sflag:s21] =	ssyncadd.s32 $0xFFFFC180  }
0x135: {  	[spmem:s2] =	stream.indirect.scatter.add.f32 [tilespmem:s14], [sflag:$0x7], $0x10, s23, s12, $0xb8;
	[tilespmem:$0x17020] =	vst v63  }
0x136: {  	_ =	swait.ge [sflag:s15], $0x3E80  }
0x137: {  	[sflag:s15] =	ssyncset.done $0x0  }
0x138: {  	s0 =	rddreg [dreg:$0x16];
	[sflag:s15] =	ssyncadd.s32 $0xFFFFC180  }
0x139: {  	[tilespmem:s14], [sflag:$0x3] =	stream.indirect.gather [hbm4b:s3+s12], $0x10, s0, s12, $0xb8;
	[tilespmem:$0x17020] =	vst v63  }
0x13a: {  	_ =	swait.ge [sflag:s29], $0x3E80  }
0x13b: {  	[sflag:s29] =	ssyncset.done $0x0  }
0x13c: {  	s18 =	simm.s32 $0x3E80;
	[sflag:s29] =	ssyncadd.s32 $0xFFFFC180  }
0x13d: {  	[spmem:s2] =	stream.indirect.scatter.add.f32 [tilespmem:s25], [sflag:$0x8], $0x10, s18, s12, $0xb8;
	[tilespmem:$0x17020] =	vst v63  }
0x13e: {  	_ =	swait.ge [sflag:s28], $0x3E80  }
0x13f: {  	[sflag:s28] =	ssyncset.done $0x0  }
0x140: {  	s13 =	simm.s32 $0x4268;
	[sflag:s28] =	ssyncadd.s32 $0xFFFFC180  }
0x141: {  	[spmem:s2] =	stream.indirect.scatter.add.f32 [tilespmem:s22], [sflag:$0x9], $0x10, s13, s12, $0xb8;
	[tilespmem:$0x17020] =	vst v63  }
0x142: {  	_ =	swait.ge [sflag:s24], $0x3E80  }
0x143: {  	[sflag:s24] =	ssyncset.done $0x0  }
0x144: {  	s10 =	simm.s32 $0x4650;
	[sflag:s24] =	ssyncadd.s32 $0xFFFFC180  }
0x145: {  	[spmem:s2] =	stream.indirect.scatter.add.f32 [tilespmem:s16], [sflag:$0x6], $0x10, s10, s12, $0xb8;
	[tilespmem:$0x17020] =	vst v63  }
0x146: {  	_ =	swait.ge [sflag:s21], $0x3E80  }
0x147: {  	[sflag:s21] =	ssyncset.done $0x0  }
0x148: {  	s11 =	simm.s32 $0x4A38;
	[sflag:s21] =	ssyncadd.s32 $0xFFFFC180  }
0x149: {  	[spmem:s2] =	stream.indirect.scatter.add.f32 [tilespmem:s14], [sflag:$0x7], $0x10, s11, s12, $0xb8;
	[tilespmem:$0x17020] =	vst v63  }
0x14a: {  	_ =	swait.ge [sflag:s20], $0x3E80  }
0x14b: {  	[sflag:s20] =	ssyncset.done $0x0  }
0x14c: {  	[sflag:s20] =	ssyncadd.s32 $0xFFFFC180  }
0x14d: {  	_ =	swait.ge [sflag:s19], $0x3E80  }
0x14e: {  	[sflag:s19] =	ssyncset.done $0x0  }
0x14f: {  	[sflag:s19] =	ssyncadd.s32 $0xFFFFC180  }
0x150: {  	_ =	swait.ge [sflag:s17], $0x3E80  }
0x151: {  	[sflag:s17] =	ssyncset.done $0x0  }
0x152: {  	[sflag:s17] =	ssyncadd.s32 $0xFFFFC180  }
0x153: {  	_ =	swait.ge [sflag:s15], $0x3E80  }
0x154: {  	[sflag:s15] =	ssyncset.done $0x0  }
0x155: {  	p1 =	sne.s32 s7, $0x1;
	[sflag:s15] =	ssyncadd.s32 $0xFFFFC180  }
.Ltmp2:
0x156: {  	[bflag:$0x0] =	sbarrier.arrive $0xFFFF;
	(pc) =	sbr.rel @p1 .LBB2_4-.Ltmp2, $4  }
0x157: {  	s6 =	simm.s32 $0xA;
	s0 =	rddreg [dreg:$0xe]  }
0x158: {  	[hbm:s0], [sflag:s4] =	dma.local [spmem:s5], $0x500  }
0x159: {  	_ =	swait.ge [sflag:s6], $0x500  }
0x15a: {  	s7 =	sadd.s32 $0xFFFFFFFF, s7;
	s8 =	rddreg [dreg:$0xd];
	[sflag:s6] =	ssyncset.done $0x0  }
0x15b: {  	s0 =	rddreg [dreg:$0x17]  }
.LBB2_6:
0x15c: {  	[sflag:s6] =	ssyncadd.s32 @p0 $0xFFFFFB00;
	s7 =	rddreg [dreg:$0x3]  }
0x15d: {  	[tilespmem:s9], [sflag:$0x1] =	stream.linear.gather [hbm4b:s0+s9], $0x2710, $0x38;
	[tilespmem:$0x17020] =	vst v63  }
0x15e: {  	s0 =	rddreg [dreg:$0x4]  }
0x15f: {  	[dreg:$0x1d] =	wrdreg s0;
	s0 =	simm.s32 $0x2710  }
0x160: {  	[tilespmem:s0], [sflag:$0x1] =	stream.linear.gather [hbm4b:s7+s9], $0x3E8, $0x38;
	[tilespmem:$0x17020] =	vst v63  }
0x161: {  	s7 =	rddreg [dreg:$0x5]  }
0x162: {  	[dreg:$0x1e] =	wrdreg s7  }
0x163: {  	s0 =	simm.s32 $0x2AF8;
	s7 =	rddreg [dreg:$0x1d]  }
0x164: {  	[tilespmem:s0], [sflag:$0x1] =	stream.linear.gather [hbm4b:s7+s9], $0x3E8, $0x38;
	[tilespmem:$0x17020] =	vst v63  }
0x165: {  	s7 =	rddreg [dreg:$0x1e]  }
0x166: {  	[tilespmem:s31], [sflag:$0x1] =	stream.linear.gather [hbm4b:s7+s9], $0x3E8, $0x38;
	[tilespmem:$0x17020] =	vst v63  }
0x167: {  	s0 =	rddreg [dreg:$0x6]  }
0x168: {  	[tilespmem:s30], [sflag:$0x1] =	stream.linear.gather [hbm4b:s0+s9], $0x3E8, $0x38;
	[tilespmem:$0x17020] =	vst v63  }
0x169: {  	s7 =	rddreg [dreg:$0x7]  }
0x16a: {  	[tilespmem:s26], [sflag:$0x1] =	stream.linear.gather [hbm4b:s7+s9], $0x3E8, $0x38;
	[tilespmem:$0x17020] =	vst v63  }
0x16b: {  	s0 =	rddreg [dreg:$0x8]  }
0x16c: {  	[tilespmem:s23], [sflag:$0x1] =	stream.linear.gather [hbm4b:s0+s9], $0x3E8, $0x38;
	[tilespmem:$0x17020] =	vst v63  }
0x16d: {  	s7 =	rddreg [dreg:$0x9]  }
0x16e: {  	[tilespmem:s18], [sflag:$0x1] =	stream.linear.gather [hbm4b:s7+s9], $0x3E8, $0x38;
	[tilespmem:$0x17020] =	vst v63  }
0x16f: {  	s0 =	rddreg [dreg:$0xa]  }
0x170: {  	[tilespmem:s13], [sflag:$0x1] =	stream.linear.gather [hbm4b:s0+s9], $0x3E8, $0x38;
	[tilespmem:$0x17020] =	vst v63  }
0x171: {  	s7 =	rddreg [dreg:$0xb]  }
0x172: {  	[tilespmem:s10], [sflag:$0x1] =	stream.linear.gather [hbm4b:s7+s9], $0x3E8, $0x38;
	[tilespmem:$0x17020] =	vst v63  }
0x173: {  	s0 =	rddreg [dreg:$0xc]  }
0x174: {  	[tilespmem:s11], [sflag:$0x1] =	stream.linear.gather [hbm4b:s0+s9], $0x3E8, $0x38;
	[tilespmem:$0x17020] =	vst v63  }
0x175: {  	[spmem:s5], [sflag:s4] =	dma.local [hbm:s8], $0x500  }
0x176: {  	_ =	swait.ge [sflag:s6], $0x500  }
0x177: {  	[sflag:s6] =	ssyncset.done $0x0  }
0x178: {  	[sflag:s6] =	ssyncadd.s32 $0xFFFFFB00  }
0x179: {  	_ =	swait.ge [sflag:s1], $0x2710  }
0x17a: {  	[sflag:s1] =	ssyncset.done $0x0  }
0x17b: {  	[sflag:s1] =	ssyncadd.s32 $0xFFFFD8F0  }
0x17c: {  	_ =	swait.ge [sflag:s1], $0x3E8  }
0x17d: {  	[sflag:s1] =	ssyncset.done $0x0  }
0x17e: {  	[sflag:s1] =	ssyncadd.s32 $0xFFFFFC18  }
0x17f: {  	_ =	swait.ge [sflag:s1], $0x3E8  }
0x180: {  	[sflag:s1] =	ssyncset.done $0x0  }
0x181: {  	[sflag:s1] =	ssyncadd.s32 $0xFFFFFC18  }
0x182: {  	_ =	swait.ge [sflag:s1], $0x3E8  }
0x183: {  	[sflag:s1] =	ssyncset.done $0x0  }
0x184: {  	[sflag:s1] =	ssyncadd.s32 $0xFFFFFC18  }
0x185: {  	_ =	swait.ge [sflag:s1], $0x3E8  }
0x186: {  	[sflag:s1] =	ssyncset.done $0x0  }
0x187: {  	[sflag:s1] =	ssyncadd.s32 $0xFFFFFC18  }
0x188: {  	_ =	swait.ge [sflag:s1], $0x3E8  }
0x189: {  	[sflag:s1] =	ssyncset.done $0x0  }
0x18a: {  	[sflag:s1] =	ssyncadd.s32 $0xFFFFFC18  }
0x18b: {  	_ =	swait.ge [sflag:s1], $0x3E8  }
0x18c: {  	[sflag:s1] =	ssyncset.done $0x0  }
0x18d: {  	[sflag:s1] =	ssyncadd.s32 $0xFFFFFC18  }
0x18e: {  	_ =	swait.ge [sflag:s1], $0x3E8  }
0x18f: {  	[sflag:s1] =	ssyncset.done $0x0  }
0x190: {  	[sflag:s1] =	ssyncadd.s32 $0xFFFFFC18  }
0x191: {  	_ =	swait.ge [sflag:s1], $0x3E8  }
0x192: {  	[sflag:s1] =	ssyncset.done $0x0  }
0x193: {  	[sflag:s1] =	ssyncadd.s32 $0xFFFFFC18  }
0x194: {  	_ =	swait.ge [sflag:s1], $0x3E8  }
0x195: {  	[sflag:s1] =	ssyncset.done $0x0  }
0x196: {  	[sflag:s1] =	ssyncadd.s32 $0xFFFFFC18  }
0x197: {  	_ =	swait.ge [sflag:s1], $0x3E8  }
0x198: {  	[sflag:s1] =	ssyncset.done $0x0  }
0x199: {  	[sflag:s1] =	ssyncadd.s32 $0xFFFFFC18  }
0x19a: {  	[bflag:$0x0] =	sbarrier.arrive $0xFFFF  }
0x19b: {  	[tilespmem:s16], [sflag:$0x2] =	stream.indirect.gather [hbm4b:s3+s12], $0x10, s9, s12, $0xb8;
	[tilespmem:$0x17020] =	vst v63  }
0x19c: {  	_ = 	snop  }
0x19d: {  	[tilespmem:s14], [sflag:$0x3] =	stream.indirect.gather [hbm4b:s3+s12], $0x10, s12, s12, $0xb8;
	[tilespmem:$0x17020] =	vst v63  }
0x19e: {  	s8 =	rddreg [dreg:$0xf]  }
0x19f: {  	[tilespmem:s25], [sflag:$0x4] =	stream.indirect.gather [hbm4b:s3+s12], $0x10, s8, s12, $0xb8;
	[tilespmem:$0x17020] =	vst v63  }
0x1a0: {  	s9 =	rddreg [dreg:$0x10]  }
0x1a1: {  	[tilespmem:s22], [sflag:$0x5] =	stream.indirect.gather [hbm4b:s3+s12], $0x10, s9, s12, $0xb8;
	[tilespmem:$0x17020] =	vst v63  }
0x1a2: {  	_ =	swait.ge [sflag:s24], $0x3E80  }
0x1a3: {  	[sflag:s24] =	ssyncset.done $0x0  }
0x1a4: {  	s7 =	simm.s32 $0x2710;
	[sflag:s24] =	ssyncadd.s32 $0xFFFFC180  }
0x1a5: {  	[spmem:s2] =	stream.indirect.scatter.add.f32 [tilespmem:s16], [sflag:$0x6], $0x10, s7, s12, $0xb8;
	[tilespmem:$0x17020] =	vst v63  }
0x1a6: {  	_ =	swait.ge [sflag:s17], $0x3E80  }
0x1a7: {  	[sflag:s17] =	ssyncset.done $0x0  }
0x1a8: {  	s8 =	rddreg [dreg:$0x11];
	[sflag:s17] =	ssyncadd.s32 $0xFFFFC180  }
0x1a9: {  	[tilespmem:s16], [sflag:$0x2] =	stream.indirect.gather [hbm4b:s3+s12], $0x10, s8, s12, $0xb8;
	[tilespmem:$0x17020] =	vst v63  }
0x1aa: {  	_ =	swait.ge [sflag:s21], $0x3E80  }
0x1ab: {  	[sflag:s21] =	ssyncset.done $0x0  }
0x1ac: {  	s9 =	simm.s32 $0x2AF8;
	[sflag:s21] =	ssyncadd.s32 $0xFFFFC180  }
0x1ad: {  	[spmem:s2] =	stream.indirect.scatter.add.f32 [tilespmem:s14], [sflag:$0x7], $0x10, s9, s12, $0xb8;
	[tilespmem:$0x17020] =	vst v63  }
0x1ae: {  	_ =	swait.ge [sflag:s15], $0x3E80  }
0x1af: {  	[sflag:s15] =	ssyncset.done $0x0  }
0x1b0: {  	s1 =	rddreg [dreg:$0x12];
	[sflag:s15] =	ssyncadd.s32 $0xFFFFC180  }
0x1b1: {  	[tilespmem:s14], [sflag:$0x3] =	stream.indirect.gather [hbm4b:s3+s12], $0x10, s1, s12, $0xb8;
	[tilespmem:$0x17020] =	vst v63  }
0x1b2: {  	_ =	swait.ge [sflag:s29], $0x3E80  }
0x1b3: {  	[sflag:s29] =	ssyncset.done $0x0  }
0x1b4: {  	[sflag:s29] =	ssyncadd.s32 $0xFFFFC180  }
0x1b5: {  	[spmem:s2] =	stream.indirect.scatter.add.f32 [tilespmem:s25], [sflag:$0x8], $0x10, s31, s12, $0xb8;
	[tilespmem:$0x17020] =	vst v63  }
0x1b6: {  	_ =	swait.ge [sflag:s20], $0x3E80  }
0x1b7: {  	[sflag:s20] =	ssyncset.done $0x0  }
0x1b8: {  	s7 =	rddreg [dreg:$0x13];
	[sflag:s20] =	ssyncadd.s32 $0xFFFFC180  }
0x1b9: {  	[tilespmem:s25], [sflag:$0x4] =	stream.indirect.gather [hbm4b:s3+s12], $0x10, s7, s12, $0xb8;
	[tilespmem:$0x17020] =	vst v63  }
0x1ba: {  	_ =	swait.ge [sflag:s28], $0x3E80  }
0x1bb: {  	[sflag:s28] =	ssyncset.done $0x0  }
0x1bc: {  	[sflag:s28] =	ssyncadd.s32 $0xFFFFC180  }
0x1bd: {  	[spmem:s2] =	stream.indirect.scatter.add.f32 [tilespmem:s22], [sflag:$0x9], $0x10, s30, s12, $0xb8;
	[tilespmem:$0x17020] =	vst v63  }
0x1be: {  	_ =	swait.ge [sflag:s19], $0x3E80  }
0x1bf: {  	[sflag:s19] =	ssyncset.done $0x0  }
0x1c0: {  	s8 =	rddreg [dreg:$0x14];
	[sflag:s19] =	ssyncadd.s32 $0xFFFFC180  }
0x1c1: {  	[tilespmem:s22], [sflag:$0x5] =	stream.indirect.gather [hbm4b:s3+s12], $0x10, s8, s12, $0xb8;
	[tilespmem:$0x17020] =	vst v63  }
0x1c2: {  	_ =	swait.ge [sflag:s24], $0x3E80  }
0x1c3: {  	[sflag:s24] =	ssyncset.done $0x0  }
0x1c4: {  	[sflag:s24] =	ssyncadd.s32 $0xFFFFC180  }
0x1c5: {  	[spmem:s2] =	stream.indirect.scatter.add.f32 [tilespmem:s16], [sflag:$0x6], $0x10, s26, s12, $0xb8;
	[tilespmem:$0x17020] =	vst v63  }
0x1c6: {  	_ =	swait.ge [sflag:s17], $0x3E80  }
0x1c7: {  	[sflag:s17] =	ssyncset.done $0x0  }
0x1c8: {  	s9 =	rddreg [dreg:$0x15];
	[sflag:s17] =	ssyncadd.s32 $0xFFFFC180  }
0x1c9: {  	[tilespmem:s16], [sflag:$0x2] =	stream.indirect.gather [hbm4b:s3+s12], $0x10, s9, s12, $0xb8;
	[tilespmem:$0x17020] =	vst v63  }
0x1ca: {  	_ =	swait.ge [sflag:s21], $0x3E80  }
0x1cb: {  	[sflag:s21] =	ssyncset.done $0x0  }
0x1cc: {  	[sflag:s21] =	ssyncadd.s32 $0xFFFFC180  }
0x1cd: {  	[spmem:s2] =	stream.indirect.scatter.add.f32 [tilespmem:s14], [sflag:$0x7], $0x10, s23, s12, $0xb8;
	[tilespmem:$0x17020] =	vst v63  }
0x1ce: {  	_ =	swait.ge [sflag:s15], $0x3E80  }
0x1cf: {  	[sflag:s15] =	ssyncset.done $0x0  }
0x1d0: {  	s26 =	rddreg [dreg:$0x16];
	[sflag:s15] =	ssyncadd.s32 $0xFFFFC180  }
0x1d1: {  	[tilespmem:s14], [sflag:$0x3] =	stream.indirect.gather [hbm4b:s3+s12], $0x10, s26, s12, $0xb8;
	[tilespmem:$0x17020] =	vst v63  }
0x1d2: {  	_ =	swait.ge [sflag:s29], $0x3E80  }
0x1d3: {  	[sflag:s29] =	ssyncset.done $0x0  }
0x1d4: {  	[sflag:s29] =	ssyncadd.s32 $0xFFFFC180  }
0x1d5: {  	[spmem:s2] =	stream.indirect.scatter.add.f32 [tilespmem:s25], [sflag:$0x8], $0x10, s18, s12, $0xb8;
	[tilespmem:$0x17020] =	vst v63  }
0x1d6: {  	_ =	swait.ge [sflag:s28], $0x3E80  }
0x1d7: {  	[sflag:s28] =	ssyncset.done $0x0  }
0x1d8: {  	[sflag:s28] =	ssyncadd.s32 $0xFFFFC180  }
0x1d9: {  	[spmem:s2] =	stream.indirect.scatter.add.f32 [tilespmem:s22], [sflag:$0x9], $0x10, s13, s12, $0xb8;
	[tilespmem:$0x17020] =	vst v63  }
0x1da: {  	_ =	swait.ge [sflag:s24], $0x3E80  }
0x1db: {  	[sflag:s24] =	ssyncset.done $0x0  }
0x1dc: {  	[sflag:s24] =	ssyncadd.s32 $0xFFFFC180  }
0x1dd: {  	[spmem:s2] =	stream.indirect.scatter.add.f32 [tilespmem:s16], [sflag:$0x6], $0x10, s10, s12, $0xb8;
	[tilespmem:$0x17020] =	vst v63  }
0x1de: {  	_ =	swait.ge [sflag:s21], $0x3E80  }
0x1df: {  	[sflag:s21] =	ssyncset.done $0x0  }
0x1e0: {  	[sflag:s21] =	ssyncadd.s32 $0xFFFFC180  }
0x1e1: {  	[spmem:s2] =	stream.indirect.scatter.add.f32 [tilespmem:s14], [sflag:$0x7], $0x10, s11, s12, $0xb8;
	[tilespmem:$0x17020] =	vst v63  }
0x1e2: {  	_ =	swait.ge [sflag:s20], $0x3E80  }
0x1e3: {  	[sflag:s20] =	ssyncset.done $0x0  }
0x1e4: {  	[sflag:s20] =	ssyncadd.s32 $0xFFFFC180  }
0x1e5: {  	_ =	swait.ge [sflag:s19], $0x3E80  }
0x1e6: {  	[sflag:s19] =	ssyncset.done $0x0  }
0x1e7: {  	[sflag:s19] =	ssyncadd.s32 $0xFFFFC180  }
0x1e8: {  	_ =	swait.ge [sflag:s17], $0x3E80  }
0x1e9: {  	[sflag:s17] =	ssyncset.done $0x0  }
0x1ea: {  	[sflag:s17] =	ssyncadd.s32 $0xFFFFC180  }
0x1eb: {  	_ =	swait.ge [sflag:s15], $0x3E80  }
0x1ec: {  	[sflag:s15] =	ssyncset.done $0x0  }
0x1ed: {  	[sflag:s15] =	ssyncadd.s32 $0xFFFFC180  }
0x1ee: {  	[bflag:$0x0] =	sbarrier.arrive $0xFFFF  }
0x1ef: {  	s30 =	rddreg [dreg:$0xe]  }
0x1f0: {  	[hbm:s30], [sflag:s4] =	dma.local [spmem:s5], $0x500  }
0x1f1: {  	_ =	swait.ge [sflag:s6], $0x500  }
0x1f2: {  	[sflag:s6] =	ssyncset.done $0x0  }
0x1f3: {  	[sflag:s6] =	ssyncadd.s32 $0xFFFFFB00  }
0x1f4: {  	_ =	sfence.sel $0x180000  }
0x1f5: {  	[bflag:$0x0] =	sbarrier.arrive $0xFFFF  }
0x1f6: {  	_ =	strace $0x9000004A  }
0x1f7: {  	s31 =	stileid.u32;
	[bflag:$0x2] =	sbarrier.arrive $0xFFFF  }
0x1f8: {  	p0 =	sne.s32 s31, $0x0;
	s0 =	rddreg [dreg:$0x2]  }
0x1f9: {  	s0 =	sadd.s32 @!p0 $0x100000, s0  }
0x1fa: {  	[sflag:s0] =	ssyncadd.tile.s32 @!p0 $0x1;
	_ =	shalt  }
.LBB2_1:
.Ltmp3:
0x1fb: {  	(pc) =	sbr.rel .LBB2_6-.Ltmp3, $2  }
0x1fc: {  	_ =	sdelay $0x2  }
0x1fd: {  	s0 =	rddreg [dreg:$0x17]  }
.LBB2_3:
.Ltmp4:
0x1fe: {  	(pc) =	sbr.rel .LBB2_6-.Ltmp4, $2  }
0x1ff: {  	_ =	sdelay $0x2  }
0x200: {  	s0 =	rddreg [dreg:$0x17]  }
.Lfunc_end2:
_tile_overlayer_lowered:
.L_overlay_start_2:
0x201: {  	(tag) =	ssettag $0x2  }
0x202: {  	s0 =	rddreg [dreg:$0x0];
	s2 =	stileid.u32  }
0x203: {  	s1 =	rddreg [dreg:$0x1];
	p0 =	sne.s32 s2, $0x0  }
0x204: {  	s3 =	rddreg [dreg:$0x2];
	[bflag:$0x3] =	sbarrier.arrive $0xFFFF;
	s2 =	simm.s32 @!p0 $0x1C0A  }
0x205: {  	[timem:s3], [sflag:s2] =	dma.local @!p0 [hbm:s0], s1  }
0x206: {  	s0 =	simm.s32 @!p0 $0xA  }
0x207: {  	_ =	swait.ge @!p0 [sflag:s0], s1  }
0x208: {  	s1 =	ssub.s32 @!p0 $0x0, s1;
	[sflag:s0] =	ssyncset.done @!p0 $0x0  }
0x209: {  	[sflag:s0] =	ssyncadd.s32 @!p0 s1  }
0x20a: {  	[bflag:$0x3] =	sbarrier.arrive $0xFFFF  }
0x20b: {  	_ =	shalt  }

// kernel: kernel.15.cloned.1.call-start
scs
__scs_entry_jumppad:
0x0: {  	(pc) =	sbr.rel $0x88, $3  }
0x1: {  	(tag) =	ssettag $0x0;
	lr =	simm.s32 $0x1  }
0x2: {  	[smem:$0x3F9B] =	sst lr;
	_ =	strace $0xD0000000  }
0x3: {  	_ = 	snop  }
0x4: {  	_ = 	snop  }
0x5: {  	_ = 	snop  }
0x6: {  	_ = 	snop  }
0x7: {  	_ = 	snop  }
__scs_overlays_trampoline_lowered:
0x8: {  	[smem:$0x3FAA] =	sst s0  }
0x9: {  	[smem:$0x3FAB] =	sst s1  }
0xa: {  	[smem:$0x3FAC] =	sst s2  }
0xb: {  	[smem:$0x3FAD] =	sst s3  }
0xc: {  	[smem:$0x3FAE] =	sst s4  }
0xd: {  	[smem:$0x3FAF] =	sst s5  }
0xe: {  	[smem:$0x3FB0] =	sst s6  }
0xf: {  	[smem:$0x3FB1] =	sst s7  }
0x10: {  	[smem:$0x3FB2] =	sst s8  }
0x11: {  	[smem:$0x3FB3] =	sst s9;
	s0 =	simm.s32 @!p0 $0x0  }
0x12: {  	s1 =	sld [smem:$0x3F99];
	s0 =	simm.s32 @p0 $0x1  }
0x13: {  	[smem:$0x3FB4] =	sst s0;
	s0 =	simm.s32 @!p1 $0x0  }
0x14: {  	s2 =	sld [smem:$0x3F98];
	s0 =	simm.s32 @p1 $0x1  }
0x15: {  	[smem:$0x3FB5] =	sst s0;
	s0 =	simm.s32 @!p2 $0x0  }
0x16: {  	s3 =	sld [smem:$0x3FDB];
	s0 =	simm.s32 @p2 $0x1  }
0x17: {  	s4 =	simm.s32 $0x1BF5;
	[smem:$0x3FB7] =	sst s0  }
0x18: {  	s0 =	sld [smem:$0x3F9A];
	_ =	swait.ge [sflag:s4], $0x0  }
0x19: {  	s7 =	sld [smem:$0x3F9B]  }
0x1a: {  	s8 =	sadd.s32 $0xFFFFE003, lr  }
0x1b: {  	s9 =	sadd.s32 $0xFFFFFEF7, lr;
	s5 =	simm.s32 $0xFFFFFFFF;
	p2 =	slt.u32 s8, $0xFFFFF086  }
0x1c: {  	p1 =	slt.u32 s9, $0xF7A;
	s5 =	simm.s32 @!p2 $0x0  }
0x1d: {  	s5 =	simm.s32 @p1 $0x1;
	p0 =	seq.s32 s7, s2  }
0x1e: {  	s7 =	smul.u32 @!p0 $0xF7A, s2;
	p2 =	seq.s32 @!p0 s5, $0x0  }
0x1f: {  	s9 =	smul.u32 $0xF7A, s1;
	s8 =	simm.s32 @!p0 $0x1BF5;
	p2 =	por !p2, p0  }
0x20: {  	[sflag:s8] =	ssyncset.s32 @!p0 $0xFFFFF086;
	s6 =	sadd.s32 @!p0 s3, s7;
	s7 =	simm.s32 @!p0 $0x108  }
0x21: {  	s3 =	sadd.s32 s3, s9;
	s6 =	sadd.s32 @!p0 $0x88, s6;
	s7 =	simm.s32 @p2 $0x1082  }
0x22: {  	[simem:s7], [sflag:s8] =	dma.local @!p0 [hbm:s6], $0xF7A  }
0x23: {  	s9 =	sor.u32 $0xD0000000, s2;
	s6 =	simm.s32 $0x108;
	_ =	swait.ge @!p0 [sflag:s8], $0x0  }
0x24: {  	s3 =	sadd.s32 $0x88, s3;
	s6 =	simm.s32 @!p1 $0x1082;
	[sflag:s4] =	ssyncset.s32 $0xFFFFF086  }
0x25: {  	[simem:s6], [sflag:s4] =	dma.local [hbm:s3], $0xF7A  }
0x26: {  	[smem:$0x3F9B] =	sst s1;
	(tag) =	ssettag s2;
	_ =	strace s9  }
0x27: {  	s1 =	sld [smem:$0x3FAB]  }
0x28: {  	s2 =	sld [smem:$0x3FAC]  }
0x29: {  	s4 =	sld [smem:$0x3FAE]  }
0x2a: {  	p0 =	seq.s32 s5, $0x0;
	s5 =	sld [smem:$0x3FAF]  }
0x2b: {  	s6 =	sld [smem:$0x3FB0]  }
0x2c: {  	s7 =	sld [smem:$0x3FB1]  }
0x2d: {  	s3 =	simm.s32 $0x108;
	s8 =	sld [smem:$0x3FB2]  }
0x2e: {  	s3 =	simm.s32 @!p0 $0x1082;
	s9 =	sld [smem:$0x3FB3]  }
0x2f: {  	lr =	sadd.s32 s0, s3;
	s0 =	sld [smem:$0x3FAA]  }
0x30: {  	s3 =	sld [smem:$0x3FAD]  }
0x31: {  	[smem:$0x3FB6] =	sst s10  }
0x32: {  	s10 =	sld [smem:$0x3FB4];
	_ =	sdelay $0x3  }
0x33: {  	p0 =	seq.s32 s10, $0x1;
	s10 =	sld [smem:$0x3FB6];
	_ =	sdelay $0x3  }
0x34: {  	[smem:$0x3FB6] =	sst s10  }
0x35: {  	s10 =	sld [smem:$0x3FB5];
	_ =	sdelay $0x3  }
0x36: {  	p1 =	seq.s32 s10, $0x1;
	s10 =	sld [smem:$0x3FB6];
	_ =	sdelay $0x3  }
0x37: {  	[smem:$0x3FB6] =	sst s10  }
0x38: {  	s10 =	sld [smem:$0x3FB7]  }
0x39: {  	_ = 	snop;
	(pc) =	sbr.ind lr, $3  }
0x3a: {  	_ = 	snop  }
0x3b: {  	_ = 	snop  }
0x3c: {  	p2 =	seq.s32 s10, $0x1;
	s10 =	sld [smem:$0x3FB6]  }
0x3d: {  	_ =	shalt  }
0x3e: {  	_ =	shalt  }
0x3f: {  	_ =	shalt  }
0x40: {  	_ =	shalt  }
0x41: {  	_ =	shalt  }
0x42: {  	_ =	shalt  }
0x43: {  	_ =	shalt  }
0x44: {  	_ =	shalt  }
0x45: {  	_ =	shalt  }
0x46: {  	_ =	shalt  }
0x47: {  	_ =	shalt  }
0x48: {  	_ =	shalt  }
0x49: {  	_ =	shalt  }
0x4a: {  	_ =	shalt  }
0x4b: {  	_ =	shalt  }
0x4c: {  	_ =	shalt  }
0x4d: {  	_ =	shalt  }
0x4e: {  	_ =	shalt  }
0x4f: {  	_ =	shalt  }
0x50: {  	_ =	shalt  }
0x51: {  	_ =	shalt  }
0x52: {  	_ =	shalt  }
0x53: {  	_ =	shalt  }
0x54: {  	_ =	shalt  }
0x55: {  	_ =	shalt  }
0x56: {  	_ =	shalt  }
0x57: {  	_ =	shalt  }
0x58: {  	_ =	shalt  }
0x59: {  	_ =	shalt  }
0x5a: {  	_ =	shalt  }
0x5b: {  	_ =	shalt  }
0x5c: {  	_ =	shalt  }
0x5d: {  	_ =	shalt  }
0x5e: {  	_ =	shalt  }
0x5f: {  	_ =	shalt  }
0x60: {  	_ =	shalt  }
0x61: {  	_ =	shalt  }
0x62: {  	_ =	shalt  }
0x63: {  	_ =	shalt  }
0x64: {  	_ =	shalt  }
0x65: {  	_ =	shalt  }
0x66: {  	_ =	shalt  }
0x67: {  	_ =	shalt  }
0x68: {  	_ =	shalt  }
0x69: {  	_ =	shalt  }
0x6a: {  	_ =	shalt  }
0x6b: {  	_ =	shalt  }
0x6c: {  	_ =	shalt  }
0x6d: {  	_ =	shalt  }
0x6e: {  	_ =	shalt  }
0x6f: {  	_ =	shalt  }
0x70: {  	_ =	shalt  }
0x71: {  	_ =	shalt  }
0x72: {  	_ =	shalt  }
0x73: {  	_ =	shalt  }
0x74: {  	_ =	shalt  }
0x75: {  	_ =	shalt  }
0x76: {  	_ =	shalt  }
0x77: {  	_ =	shalt  }
0x78: {  	_ =	shalt  }
0x79: {  	_ =	shalt  }
0x7a: {  	_ =	shalt  }
0x7b: {  	_ =	shalt  }
0x7c: {  	_ =	shalt  }
0x7d: {  	_ =	shalt  }
0x7e: {  	_ =	shalt  }
0x7f: {  	_ =	shalt  }
0x80: {  	_ =	shalt  }
0x81: {  	_ =	shalt  }
0x82: {  	_ =	shalt  }
0x83: {  	_ =	shalt  }
0x84: {  	_ =	shalt  }
0x85: {  	_ =	shalt  }
0x86: {  	_ =	shalt  }
0x87: {  	_ =	shalt  }
.Lfunc_end0:
.L_simem_size_0:
called_computation.2_lowered:
.L_overlay_start_0:
0x88: {  	s2 =	sld [smem:$0x3FD9]  }
0x89: {  	s3 =	sld [smem:$0x3FFE];
	_ =	sdelay $0x1  }
0x8a: {  	s1 =	srdreg.scid  }
0x8b: {  	s0 =	sand.u32 $0x1, s1  }
0x8c: {  	s16 =	sshll.u32 s0, $0xA;
	s2 =	sadd.s32 s3, s2  }
0x8d: {  	s2 =	sadd.s32 s2, s16  }
0x8e: {  	[smem:$0x3FC2] =	sst s2  }
0x8f: {  	_ = 	snop  }
0x90: {  	(tm) =	ssettm $0x1  }
0x91: {  	s17 =	sld [smem:$0x3FFB];
	_ =	sdelay $0x3  }
0x92: {  	_ =	strace s17  }
0x93: {  	s2 =	sld [smem:$0x3FFC];
	_ =	sdelay $0x3  }
0x94: {  	_ =	strace s2  }
0x95: {  	s2 =	sld [smem:$0x3FFD];
	_ =	sdelay $0x3  }
0x96: {  	_ =	strace s2  }
0x97: {  	_ =	strace $0x8FFFFFFF  }
0x98: {  	s18 =	sld [smem:$0x3FDB];
	_ =	sdelay $0x1  }
0x99: {  	s19 =	simm.s32 $_scs_section_size  }
0x9a: {  	s4 =	simm.s32 $_size__tile_overlayer_lowered;
	s5 =	simm.s32 $_tile_overlayer_lowered  }
0x9b: {  	s22 =	simm.s32 $0x1BFF;
	s21 =	sshll.u32 s5, $0x1;
	s2 =	sadd.s32 s19, s18  }
0x9c: {  	s6 =	simm.s32 $0x0;
	s20 =	sshll.u32 s4, $0x1;
	s4 =	sadd.s32 s21, s2  }
0x9d: {  	[timem:s6], [sflag:s22] =	dma.local [hbm:s4], s20  }
0x9e: {  	_ =	swait.ge [sflag:s22], s20  }
0x9f: {  	s3 =	ssub.s32 $0x0, s20;
	[sflag:s22] =	ssyncset.done $0x0  }
0xa0: {  	[sflag:s22] =	ssyncadd.s32 s3;
	_ =	sdelay $0x1  }
0xa1: {  	s23 =	simm.s32 $0x1B8B  }
0xa2: {  	_ =	swait.ge [sflag:s23], $0x1  }
0xa3: {  	[sflag:s23] =	ssyncset.done $0x0  }
0xa4: {  	s25 =	simm.s32 $0x1B8E;
	s24 =	sld [smem:$0x3FFE];
	[sflag:s23] =	ssyncadd.s32 $0xFFFFFFFF  }
0xa5: {  	s26 =	simm.s32 $execute0_lowered;
	[smem:$0x3FD2] =	sst s25  }
0xa6: {  	s4 =	sshll.u32 s26, $0x1;
	_ =	strace $0x8000004C;
	[dreg:$0x1] =	wrdreg $0xFFFFFFFF  }
0xa7: {  	s28 =	simm.s32 $_size_execute0_lowered;
	s2 =	sadd.s32 s2, s4;
	[dreg:$0x0] =	wrdreg $0x0  }
0xa8: {  	s4 =	sshll.u32 s28, $0x1;
	[dreg:$0x2] =	wrdreg s2  }
0xa9: {  	[dreg:$0x3] =	wrdreg s4  }
0xaa: {  	[dreg:$0x4] =	wrdreg $0xC0  }
0xab: {  	_ =	task [dreg:s6], $0x5FFFF  }
0xac: {  	[dreg:$0x1] =	wrdreg $0xFFFFFFFF  }
0xad: {  	[dreg:$0x0] =	wrdreg $0x60  }
0xae: {  	[dreg:$0x2] =	wrdreg s24  }
0xaf: {  	[dreg:$0x3] =	wrdreg $0x148200  }
0xb0: {  	[dreg:$0x4] =	wrdreg $0x9  }
0xb1: {  	_ =	task.clear_ibuf [dreg:s6], $0x5FFFF;
	_ =	strace $0x9000004C  }
0xb2: {  	s29 =	simm.s32 $0x9;
	_ =	strace $0x8000004E  }
0xb3: {  	_ =	swait.ge [sflag:s29], $0x1  }
0xb4: {  	[sflag:s29] =	ssyncadd.s32 $0xFFFFFFFF  }
0xb5: {  	_ =	strace $0x9000004E  }
0xb6: {  	_ =	sfence  }
0xb7: {  	s30 =	sld [smem:$0x0];
	_ =	sdelay $0x2  }
0xb8: {  	s31 =	sshll.u32 s1, $0xD;
	s1 =	sshrl.u32 s1, $0x2  }
0xb9: {  	s3 =	sand.u32 $0x4000, s31;
	s1 =	sadd.s32 s1, s30  }
0xba: {  	s0 =	sor.u32 s3, s0;
	s1 =	sshll.u32 s1, $0x11  }
0xbb: {  	s0 =	sor.u32 s1, s0  }
0xbc: {  	s0 =	sadd.s32 $0x8F2B, s0  }
0xbd: {  	[sflag:s0] =	ssyncadd.remote.s32 $0x1  }
0xbe: {  	_ =	sfence.sel $0xFFFF  }
0xbf: {  	[dreg:$0x0] =	wrdreg $0xFFFFFFFF;
	(pc) =	sbr.abs _section_cstart, $3  }
0xc0: {  	[dreg:$0x1] =	wrdreg $0xFFFFFFFF  }
0xc1: {  	_ =	task.clear_ibuf [dreg:s6], $0x2FFFF;
	_ =	strace $0x9FFFFFFF  }
0xc2: {  	(tm) =	ssettm $0x7FFFFFFF  }
0xc3: {  	_ =	shalt  }
tec
execute0_lowered:
.L_overlay_start_1:
0x0: {  	(tag) =	ssettag $0x1  }
0x1: {  	s1 =	rddreg [dreg:$0x0]  }
0x2: {  	s2 =	rddreg [dreg:$0x1];
	s9 =	simm.s32 $0x0;
	s13 =	stileid.u32  }
0x3: {  	s0 =	srdreg.scid;
	s31 =	simm.s32 $0x2EE0;
	s30 =	simm.s32 $0x32C8  }
0x4: {  	p0 =	por $0x0, $0x0;
	s29 =	simm.s32 $0x4;
	s28 =	simm.s32 $0x5  }
0x5: {  	s4 =	smul.u32 $0x2800, s13;
	s5 =	sand.u32 $0x1, s0;
	s19 =	sshll.u32 s13, $0x1  }
0x6: {  	[smem:$0x7FF] =	sst s9;
	s6 =	smul.u32 $0x28000, s5;
	s0 =	sor.u32 s5, s19  }
0x7: {  	s8 =	sadd.s32 $0x2A00, s1;
	s3 =	sadd.s32 $0x16400, s1;
	s7 =	smul.u32 $0x2710, s0  }
0x8: {  	_ =	strace $0x8000004D;
	s5 =	ssub.s32 $0x2, s5;
	s20 =	sshrl.u32 s4, $0x3  }
0x9: {  	s10 =	sadd.s32 s20, s1;
	s21 =	sadd.s32 s4, s6;
	s22 =	sshrl.u32 s7, $0x3  }
0xa: {  	s11 =	sshrl.u32 s21, $0x3;
	s24 =	sadd.s32 $0x4E5E8, s7;
	s25 =	sadd.s32 $0x4EDB8, s7  }
0xb: {  	s15 =	sadd.s32 $0x4F588, s7;
	s18 =	sadd.s32 $0x4FD58, s7;
	s7 =	sadd.s32 $0x50528, s7  }
0xc: {  	s23 =	sadd.s32 s8, s22;
	s6 =	sshrl.u32 s24, $0x3;
	s7 =	sshrl.u32 s7, $0x3  }
0xd: {  	s22 =	sshrl.u32 s5, $0x1;
	s12 =	sadd.s32 $0x9C40, s23;
	[dreg:$0x17] =	wrdreg s23  }
0xe: {  	s1 =	sadd.s32 s11, s1;
	s6 =	sadd.s32 s8, s6;
	[dreg:$0x3] =	wrdreg s12  }
0xf: {  	s24 =	sadd.s32 s4, s2;
	s26 =	sadd.s32 $0x9D3A, s23;
	[dreg:$0x4] =	wrdreg s6  }
0x10: {  	s11 =	simm.s32 $0x4A38;
	s16 =	sadd.s32 $0x9E34, s23;
	[dreg:$0x5] =	wrdreg s26  }
0x11: {  	s19 =	sadd.s32 $0x9F2E, s23;
	s21 =	sadd.s32 $0xA028, s23;
	[dreg:$0x7] =	wrdreg s16  }
0x12: {  	s23 =	sadd.s32 s8, s7;
	s5 =	ssub.s32 s5, s22;
	[dreg:$0x9] =	wrdreg s19  }
0x13: {  	s1 =	sadd.s32 $0x20400, s1;
	s22 =	simm.s32 $0x1F40;
	[dreg:$0xb] =	wrdreg s21  }
0x14: {  	s12 =	sshrl.u32 s25, $0x3;
	[dreg:$0xc] =	wrdreg s23;
	s25 =	sadd.s32 $0x1B400, s10  }
0x15: {  	s26 =	sshll.u32 s13, $0x6;
	[dreg:$0xe] =	wrdreg s1;
	s0 =	smax.u32 s5, $0x1  }
0x16: {  	s23 =	simm.s32 $0x3A98;
	s13 =	simm.s32 $0x4268;
	s10 =	simm.s32 $0x4650  }
0x17: {  	s16 =	simm.s32 $0xBB8;
	s5 =	sshrl.u32 s24, $0x3;
	s6 =	simm.s32 $0xA  }
0x18: {  	s19 =	simm.s32 $0x1388;
	s1 =	simm.s32 $0x1;
	[dreg:$0x15] =	wrdreg s22  }
0x19: {  	s21 =	simm.s32 $0x1B58;
	s24 =	simm.s32 $0x2328;
	[dreg:$0xd] =	wrdreg s25  }
0x1a: {  	s22 =	simm.s32 $0x109A0;
	s14 =	sadd.s32 s8, s12;
	[dreg:$0x10] =	wrdreg s16  }
0x1b: {  	s12 =	sshrl.u32 s15, $0x3;
	s4 =	sor.u32 $0x1C0A, s26;
	[dreg:$0x12] =	wrdreg s19  }
0x1c: {  	s26 =	simm.s32 $0x36B0;
	s15 =	simm.s32 $0x7D0;
	[dreg:$0x14] =	wrdreg s21  }
0x1d: {  	s16 =	simm.s32 $0x4E20;
	s25 =	simm.s32 $0xCB20;
	[dreg:$0x16] =	wrdreg s24  }
0x1e: {  	p1 =	sne.s32 s0, $0x1;
	s0 =	sadd.s32 $0xFFFFFFFF, s0;
	s24 =	simm.s32 $0x2  }
0x1f: {  	s21 =	simm.s32 $0x3;
	s19 =	simm.s32 $0x9;
	[dreg:$0x6] =	wrdreg s14  }
0x20: {  	s17 =	sadd.s32 s8, s12;
	s12 =	sshrl.u32 s18, $0x3;
	[dreg:$0xf] =	wrdreg s15  }
.Ltmp0:
0x21: {  	s18 =	simm.s32 $0x3E80;
	[dreg:$0x8] =	wrdreg s17;
	(pc) =	sbr.rel @!p1 .LBB2_1-.Ltmp0, $4  }
0x22: {  	s14 =	simm.s32 $0x8CA0;
	s20 =	sadd.s32 s8, s12;
	s8 =	rddreg [dreg:$0xd]  }
0x23: {  	s15 =	simm.s32 $0x7;
	s17 =	simm.s32 $0xFA0;
	[dreg:$0xa] =	wrdreg s20  }
0x24: {  	s12 =	simm.s32 $0x3E8;
	[dreg:$0x11] =	wrdreg s17;
	s20 =	simm.s32 $0x1770  }
0x25: {  	s17 =	simm.s32 $0x6;
	[dreg:$0x13] =	wrdreg s20;
	s20 =	simm.s32 $0x8  }
0x26: {  	s7 =	rddreg [dreg:$0x3]  }
0x27: {  	[dreg:$0x18] =	wrdreg s0  }
0x28: {  	s0 =	rddreg [dreg:$0x17]  }
0x29: {  	[tilespmem:s9], [sflag:$0x1] =	stream.linear.gather [hbm4b:s0+s9], $0x2710, $0x38;
	[tilespmem:$0x17020] =	vst v63  }
0x2a: {  	s0 =	rddreg [dreg:$0x4]  }
0x2b: {  	[dreg:$0x19] =	wrdreg s0;
	s0 =	simm.s32 $0x2710  }
0x2c: {  	[tilespmem:s0], [sflag:$0x1] =	stream.linear.gather [hbm4b:s7+s9], $0x3E8, $0x38;
	[tilespmem:$0x17020] =	vst v63  }
0x2d: {  	s7 =	rddreg [dreg:$0x5]  }
0x2e: {  	[dreg:$0x1a] =	wrdreg s7  }
0x2f: {  	s0 =	simm.s32 $0x2AF8;
	s7 =	rddreg [dreg:$0x19]  }
0x30: {  	[tilespmem:s0], [sflag:$0x1] =	stream.linear.gather [hbm4b:s7+s9], $0x3E8, $0x38;
	[tilespmem:$0x17020] =	vst v63  }
0x31: {  	s7 =	rddreg [dreg:$0x6]  }
0x32: {  	s0 =	rddreg [dreg:$0x1a]  }
0x33: {  	[dreg:$0x1b] =	wrdreg s7  }
0x34: {  	s7 =	rddreg [dreg:$0x7]  }
0x35: {  	[tilespmem:s31], [sflag:$0x1] =	stream.linear.gather [hbm4b:s0+s9], $0x3E8, $0x38;
	[tilespmem:$0x17020] =	vst v63  }
0x36: {  	s0 =	rddreg [dreg:$0x1b]  }
0x37: {  	[tilespmem:s30], [sflag:$0x1] =	stream.linear.gather [hbm4b:s0+s9], $0x3E8, $0x38;
	[tilespmem:$0x17020] =	vst v63  }
0x38: {  	s0 =	rddreg [dreg:$0x8]  }
0x39: {  	[tilespmem:s26], [sflag:$0x1] =	stream.linear.gather [hbm4b:s7+s9], $0x3E8, $0x38;
	[tilespmem:$0x17020] =	vst v63  }
0x3a: {  	s7 =	rddreg [dreg:$0x9]  }
0x3b: {  	[tilespmem:s23], [sflag:$0x1] =	stream.linear.gather [hbm4b:s0+s9], $0x3E8, $0x38;
	[tilespmem:$0x17020] =	vst v63  }
0x3c: {  	s0 =	rddreg [dreg:$0xa]  }
0x3d: {  	[tilespmem:s18], [sflag:$0x1] =	stream.linear.gather [hbm4b:s7+s9], $0x3E8, $0x38;
	[tilespmem:$0x17020] =	vst v63  }
0x3e: {  	s7 =	rddreg [dreg:$0xb]  }
0x3f: {  	[dreg:$0x1c] =	wrdreg s7  }
0x40: {  	[tilespmem:s13], [sflag:$0x1] =	stream.linear.gather [hbm4b:s0+s9], $0x3E8, $0x38;
	[tilespmem:$0x17020] =	vst v63  }
0x41: {  	s0 =	rddreg [dreg:$0x1c]  }
0x42: {  	[tilespmem:s10], [sflag:$0x1] =	stream.linear.gather [hbm4b:s0+s9], $0x3E8, $0x38;
	[tilespmem:$0x17020] =	vst v63  }
0x43: {  	s7 =	rddreg [dreg:$0xc]  }
0x44: {  	[tilespmem:s11], [sflag:$0x1] =	stream.linear.gather [hbm4b:s7+s9], $0x3E8, $0x38;
	[tilespmem:$0x17020] =	vst v63  }
0x45: {  	[spmem:s5], [sflag:s4] =	dma.local [hbm:s8], $0x500  }
0x46: {  	_ =	swait.ge [sflag:s6], $0x500  }
0x47: {  	[sflag:s6] =	ssyncset.done $0x0  }
0x48: {  	[sflag:s6] =	ssyncadd.s32 $0xFFFFFB00  }
0x49: {  	_ =	swait.ge [sflag:s1], $0x2710  }
0x4a: {  	[sflag:s1] =	ssyncset.done $0x0  }
0x4b: {  	[sflag:s1] =	ssyncadd.s32 $0xFFFFD8F0  }
0x4c: {  	_ =	swait.ge [sflag:s1], $0x3E8  }
0x4d: {  	[sflag:s1] =	ssyncset.done $0x0  }
0x4e: {  	[sflag:s1] =	ssyncadd.s32 $0xFFFFFC18  }
0x4f: {  	_ =	swait.ge [sflag:s1], $0x3E8  }
0x50: {  	[sflag:s1] =	ssyncset.done $0x0  }
0x51: {  	[sflag:s1] =	ssyncadd.s32 $0xFFFFFC18  }
0x52: {  	_ =	swait.ge [sflag:s1], $0x3E8  }
0x53: {  	[sflag:s1] =	ssyncset.done $0x0  }
0x54: {  	[sflag:s1] =	ssyncadd.s32 $0xFFFFFC18  }
0x55: {  	_ =	swait.ge [sflag:s1], $0x3E8  }
0x56: {  	[sflag:s1] =	ssyncset.done $0x0  }
0x57: {  	[sflag:s1] =	ssyncadd.s32 $0xFFFFFC18  }
0x58: {  	_ =	swait.ge [sflag:s1], $0x3E8  }
0x59: {  	[sflag:s1] =	ssyncset.done $0x0  }
0x5a: {  	[sflag:s1] =	ssyncadd.s32 $0xFFFFFC18  }
0x5b: {  	_ =	swait.ge [sflag:s1], $0x3E8  }
0x5c: {  	[sflag:s1] =	ssyncset.done $0x0  }
0x5d: {  	[sflag:s1] =	ssyncadd.s32 $0xFFFFFC18  }
0x5e: {  	_ =	swait.ge [sflag:s1], $0x3E8  }
0x5f: {  	[sflag:s1] =	ssyncset.done $0x0  }
0x60: {  	[sflag:s1] =	ssyncadd.s32 $0xFFFFFC18  }
0x61: {  	_ =	swait.ge [sflag:s1], $0x3E8  }
0x62: {  	[sflag:s1] =	ssyncset.done $0x0  }
0x63: {  	[sflag:s1] =	ssyncadd.s32 $0xFFFFFC18  }
0x64: {  	_ =	swait.ge [sflag:s1], $0x3E8  }
0x65: {  	[sflag:s1] =	ssyncset.done $0x0  }
0x66: {  	[sflag:s1] =	ssyncadd.s32 $0xFFFFFC18  }
0x67: {  	_ =	swait.ge [sflag:s1], $0x3E8  }
0x68: {  	[sflag:s1] =	ssyncset.done $0x0  }
0x69: {  	[sflag:s1] =	ssyncadd.s32 $0xFFFFFC18  }
0x6a: {  	[bflag:$0x0] =	sbarrier.arrive $0xFFFF  }
0x6b: {  	[tilespmem:s16], [sflag:$0x2] =	stream.indirect.gather [hbm4b:s3+s12], $0x10, s9, s12, $0xb8;
	[tilespmem:$0x17020] =	vst v63  }
0x6c: {  	_ = 	snop  }
0x6d: {  	[tilespmem:s14], [sflag:$0x3] =	stream.indirect.gather [hbm4b:s3+s12], $0x10, s12, s12, $0xb8;
	[tilespmem:$0x17020] =	vst v63  }
0x6e: {  	s8 =	rddreg [dreg:$0xf]  }
0x6f: {  	[tilespmem:s25], [sflag:$0x4] =	stream.indirect.gather [hbm4b:s3+s12], $0x10, s8, s12, $0xb8;
	[tilespmem:$0x17020] =	vst v63  }
0x70: {  	s0 =	rddreg [dreg:$0x10]  }
0x71: {  	[tilespmem:s22], [sflag:$0x5] =	stream.indirect.gather [hbm4b:s3+s12], $0x10, s0, s12, $0xb8;
	[tilespmem:$0x17020] =	vst v63  }
0x72: {  	_ =	swait.ge [sflag:s24], $0x3E80  }
0x73: {  	[sflag:s24] =	ssyncset.done $0x0  }
0x74: {  	s8 =	simm.s32 $0x2710;
	[sflag:s24] =	ssyncadd.s32 $0xFFFFC180  }
0x75: {  	[spmem:s2] =	stream.indirect.scatter.add.f32 [tilespmem:s16], [sflag:$0x6], $0x10, s8, s12, $0xb8;
	[tilespmem:$0x17020] =	vst v63  }
0x76: {  	_ =	swait.ge [sflag:s17], $0x3E80  }
0x77: {  	[sflag:s17] =	ssyncset.done $0x0  }
0x78: {  	s0 =	rddreg [dreg:$0x11];
	[sflag:s17] =	ssyncadd.s32 $0xFFFFC180  }
0x79: {  	[tilespmem:s16], [sflag:$0x2] =	stream.indirect.gather [hbm4b:s3+s12], $0x10, s0, s12, $0xb8;
	[tilespmem:$0x17020] =	vst v63  }
0x7a: {  	_ =	swait.ge [sflag:s21], $0x3E80  }
0x7b: {  	[sflag:s21] =	ssyncset.done $0x0  }
0x7c: {  	s7 =	simm.s32 $0x2AF8;
	[sflag:s21] =	ssyncadd.s32 $0xFFFFC180  }
0x7d: {  	[spmem:s2] =	stream.indirect.scatter.add.f32 [tilespmem:s14], [sflag:$0x7], $0x10, s7, s12, $0xb8;
	[tilespmem:$0x17020] =	vst v63  }
0x7e: {  	_ =	swait.ge [sflag:s15], $0x3E80  }
0x7f: {  	[sflag:s15] =	ssyncset.done $0x0  }
0x80: {  	s8 =	rddreg [dreg:$0x12];
	[sflag:s15] =	ssyncadd.s32 $0xFFFFC180  }
0x81: {  	[tilespmem:s14], [sflag:$0x3] =	stream.indirect.gather [hbm4b:s3+s12], $0x10, s8, s12, $0xb8;
	[tilespmem:$0x17020] =	vst v63  }
0x82: {  	_ =	swait.ge [sflag:s29], $0x3E80  }
0x83: {  	[sflag:s29] =	ssyncset.done $0x0  }
0x84: {  	[sflag:s29] =	ssyncadd.s32 $0xFFFFC180  }
0x85: {  	[spmem:s2] =	stream.indirect.scatter.add.f32 [tilespmem:s25], [sflag:$0x8], $0x10, s31, s12, $0xb8;
	[tilespmem:$0x17020] =	vst v63  }
0x86: {  	_ =	swait.ge [sflag:s20], $0x3E80  }
0x87: {  	[sflag:s20] =	ssyncset.done $0x0  }
0x88: {  	s0 =	rddreg [dreg:$0x13];
	[sflag:s20] =	ssyncadd.s32 $0xFFFFC180  }
0x89: {  	[tilespmem:s25], [sflag:$0x4] =	stream.indirect.gather [hbm4b:s3+s12], $0x10, s0, s12, $0xb8;
	[tilespmem:$0x17020] =	vst v63  }
0x8a: {  	_ =	swait.ge [sflag:s28], $0x3E80  }
0x8b: {  	[sflag:s28] =	ssyncset.done $0x0  }
0x8c: {  	[sflag:s28] =	ssyncadd.s32 $0xFFFFC180  }
0x8d: {  	[spmem:s2] =	stream.indirect.scatter.add.f32 [tilespmem:s22], [sflag:$0x9], $0x10, s30, s12, $0xb8;
	[tilespmem:$0x17020] =	vst v63  }
0x8e: {  	_ =	swait.ge [sflag:s19], $0x3E80  }
0x8f: {  	[sflag:s19] =	ssyncset.done $0x0  }
0x90: {  	s8 =	rddreg [dreg:$0x14];
	[sflag:s19] =	ssyncadd.s32 $0xFFFFC180  }
0x91: {  	[tilespmem:s22], [sflag:$0x5] =	stream.indirect.gather [hbm4b:s3+s12], $0x10, s8, s12, $0xb8;
	[tilespmem:$0x17020] =	vst v63  }
0x92: {  	_ =	swait.ge [sflag:s24], $0x3E80  }
0x93: {  	[sflag:s24] =	ssyncset.done $0x0  }
0x94: {  	[sflag:s24] =	ssyncadd.s32 $0xFFFFC180  }
0x95: {  	[spmem:s2] =	stream.indirect.scatter.add.f32 [tilespmem:s16], [sflag:$0x6], $0x10, s26, s12, $0xb8;
	[tilespmem:$0x17020] =	vst v63  }
0x96: {  	_ =	swait.ge [sflag:s17], $0x3E80  }
0x97: {  	[sflag:s17] =	ssyncset.done $0x0  }
0x98: {  	s0 =	rddreg [dreg:$0x15];
	[sflag:s17] =	ssyncadd.s32 $0xFFFFC180  }
0x99: {  	[tilespmem:s16], [sflag:$0x2] =	stream.indirect.gather [hbm4b:s3+s12], $0x10, s0, s12, $0xb8;
	[tilespmem:$0x17020] =	vst v63  }
0x9a: {  	_ =	swait.ge [sflag:s21], $0x3E80  }
0x9b: {  	[sflag:s21] =	ssyncset.done $0x0  }
0x9c: {  	[sflag:s21] =	ssyncadd.s32 $0xFFFFC180  }
0x9d: {  	[spmem:s2] =	stream.indirect.scatter.add.f32 [tilespmem:s14], [sflag:$0x7], $0x10, s23, s12, $0xb8;
	[tilespmem:$0x17020] =	vst v63  }
0x9e: {  	_ =	swait.ge [sflag:s15], $0x3E80  }
0x9f: {  	[sflag:s15] =	ssyncset.done $0x0  }
0xa0: {  	s8 =	rddreg [dreg:$0x16];
	[sflag:s15] =	ssyncadd.s32 $0xFFFFC180  }
0xa1: {  	[tilespmem:s14], [sflag:$0x3] =	stream.indirect.gather [hbm4b:s3+s12], $0x10, s8, s12, $0xb8;
	[tilespmem:$0x17020] =	vst v63  }
0xa2: {  	_ =	swait.ge [sflag:s29], $0x3E80  }
0xa3: {  	[sflag:s29] =	ssyncset.done $0x0  }
0xa4: {  	[sflag:s29] =	ssyncadd.s32 $0xFFFFC180  }
0xa5: {  	[spmem:s2] =	stream.indirect.scatter.add.f32 [tilespmem:s25], [sflag:$0x8], $0x10, s18, s12, $0xb8;
	[tilespmem:$0x17020] =	vst v63  }
0xa6: {  	_ =	swait.ge [sflag:s28], $0x3E80  }
0xa7: {  	[sflag:s28] =	ssyncset.done $0x0  }
0xa8: {  	[sflag:s28] =	ssyncadd.s32 $0xFFFFC180  }
0xa9: {  	[spmem:s2] =	stream.indirect.scatter.add.f32 [tilespmem:s22], [sflag:$0x9], $0x10, s13, s12, $0xb8;
	[tilespmem:$0x17020] =	vst v63  }
0xaa: {  	_ =	swait.ge [sflag:s24], $0x3E80  }
0xab: {  	[sflag:s24] =	ssyncset.done $0x0  }
0xac: {  	[sflag:s24] =	ssyncadd.s32 $0xFFFFC180  }
0xad: {  	[spmem:s2] =	stream.indirect.scatter.add.f32 [tilespmem:s16], [sflag:$0x6], $0x10, s10, s12, $0xb8;
	[tilespmem:$0x17020] =	vst v63  }
0xae: {  	_ =	swait.ge [sflag:s21], $0x3E80  }
0xaf: {  	[sflag:s21] =	ssyncset.done $0x0  }
0xb0: {  	[sflag:s21] =	ssyncadd.s32 $0xFFFFC180  }
0xb1: {  	[spmem:s2] =	stream.indirect.scatter.add.f32 [tilespmem:s14], [sflag:$0x7], $0x10, s11, s12, $0xb8;
	[tilespmem:$0x17020] =	vst v63  }
0xb2: {  	_ =	swait.ge [sflag:s20], $0x3E80  }
0xb3: {  	[sflag:s20] =	ssyncset.done $0x0  }
0xb4: {  	[sflag:s20] =	ssyncadd.s32 $0xFFFFC180  }
0xb5: {  	_ =	swait.ge [sflag:s19], $0x3E80  }
0xb6: {  	[sflag:s19] =	ssyncset.done $0x0  }
0xb7: {  	[sflag:s19] =	ssyncadd.s32 $0xFFFFC180  }
0xb8: {  	_ =	swait.ge [sflag:s17], $0x3E80  }
0xb9: {  	[sflag:s17] =	ssyncset.done $0x0  }
0xba: {  	[sflag:s17] =	ssyncadd.s32 $0xFFFFC180  }
0xbb: {  	_ =	swait.ge [sflag:s15], $0x3E80  }
0xbc: {  	[sflag:s15] =	ssyncset.done $0x0  }
0xbd: {  	[sflag:s15] =	ssyncadd.s32 $0xFFFFC180  }
0xbe: {  	[bflag:$0x0] =	sbarrier.arrive $0xFFFF  }
0xbf: {  	s0 =	rddreg [dreg:$0xe]  }
0xc0: {  	[hbm:s0], [sflag:s4] =	dma.local [spmem:s5], $0x500  }
0xc1: {  	s8 =	rddreg [dreg:$0x18]  }
0xc2: {  	p1 =	sne.s32 s8, $0x1  }
.Ltmp1:
0xc3: {  	_ = 	snop;
	(pc) =	sbr.rel @!p1 .LBB2_3-.Ltmp1, $3  }
0xc4: {  	_ =	sdelay $0x1  }
0xc5: {  	p0 =	por $0x1, $0x1;
	_ =	swait.ge [sflag:s6], $0x500  }
0xc6: {  	s7 =	sadd.s32 $0xFFFFFFFF, s8;
	s8 =	rddreg [dreg:$0xd];
	[sflag:s6] =	ssyncset.done $0x0  }
.LBB2_4:
0xc7: {  	[sflag:s6] =	ssyncadd.s32 $0xFFFFFB00;
	s0 =	rddreg [dreg:$0x17]  }
0xc8: {  	[tilespmem:s9], [sflag:$0x1] =	stream.linear.gather [hbm4b:s0+s9], $0x2710, $0x38;
	[tilespmem:$0x17020] =	vst v63  }
0xc9: {  	s10 =	rddreg [dreg:$0x3];
	s6 =	simm.s32 $0x2710  }
0xca: {  	[tilespmem:s6], [sflag:$0x1] =	stream.linear.gather [hbm4b:s10+s9], $0x3E8, $0x38;
	[tilespmem:$0x17020] =	vst v63  }
0xcb: {  	s25 =	simm.s32 $0x2AF8;
	s11 =	rddreg [dreg:$0x4]  }
0xcc: {  	[tilespmem:s25], [sflag:$0x1] =	stream.linear.gather [hbm4b:s11+s9], $0x3E8, $0x38;
	[tilespmem:$0x17020] =	vst v63  }
0xcd: {  	s22 =	simm.s32 $0x2EE0;
	s10 =	rddreg [dreg:$0x5]  }
0xce: {  	[tilespmem:s22], [sflag:$0x1] =	stream.linear.gather [hbm4b:s10+s9], $0x3E8, $0x38;
	[tilespmem:$0x17020] =	vst v63  }
0xcf: {  	s0 =	simm.s32 $0x32C8;
	s11 =	rddreg [dreg:$0x6]  }
0xd0: {  	[tilespmem:s0], [sflag:$0x1] =	stream.linear.gather [hbm4b:s11+s9], $0x3E8, $0x38;
	[tilespmem:$0x17020] =	vst v63  }
0xd1: {  	s31 =	simm.s32 $0x36B0;
	s10 =	rddreg [dreg:$0x7]  }
0xd2: {  	[tilespmem:s31], [sflag:$0x1] =	stream.linear.gather [hbm4b:s10+s9], $0x3E8, $0x38;
	[tilespmem:$0x17020] =	vst v63  }
0xd3: {  	s30 =	simm.s32 $0x3A98;
	s11 =	rddreg [dreg:$0x8]  }
0xd4: {  	[tilespmem:s30], [sflag:$0x1] =	stream.linear.gather [hbm4b:s11+s9], $0x3E8, $0x38;
	[tilespmem:$0x17020] =	vst v63  }
0xd5: {  	s26 =	simm.s32 $0x3E80;
	s10 =	rddreg [dreg:$0x9]  }
0xd6: {  	[tilespmem:s26], [sflag:$0x1] =	stream.linear.gather [hbm4b:s10+s9], $0x3E8, $0x38;
	[tilespmem:$0x17020] =	vst v63  }
0xd7: {  	s23 =	simm.s32 $0x4268;
	s11 =	rddreg [dreg:$0xa]  }
0xd8: {  	[tilespmem:s23], [sflag:$0x1] =	stream.linear.gather [hbm4b:s11+s9], $0x3E8, $0x38;
	[tilespmem:$0x17020] =	vst v63  }
0xd9: {  	s18 =	simm.s32 $0x4650;
	s10 =	rddreg [dreg:$0xb]  }
0xda: {  	[tilespmem:s18], [sflag:$0x1] =	stream.linear.gather [hbm4b:s10+s9], $0x3E8, $0x38;
	[tilespmem:$0x17020] =	vst v63  }
0xdb: {  	s13 =	simm.s32 $0x4A38;
	s14 =	simm.s32 $0xA;
	s11 =	rddreg [dreg:$0xc]  }
0xdc: {  	[tilespmem:s13], [sflag:$0x1] =	stream.linear.gather [hbm4b:s11+s9], $0x3E8, $0x38;
	[tilespmem:$0x17020] =	vst v63  }
0xdd: {  	[spmem:s5], [sflag:s4] =	dma.local [hbm:s8], $0x500  }
0xde: {  	_ =	swait.ge [sflag:s14], $0x500  }
0xdf: {  	[sflag:s14] =	ssyncset.done $0x0  }
0xe0: {  	[sflag:s14] =	ssyncadd.s32 $0xFFFFFB00  }
0xe1: {  	_ =	swait.ge [sflag:s1], $0x2710  }
0xe2: {  	[sflag:s1] =	ssyncset.done $0x0  }
0xe3: {  	[sflag:s1] =	ssyncadd.s32 $0xFFFFD8F0  }
0xe4: {  	_ =	swait.ge [sflag:s1], $0x3E8  }
0xe5: {  	[sflag:s1] =	ssyncset.done $0x0  }
0xe6: {  	[sflag:s1] =	ssyncadd.s32 $0xFFFFFC18  }
0xe7: {  	_ =	swait.ge [sflag:s1], $0x3E8  }
0xe8: {  	[sflag:s1] =	ssyncset.done $0x0  }
0xe9: {  	[sflag:s1] =	ssyncadd.s32 $0xFFFFFC18  }
0xea: {  	_ =	swait.ge [sflag:s1], $0x3E8  }
0xeb: {  	[sflag:s1] =	ssyncset.done $0x0  }
0xec: {  	[sflag:s1] =	ssyncadd.s32 $0xFFFFFC18  }
0xed: {  	_ =	swait.ge [sflag:s1], $0x3E8  }
0xee: {  	[sflag:s1] =	ssyncset.done $0x0  }
0xef: {  	[sflag:s1] =	ssyncadd.s32 $0xFFFFFC18  }
0xf0: {  	_ =	swait.ge [sflag:s1], $0x3E8  }
0xf1: {  	[sflag:s1] =	ssyncset.done $0x0  }
0xf2: {  	[sflag:s1] =	ssyncadd.s32 $0xFFFFFC18  }
0xf3: {  	_ =	swait.ge [sflag:s1], $0x3E8  }
0xf4: {  	[sflag:s1] =	ssyncset.done $0x0  }
0xf5: {  	[sflag:s1] =	ssyncadd.s32 $0xFFFFFC18  }
0xf6: {  	_ =	swait.ge [sflag:s1], $0x3E8  }
0xf7: {  	[sflag:s1] =	ssyncset.done $0x0  }
0xf8: {  	[sflag:s1] =	ssyncadd.s32 $0xFFFFFC18  }
0xf9: {  	_ =	swait.ge [sflag:s1], $0x3E8  }
0xfa: {  	[sflag:s1] =	ssyncset.done $0x0  }
0xfb: {  	[sflag:s1] =	ssyncadd.s32 $0xFFFFFC18  }
0xfc: {  	_ =	swait.ge [sflag:s1], $0x3E8  }
0xfd: {  	[sflag:s1] =	ssyncset.done $0x0  }
0xfe: {  	[sflag:s1] =	ssyncadd.s32 $0xFFFFFC18  }
0xff: {  	_ =	swait.ge [sflag:s1], $0x3E8  }
0x100: {  	[sflag:s1] =	ssyncset.done $0x0  }
0x101: {  	[sflag:s1] =	ssyncadd.s32 $0xFFFFFC18  }
0x102: {  	[bflag:$0x0] =	sbarrier.arrive $0xFFFF  }
0x103: {  	[tilespmem:s16], [sflag:$0x2] =	stream.indirect.gather [hbm4b:s3+s12], $0x10, s9, s12, $0xb8;
	[tilespmem:$0x17020] =	vst v63  }
0x104: {  	s14 =	simm.s32 $0x8CA0  }
0x105: {  	[tilespmem:s14], [sflag:$0x3] =	stream.indirect.gather [hbm4b:s3+s12], $0x10, s12, s12, $0xb8;
	[tilespmem:$0x17020] =	vst v63  }
0x106: {  	s25 =	simm.s32 $0xCB20;
	s8 =	rddreg [dreg:$0xf]  }
0x107: {  	[tilespmem:s25], [sflag:$0x4] =	stream.indirect.gather [hbm4b:s3+s12], $0x10, s8, s12, $0xb8;
	[tilespmem:$0x17020] =	vst v63  }
0x108: {  	s22 =	simm.s32 $0x109A0;
	s10 =	rddreg [dreg:$0x10]  }
0x109: {  	[tilespmem:s22], [sflag:$0x5] =	stream.indirect.gather [hbm4b:s3+s12], $0x10, s10, s12, $0xb8;
	[tilespmem:$0x17020] =	vst v63  }
0x10a: {  	_ =	swait.ge [sflag:s24], $0x3E80  }
0x10b: {  	[sflag:s24] =	ssyncset.done $0x0  }
0x10c: {  	[sflag:s24] =	ssyncadd.s32 $0xFFFFC180  }
0x10d: {  	[spmem:s2] =	stream.indirect.scatter.add.f32 [tilespmem:s16], [sflag:$0x6], $0x10, s6, s12, $0xb8;
	[tilespmem:$0x17020] =	vst v63  }
0x10e: {  	_ =	swait.ge [sflag:s17], $0x3E80  }
0x10f: {  	[sflag:s17] =	ssyncset.done $0x0  }
0x110: {  	s8 =	rddreg [dreg:$0x11];
	[sflag:s17] =	ssyncadd.s32 $0xFFFFC180  }
0x111: {  	[tilespmem:s16], [sflag:$0x2] =	stream.indirect.gather [hbm4b:s3+s12], $0x10, s8, s12, $0xb8;
	[tilespmem:$0x17020] =	vst v63  }
0x112: {  	_ =	swait.ge [sflag:s21], $0x3E80  }
0x113: {  	[sflag:s21] =	ssyncset.done $0x0  }
0x114: {  	s0 =	simm.s32 $0x2AF8;
	[sflag:s21] =	ssyncadd.s32 $0xFFFFC180  }
0x115: {  	[spmem:s2] =	stream.indirect.scatter.add.f32 [tilespmem:s14], [sflag:$0x7], $0x10, s0, s12, $0xb8;
	[tilespmem:$0x17020] =	vst v63  }
0x116: {  	_ =	swait.ge [sflag:s15], $0x3E80  }
0x117: {  	[sflag:s15] =	ssyncset.done $0x0  }
0x118: {  	s0 =	rddreg [dreg:$0x12];
	[sflag:s15] =	ssyncadd.s32 $0xFFFFC180  }
0x119: {  	[tilespmem:s14], [sflag:$0x3] =	stream.indirect.gather [hbm4b:s3+s12], $0x10, s0, s12, $0xb8;
	[tilespmem:$0x17020] =	vst v63  }
0x11a: {  	_ =	swait.ge [sflag:s29], $0x3E80  }
0x11b: {  	[sflag:s29] =	ssyncset.done $0x0  }
0x11c: {  	s31 =	simm.s32 $0x2EE0;
	[sflag:s29] =	ssyncadd.s32 $0xFFFFC180  }
0x11d: {  	[spmem:s2] =	stream.indirect.scatter.add.f32 [tilespmem:s25], [sflag:$0x8], $0x10, s31, s12, $0xb8;
	[tilespmem:$0x17020] =	vst v63  }
0x11e: {  	_ =	swait.ge [sflag:s20], $0x3E80  }
0x11f: {  	[sflag:s20] =	ssyncset.done $0x0  }
0x120: {  	s0 =	rddreg [dreg:$0x13];
	[sflag:s20] =	ssyncadd.s32 $0xFFFFC180  }
0x121: {  	[tilespmem:s25], [sflag:$0x4] =	stream.indirect.gather [hbm4b:s3+s12], $0x10, s0, s12, $0xb8;
	[tilespmem:$0x17020] =	vst v63  }
0x122: {  	_ =	swait.ge [sflag:s28], $0x3E80  }
0x123: {  	[sflag:s28] =	ssyncset.done $0x0  }
0x124: {  	s30 =	simm.s32 $0x32C8;
	[sflag:s28] =	ssyncadd.s32 $0xFFFFC180  }
0x125: {  	[spmem:s2] =	stream.indirect.scatter.add.f32 [tilespmem:s22], [sflag:$0x9], $0x10, s30, s12, $0xb8;
	[tilespmem:$0x17020] =	vst v63  }
0x126: {  	_ =	swait.ge [sflag:s19], $0x3E80  }
0x127: {  	[sflag:s19] =	ssyncset.done $0x0  }
0x128: {  	s0 =	rddreg [dreg:$0x14];
	[sflag:s19] =	ssyncadd.s32 $0xFFFFC180  }
0x129: {  	[tilespmem:s22], [sflag:$0x5] =	stream.indirect.gather [hbm4b:s3+s12], $0x10, s0, s12, $0xb8;
	[tilespmem:$0x17020] =	vst v63  }
0x12a: {  	_ =	swait.ge [sflag:s24], $0x3E80  }
0x12b: {  	[sflag:s24] =	ssyncset.done $0x0  }
0x12c: {  	s26 =	simm.s32 $0x36B0;
	[sflag:s24] =	ssyncadd.s32 $0xFFFFC180  }
0x12d: {  	[spmem:s2] =	stream.indirect.scatter.add.f32 [tilespmem:s16], [sflag:$0x6], $0x10, s26, s12, $0xb8;
	[tilespmem:$0x17020] =	vst v63  }
0x12e: {  	_ =	swait.ge [sflag:s17], $0x3E80  }
0x12f: {  	[sflag:s17] =	ssyncset.done $0x0  }
0x130: {  	s0 =	rddreg [dreg:$0x15];
	[sflag:s17] =	ssyncadd.s32 $0xFFFFC180  }
0x131: {  	[tilespmem:s16], [sflag:$0x2] =	stream.indirect.gather [hbm4b:s3+s12], $0x10, s0, s12, $0xb8;
	[tilespmem:$0x17020] =	vst v63  }
0x132: {  	_ =	swait.ge [sflag:s21], $0x3E80  }
0x133: {  	[sflag:s21] =	ssyncset.done $0x0  }
0x134: {  	s23 =	simm.s32 $0x3A98;
	[sflag:s21] =	ssyncadd.s32 $0xFFFFC180  }
0x135: {  	[spmem:s2] =	stream.indirect.scatter.add.f32 [tilespmem:s14], [sflag:$0x7], $0x10, s23, s12, $0xb8;
	[tilespmem:$0x17020] =	vst v63  }
0x136: {  	_ =	swait.ge [sflag:s15], $0x3E80  }
0x137: {  	[sflag:s15] =	ssyncset.done $0x0  }
0x138: {  	s0 =	rddreg [dreg:$0x16];
	[sflag:s15] =	ssyncadd.s32 $0xFFFFC180  }
0x139: {  	[tilespmem:s14], [sflag:$0x3] =	stream.indirect.gather [hbm4b:s3+s12], $0x10, s0, s12, $0xb8;
	[tilespmem:$0x17020] =	vst v63  }
0x13a: {  	_ =	swait.ge [sflag:s29], $0x3E80  }
0x13b: {  	[sflag:s29] =	ssyncset.done $0x0  }
0x13c: {  	s18 =	simm.s32 $0x3E80;
	[sflag:s29] =	ssyncadd.s32 $0xFFFFC180  }
0x13d: {  	[spmem:s2] =	stream.indirect.scatter.add.f32 [tilespmem:s25], [sflag:$0x8], $0x10, s18, s12, $0xb8;
	[tilespmem:$0x17020] =	vst v63  }
0x13e: {  	_ =	swait.ge [sflag:s28], $0x3E80  }
0x13f: {  	[sflag:s28] =	ssyncset.done $0x0  }
0x140: {  	s13 =	simm.s32 $0x4268;
	[sflag:s28] =	ssyncadd.s32 $0xFFFFC180  }
0x141: {  	[spmem:s2] =	stream.indirect.scatter.add.f32 [tilespmem:s22], [sflag:$0x9], $0x10, s13, s12, $0xb8;
	[tilespmem:$0x17020] =	vst v63  }
0x142: {  	_ =	swait.ge [sflag:s24], $0x3E80  }
0x143: {  	[sflag:s24] =	ssyncset.done $0x0  }
0x144: {  	s10 =	simm.s32 $0x4650;
	[sflag:s24] =	ssyncadd.s32 $0xFFFFC180  }
0x145: {  	[spmem:s2] =	stream.indirect.scatter.add.f32 [tilespmem:s16], [sflag:$0x6], $0x10, s10, s12, $0xb8;
	[tilespmem:$0x17020] =	vst v63  }
0x146: {  	_ =	swait.ge [sflag:s21], $0x3E80  }
0x147: {  	[sflag:s21] =	ssyncset.done $0x0  }
0x148: {  	s11 =	simm.s32 $0x4A38;
	[sflag:s21] =	ssyncadd.s32 $0xFFFFC180  }
0x149: {  	[spmem:s2] =	stream.indirect.scatter.add.f32 [tilespmem:s14], [sflag:$0x7], $0x10, s11, s12, $0xb8;
	[tilespmem:$0x17020] =	vst v63  }
0x14a: {  	_ =	swait.ge [sflag:s20], $0x3E80  }
0x14b: {  	[sflag:s20] =	ssyncset.done $0x0  }
0x14c: {  	[sflag:s20] =	ssyncadd.s32 $0xFFFFC180  }
0x14d: {  	_ =	swait.ge [sflag:s19], $0x3E80  }
0x14e: {  	[sflag:s19] =	ssyncset.done $0x0  }
0x14f: {  	[sflag:s19] =	ssyncadd.s32 $0xFFFFC180  }
0x150: {  	_ =	swait.ge [sflag:s17], $0x3E80  }
0x151: {  	[sflag:s17] =	ssyncset.done $0x0  }
0x152: {  	[sflag:s17] =	ssyncadd.s32 $0xFFFFC180  }
0x153: {  	_ =	swait.ge [sflag:s15], $0x3E80  }
0x154: {  	[sflag:s15] =	ssyncset.done $0x0  }
0x155: {  	p1 =	sne.s32 s7, $0x1;
	[sflag:s15] =	ssyncadd.s32 $0xFFFFC180  }
.Ltmp2:
0x156: {  	[bflag:$0x0] =	sbarrier.arrive $0xFFFF;
	(pc) =	sbr.rel @p1 .LBB2_4-.Ltmp2, $4  }
0x157: {  	s6 =	simm.s32 $0xA;
	s0 =	rddreg [dreg:$0xe]  }
0x158: {  	[hbm:s0], [sflag:s4] =	dma.local [spmem:s5], $0x500  }
0x159: {  	_ =	swait.ge [sflag:s6], $0x500  }
0x15a: {  	s7 =	sadd.s32 $0xFFFFFFFF, s7;
	s8 =	rddreg [dreg:$0xd];
	[sflag:s6] =	ssyncset.done $0x0  }
0x15b: {  	s0 =	rddreg [dreg:$0x17]  }
.LBB2_6:
0x15c: {  	[sflag:s6] =	ssyncadd.s32 @p0 $0xFFFFFB00;
	s7 =	rddreg [dreg:$0x3]  }
0x15d: {  	[tilespmem:s9], [sflag:$0x1] =	stream.linear.gather [hbm4b:s0+s9], $0x2710, $0x38;
	[tilespmem:$0x17020] =	vst v63  }
0x15e: {  	s0 =	rddreg [dreg:$0x4]  }
0x15f: {  	[dreg:$0x1d] =	wrdreg s0;
	s0 =	simm.s32 $0x2710  }
0x160: {  	[tilespmem:s0], [sflag:$0x1] =	stream.linear.gather [hbm4b:s7+s9], $0x3E8, $0x38;
	[tilespmem:$0x17020] =	vst v63  }
0x161: {  	s7 =	rddreg [dreg:$0x5]  }
0x162: {  	[dreg:$0x1e] =	wrdreg s7  }
0x163: {  	s0 =	simm.s32 $0x2AF8;
	s7 =	rddreg [dreg:$0x1d]  }
0x164: {  	[tilespmem:s0], [sflag:$0x1] =	stream.linear.gather [hbm4b:s7+s9], $0x3E8, $0x38;
	[tilespmem:$0x17020] =	vst v63  }
0x165: {  	s7 =	rddreg [dreg:$0x1e]  }
0x166: {  	[tilespmem:s31], [sflag:$0x1] =	stream.linear.gather [hbm4b:s7+s9], $0x3E8, $0x38;
	[tilespmem:$0x17020] =	vst v63  }
0x167: {  	s0 =	rddreg [dreg:$0x6]  }
0x168: {  	[tilespmem:s30], [sflag:$0x1] =	stream.linear.gather [hbm4b:s0+s9], $0x3E8, $0x38;
	[tilespmem:$0x17020] =	vst v63  }
0x169: {  	s7 =	rddreg [dreg:$0x7]  }
0x16a: {  	[tilespmem:s26], [sflag:$0x1] =	stream.linear.gather [hbm4b:s7+s9], $0x3E8, $0x38;
	[tilespmem:$0x17020] =	vst v63  }
0x16b: {  	s0 =	rddreg [dreg:$0x8]  }
0x16c: {  	[tilespmem:s23], [sflag:$0x1] =	stream.linear.gather [hbm4b:s0+s9], $0x3E8, $0x38;
	[tilespmem:$0x17020] =	vst v63  }
0x16d: {  	s7 =	rddreg [dreg:$0x9]  }
0x16e: {  	[tilespmem:s18], [sflag:$0x1] =	stream.linear.gather [hbm4b:s7+s9], $0x3E8, $0x38;
	[tilespmem:$0x17020] =	vst v63  }
0x16f: {  	s0 =	rddreg [dreg:$0xa]  }
0x170: {  	[tilespmem:s13], [sflag:$0x1] =	stream.linear.gather [hbm4b:s0+s9], $0x3E8, $0x38;
	[tilespmem:$0x17020] =	vst v63  }
0x171: {  	s7 =	rddreg [dreg:$0xb]  }
0x172: {  	[tilespmem:s10], [sflag:$0x1] =	stream.linear.gather [hbm4b:s7+s9], $0x3E8, $0x38;
	[tilespmem:$0x17020] =	vst v63  }
0x173: {  	s0 =	rddreg [dreg:$0xc]  }
0x174: {  	[tilespmem:s11], [sflag:$0x1] =	stream.linear.gather [hbm4b:s0+s9], $0x3E8, $0x38;
	[tilespmem:$0x17020] =	vst v63  }
0x175: {  	[spmem:s5], [sflag:s4] =	dma.local [hbm:s8], $0x500  }
0x176: {  	_ =	swait.ge [sflag:s6], $0x500  }
0x177: {  	[sflag:s6] =	ssyncset.done $0x0  }
0x178: {  	[sflag:s6] =	ssyncadd.s32 $0xFFFFFB00  }
0x179: {  	_ =	swait.ge [sflag:s1], $0x2710  }
0x17a: {  	[sflag:s1] =	ssyncset.done $0x0  }
0x17b: {  	[sflag:s1] =	ssyncadd.s32 $0xFFFFD8F0  }
0x17c: {  	_ =	swait.ge [sflag:s1], $0x3E8  }
0x17d: {  	[sflag:s1] =	ssyncset.done $0x0  }
0x17e: {  	[sflag:s1] =	ssyncadd.s32 $0xFFFFFC18  }
0x17f: {  	_ =	swait.ge [sflag:s1], $0x3E8  }
0x180: {  	[sflag:s1] =	ssyncset.done $0x0  }
0x181: {  	[sflag:s1] =	ssyncadd.s32 $0xFFFFFC18  }
0x182: {  	_ =	swait.ge [sflag:s1], $0x3E8  }
0x183: {  	[sflag:s1] =	ssyncset.done $0x0  }
0x184: {  	[sflag:s1] =	ssyncadd.s32 $0xFFFFFC18  }
0x185: {  	_ =	swait.ge [sflag:s1], $0x3E8  }
0x186: {  	[sflag:s1] =	ssyncset.done $0x0  }
0x187: {  	[sflag:s1] =	ssyncadd.s32 $0xFFFFFC18  }
0x188: {  	_ =	swait.ge [sflag:s1], $0x3E8  }
0x189: {  	[sflag:s1] =	ssyncset.done $0x0  }
0x18a: {  	[sflag:s1] =	ssyncadd.s32 $0xFFFFFC18  }
0x18b: {  	_ =	swait.ge [sflag:s1], $0x3E8  }
0x18c: {  	[sflag:s1] =	ssyncset.done $0x0  }
0x18d: {  	[sflag:s1] =	ssyncadd.s32 $0xFFFFFC18  }
0x18e: {  	_ =	swait.ge [sflag:s1], $0x3E8  }
0x18f: {  	[sflag:s1] =	ssyncset.done $0x0  }
0x190: {  	[sflag:s1] =	ssyncadd.s32 $0xFFFFFC18  }
0x191: {  	_ =	swait.ge [sflag:s1], $0x3E8  }
0x192: {  	[sflag:s1] =	ssyncset.done $0x0  }
0x193: {  	[sflag:s1] =	ssyncadd.s32 $0xFFFFFC18  }
0x194: {  	_ =	swait.ge [sflag:s1], $0x3E8  }
0x195: {  	[sflag:s1] =	ssyncset.done $0x0  }
0x196: {  	[sflag:s1] =	ssyncadd.s32 $0xFFFFFC18  }
0x197: {  	_ =	swait.ge [sflag:s1], $0x3E8  }
0x198: {  	[sflag:s1] =	ssyncset.done $0x0  }
0x199: {  	[sflag:s1] =	ssyncadd.s32 $0xFFFFFC18  }
0x19a: {  	[bflag:$0x0] =	sbarrier.arrive $0xFFFF  }
0x19b: {  	[tilespmem:s16], [sflag:$0x2] =	stream.indirect.gather [hbm4b:s3+s12], $0x10, s9, s12, $0xb8;
	[tilespmem:$0x17020] =	vst v63  }
0x19c: {  	_ = 	snop  }
0x19d: {  	[tilespmem:s14], [sflag:$0x3] =	stream.indirect.gather [hbm4b:s3+s12], $0x10, s12, s12, $0xb8;
	[tilespmem:$0x17020] =	vst v63  }
0x19e: {  	s8 =	rddreg [dreg:$0xf]  }
0x19f: {  	[tilespmem:s25], [sflag:$0x4] =	stream.indirect.gather [hbm4b:s3+s12], $0x10, s8, s12, $0xb8;
	[tilespmem:$0x17020] =	vst v63  }
0x1a0: {  	s9 =	rddreg [dreg:$0x10]  }
0x1a1: {  	[tilespmem:s22], [sflag:$0x5] =	stream.indirect.gather [hbm4b:s3+s12], $0x10, s9, s12, $0xb8;
	[tilespmem:$0x17020] =	vst v63  }
0x1a2: {  	_ =	swait.ge [sflag:s24], $0x3E80  }
0x1a3: {  	[sflag:s24] =	ssyncset.done $0x0  }
0x1a4: {  	s7 =	simm.s32 $0x2710;
	[sflag:s24] =	ssyncadd.s32 $0xFFFFC180  }
0x1a5: {  	[spmem:s2] =	stream.indirect.scatter.add.f32 [tilespmem:s16], [sflag:$0x6], $0x10, s7, s12, $0xb8;
	[tilespmem:$0x17020] =	vst v63  }
0x1a6: {  	_ =	swait.ge [sflag:s17], $0x3E80  }
0x1a7: {  	[sflag:s17] =	ssyncset.done $0x0  }
0x1a8: {  	s8 =	rddreg [dreg:$0x11];
	[sflag:s17] =	ssyncadd.s32 $0xFFFFC180  }
0x1a9: {  	[tilespmem:s16], [sflag:$0x2] =	stream.indirect.gather [hbm4b:s3+s12], $0x10, s8, s12, $0xb8;
	[tilespmem:$0x17020] =	vst v63  }
0x1aa: {  	_ =	swait.ge [sflag:s21], $0x3E80  }
0x1ab: {  	[sflag:s21] =	ssyncset.done $0x0  }
0x1ac: {  	s9 =	simm.s32 $0x2AF8;
	[sflag:s21] =	ssyncadd.s32 $0xFFFFC180  }
0x1ad: {  	[spmem:s2] =	stream.indirect.scatter.add.f32 [tilespmem:s14], [sflag:$0x7], $0x10, s9, s12, $0xb8;
	[tilespmem:$0x17020] =	vst v63  }
0x1ae: {  	_ =	swait.ge [sflag:s15], $0x3E80  }
0x1af: {  	[sflag:s15] =	ssyncset.done $0x0  }
0x1b0: {  	s1 =	rddreg [dreg:$0x12];
	[sflag:s15] =	ssyncadd.s32 $0xFFFFC180  }
0x1b1: {  	[tilespmem:s14], [sflag:$0x3] =	stream.indirect.gather [hbm4b:s3+s12], $0x10, s1, s12, $0xb8;
	[tilespmem:$0x17020] =	vst v63  }
0x1b2: {  	_ =	swait.ge [sflag:s29], $0x3E80  }
0x1b3: {  	[sflag:s29] =	ssyncset.done $0x0  }
0x1b4: {  	[sflag:s29] =	ssyncadd.s32 $0xFFFFC180  }
0x1b5: {  	[spmem:s2] =	stream.indirect.scatter.add.f32 [tilespmem:s25], [sflag:$0x8], $0x10, s31, s12, $0xb8;
	[tilespmem:$0x17020] =	vst v63  }
0x1b6: {  	_ =	swait.ge [sflag:s20], $0x3E80  }
0x1b7: {  	[sflag:s20] =	ssyncset.done $0x0  }
0x1b8: {  	s7 =	rddreg [dreg:$0x13];
	[sflag:s20] =	ssyncadd.s32 $0xFFFFC180  }
0x1b9: {  	[tilespmem:s25], [sflag:$0x4] =	stream.indirect.gather [hbm4b:s3+s12], $0x10, s7, s12, $0xb8;
	[tilespmem:$0x17020] =	vst v63  }
0x1ba: {  	_ =	swait.ge [sflag:s28], $0x3E80  }
0x1bb: {  	[sflag:s28] =	ssyncset.done $0x0  }
0x1bc: {  	[sflag:s28] =	ssyncadd.s32 $0xFFFFC180  }
0x1bd: {  	[spmem:s2] =	stream.indirect.scatter.add.f32 [tilespmem:s22], [sflag:$0x9], $0x10, s30, s12, $0xb8;
	[tilespmem:$0x17020] =	vst v63  }
0x1be: {  	_ =	swait.ge [sflag:s19], $0x3E80  }
0x1bf: {  	[sflag:s19] =	ssyncset.done $0x0  }
0x1c0: {  	s8 =	rddreg [dreg:$0x14];
	[sflag:s19] =	ssyncadd.s32 $0xFFFFC180  }
0x1c1: {  	[tilespmem:s22], [sflag:$0x5] =	stream.indirect.gather [hbm4b:s3+s12], $0x10, s8, s12, $0xb8;
	[tilespmem:$0x17020] =	vst v63  }
0x1c2: {  	_ =	swait.ge [sflag:s24], $0x3E80  }
0x1c3: {  	[sflag:s24] =	ssyncset.done $0x0  }
0x1c4: {  	[sflag:s24] =	ssyncadd.s32 $0xFFFFC180  }
0x1c5: {  	[spmem:s2] =	stream.indirect.scatter.add.f32 [tilespmem:s16], [sflag:$0x6], $0x10, s26, s12, $0xb8;
	[tilespmem:$0x17020] =	vst v63  }
0x1c6: {  	_ =	swait.ge [sflag:s17], $0x3E80  }
0x1c7: {  	[sflag:s17] =	ssyncset.done $0x0  }
0x1c8: {  	s9 =	rddreg [dreg:$0x15];
	[sflag:s17] =	ssyncadd.s32 $0xFFFFC180  }
0x1c9: {  	[tilespmem:s16], [sflag:$0x2] =	stream.indirect.gather [hbm4b:s3+s12], $0x10, s9, s12, $0xb8;
	[tilespmem:$0x17020] =	vst v63  }
0x1ca: {  	_ =	swait.ge [sflag:s21], $0x3E80  }
0x1cb: {  	[sflag:s21] =	ssyncset.done $0x0  }
0x1cc: {  	[sflag:s21] =	ssyncadd.s32 $0xFFFFC180  }
0x1cd: {  	[spmem:s2] =	stream.indirect.scatter.add.f32 [tilespmem:s14], [sflag:$0x7], $0x10, s23, s12, $0xb8;
	[tilespmem:$0x17020] =	vst v63  }
0x1ce: {  	_ =	swait.ge [sflag:s15], $0x3E80  }
0x1cf: {  	[sflag:s15] =	ssyncset.done $0x0  }
0x1d0: {  	s26 =	rddreg [dreg:$0x16];
	[sflag:s15] =	ssyncadd.s32 $0xFFFFC180  }
0x1d1: {  	[tilespmem:s14], [sflag:$0x3] =	stream.indirect.gather [hbm4b:s3+s12], $0x10, s26, s12, $0xb8;
	[tilespmem:$0x17020] =	vst v63  }
0x1d2: {  	_ =	swait.ge [sflag:s29], $0x3E80  }
0x1d3: {  	[sflag:s29] =	ssyncset.done $0x0  }
0x1d4: {  	[sflag:s29] =	ssyncadd.s32 $0xFFFFC180  }
0x1d5: {  	[spmem:s2] =	stream.indirect.scatter.add.f32 [tilespmem:s25], [sflag:$0x8], $0x10, s18, s12, $0xb8;
	[tilespmem:$0x17020] =	vst v63  }
0x1d6: {  	_ =	swait.ge [sflag:s28], $0x3E80  }
0x1d7: {  	[sflag:s28] =	ssyncset.done $0x0  }
0x1d8: {  	[sflag:s28] =	ssyncadd.s32 $0xFFFFC180  }
0x1d9: {  	[spmem:s2] =	stream.indirect.scatter.add.f32 [tilespmem:s22], [sflag:$0x9], $0x10, s13, s12, $0xb8;
	[tilespmem:$0x17020] =	vst v63  }
0x1da: {  	_ =	swait.ge [sflag:s24], $0x3E80  }
0x1db: {  	[sflag:s24] =	ssyncset.done $0x0  }
0x1dc: {  	[sflag:s24] =	ssyncadd.s32 $0xFFFFC180  }
0x1dd: {  	[spmem:s2] =	stream.indirect.scatter.add.f32 [tilespmem:s16], [sflag:$0x6], $0x10, s10, s12, $0xb8;
	[tilespmem:$0x17020] =	vst v63  }
0x1de: {  	_ =	swait.ge [sflag:s21], $0x3E80  }
0x1df: {  	[sflag:s21] =	ssyncset.done $0x0  }
0x1e0: {  	[sflag:s21] =	ssyncadd.s32 $0xFFFFC180  }
0x1e1: {  	[spmem:s2] =	stream.indirect.scatter.add.f32 [tilespmem:s14], [sflag:$0x7], $0x10, s11, s12, $0xb8;
	[tilespmem:$0x17020] =	vst v63  }
0x1e2: {  	_ =	swait.ge [sflag:s20], $0x3E80  }
0x1e3: {  	[sflag:s20] =	ssyncset.done $0x0  }
0x1e4: {  	[sflag:s20] =	ssyncadd.s32 $0xFFFFC180  }
0x1e5: {  	_ =	swait.ge [sflag:s19], $0x3E80  }
0x1e6: {  	[sflag:s19] =	ssyncset.done $0x0  }
0x1e7: {  	[sflag:s19] =	ssyncadd.s32 $0xFFFFC180  }
0x1e8: {  	_ =	swait.ge [sflag:s17], $0x3E80  }
0x1e9: {  	[sflag:s17] =	ssyncset.done $0x0  }
0x1ea: {  	[sflag:s17] =	ssyncadd.s32 $0xFFFFC180  }
0x1eb: {  	_ =	swait.ge [sflag:s15], $0x3E80  }
0x1ec: {  	[sflag:s15] =	ssyncset.done $0x0  }
0x1ed: {  	[sflag:s15] =	ssyncadd.s32 $0xFFFFC180  }
0x1ee: {  	[bflag:$0x0] =	sbarrier.arrive $0xFFFF  }
0x1ef: {  	s30 =	rddreg [dreg:$0xe]  }
0x1f0: {  	[hbm:s30], [sflag:s4] =	dma.local [spmem:s5], $0x500  }
0x1f1: {  	_ =	swait.ge [sflag:s6], $0x500  }
0x1f2: {  	[sflag:s6] =	ssyncset.done $0x0  }
0x1f3: {  	[sflag:s6] =	ssyncadd.s32 $0xFFFFFB00  }
0x1f4: {  	_ =	sfence.sel $0x180000  }
0x1f5: {  	[bflag:$0x0] =	sbarrier.arrive $0xFFFF  }
0x1f6: {  	_ =	strace $0x9000004D  }
0x1f7: {  	s31 =	stileid.u32;
	[bflag:$0x2] =	sbarrier.arrive $0xFFFF  }
0x1f8: {  	p0 =	sne.s32 s31, $0x0;
	s0 =	rddreg [dreg:$0x2]  }
0x1f9: {  	s0 =	sadd.s32 @!p0 $0x100000, s0  }
0x1fa: {  	[sflag:s0] =	ssyncadd.tile.s32 @!p0 $0x1;
	_ =	shalt  }
.LBB2_1:
.Ltmp3:
0x1fb: {  	(pc) =	sbr.rel .LBB2_6-.Ltmp3, $2  }
0x1fc: {  	_ =	sdelay $0x2  }
0x1fd: {  	s0 =	rddreg [dreg:$0x17]  }
.LBB2_3:
.Ltmp4:
0x1fe: {  	(pc) =	sbr.rel .LBB2_6-.Ltmp4, $2  }
0x1ff: {  	_ =	sdelay $0x2  }
0x200: {  	s0 =	rddreg [dreg:$0x17]  }
.Lfunc_end2:
_tile_overlayer_lowered:
.L_overlay_start_2:
0x201: {  	(tag) =	ssettag $0x2  }
0x202: {  	s0 =	rddreg [dreg:$0x0];
	s2 =	stileid.u32  }
0x203: {  	s1 =	rddreg [dreg:$0x1];
	p0 =	sne.s32 s2, $0x0  }
0x204: {  	s3 =	rddreg [dreg:$0x2];
	[bflag:$0x3] =	sbarrier.arrive $0xFFFF;
	s2 =	simm.s32 @!p0 $0x1C0A  }
0x205: {  	[timem:s3], [sflag:s2] =	dma.local @!p0 [hbm:s0], s1  }
0x206: {  	s0 =	simm.s32 @!p0 $0xA  }
0x207: {  	_ =	swait.ge @!p0 [sflag:s0], s1  }
0x208: {  	s1 =	ssub.s32 @!p0 $0x0, s1;
	[sflag:s0] =	ssyncset.done @!p0 $0x0  }
0x209: {  	[sflag:s0] =	ssyncadd.s32 @!p0 s1  }
0x20a: {  	[bflag:$0x3] =	sbarrier.arrive $0xFFFF  }
0x20b: {  	_ =	shalt  }

// kernel: kernel.9.cloned.1.call-start
scs
__scs_entry_jumppad:
0x0: {  	(pc) =	sbr.rel $0x88, $3  }
0x1: {  	(tag) =	ssettag $0x0;
	lr =	simm.s32 $0x1  }
0x2: {  	[smem:$0x3F9B] =	sst lr;
	_ =	strace $0xD0000000  }
0x3: {  	_ = 	snop  }
0x4: {  	_ = 	snop  }
0x5: {  	_ = 	snop  }
0x6: {  	_ = 	snop  }
0x7: {  	_ = 	snop  }
__scs_overlays_trampoline_lowered:
0x8: {  	[smem:$0x3FAA] =	sst s0  }
0x9: {  	[smem:$0x3FAB] =	sst s1  }
0xa: {  	[smem:$0x3FAC] =	sst s2  }
0xb: {  	[smem:$0x3FAD] =	sst s3  }
0xc: {  	[smem:$0x3FAE] =	sst s4  }
0xd: {  	[smem:$0x3FAF] =	sst s5  }
0xe: {  	[smem:$0x3FB0] =	sst s6  }
0xf: {  	[smem:$0x3FB1] =	sst s7  }
0x10: {  	[smem:$0x3FB2] =	sst s8  }
0x11: {  	[smem:$0x3FB3] =	sst s9;
	s0 =	simm.s32 @!p0 $0x0  }
0x12: {  	s1 =	sld [smem:$0x3F99];
	s0 =	simm.s32 @p0 $0x1  }
0x13: {  	[smem:$0x3FB4] =	sst s0;
	s0 =	simm.s32 @!p1 $0x0  }
0x14: {  	s2 =	sld [smem:$0x3F98];
	s0 =	simm.s32 @p1 $0x1  }
0x15: {  	[smem:$0x3FB5] =	sst s0;
	s0 =	simm.s32 @!p2 $0x0  }
0x16: {  	s3 =	sld [smem:$0x3FDB];
	s0 =	simm.s32 @p2 $0x1  }
0x17: {  	s4 =	simm.s32 $0x1BF5;
	[smem:$0x3FB7] =	sst s0  }
0x18: {  	s0 =	sld [smem:$0x3F9A];
	_ =	swait.ge [sflag:s4], $0x0  }
0x19: {  	s7 =	sld [smem:$0x3F9B]  }
0x1a: {  	s8 =	sadd.s32 $0xFFFFE003, lr  }
0x1b: {  	s9 =	sadd.s32 $0xFFFFFEF7, lr;
	s5 =	simm.s32 $0xFFFFFFFF;
	p2 =	slt.u32 s8, $0xFFFFF086  }
0x1c: {  	p1 =	slt.u32 s9, $0xF7A;
	s5 =	simm.s32 @!p2 $0x0  }
0x1d: {  	s5 =	simm.s32 @p1 $0x1;
	p0 =	seq.s32 s7, s2  }
0x1e: {  	s7 =	smul.u32 @!p0 $0xF7A, s2;
	p2 =	seq.s32 @!p0 s5, $0x0  }
0x1f: {  	s9 =	smul.u32 $0xF7A, s1;
	s8 =	simm.s32 @!p0 $0x1BF5;
	p2 =	por !p2, p0  }
0x20: {  	[sflag:s8] =	ssyncset.s32 @!p0 $0xFFFFF086;
	s6 =	sadd.s32 @!p0 s3, s7;
	s7 =	simm.s32 @!p0 $0x108  }
0x21: {  	s3 =	sadd.s32 s3, s9;
	s6 =	sadd.s32 @!p0 $0x88, s6;
	s7 =	simm.s32 @p2 $0x1082  }
0x22: {  	[simem:s7], [sflag:s8] =	dma.local @!p0 [hbm:s6], $0xF7A  }
0x23: {  	s9 =	sor.u32 $0xD0000000, s2;
	s6 =	simm.s32 $0x108;
	_ =	swait.ge @!p0 [sflag:s8], $0x0  }
0x24: {  	s3 =	sadd.s32 $0x88, s3;
	s6 =	simm.s32 @!p1 $0x1082;
	[sflag:s4] =	ssyncset.s32 $0xFFFFF086  }
0x25: {  	[simem:s6], [sflag:s4] =	dma.local [hbm:s3], $0xF7A  }
0x26: {  	[smem:$0x3F9B] =	sst s1;
	(tag) =	ssettag s2;
	_ =	strace s9  }
0x27: {  	s1 =	sld [smem:$0x3FAB]  }
0x28: {  	s2 =	sld [smem:$0x3FAC]  }
0x29: {  	s4 =	sld [smem:$0x3FAE]  }
0x2a: {  	p0 =	seq.s32 s5, $0x0;
	s5 =	sld [smem:$0x3FAF]  }
0x2b: {  	s6 =	sld [smem:$0x3FB0]  }
0x2c: {  	s7 =	sld [smem:$0x3FB1]  }
0x2d: {  	s3 =	simm.s32 $0x108;
	s8 =	sld [smem:$0x3FB2]  }
0x2e: {  	s3 =	simm.s32 @!p0 $0x1082;
	s9 =	sld [smem:$0x3FB3]  }
0x2f: {  	lr =	sadd.s32 s0, s3;
	s0 =	sld [smem:$0x3FAA]  }
0x30: {  	s3 =	sld [smem:$0x3FAD]  }
0x31: {  	[smem:$0x3FB6] =	sst s10  }
0x32: {  	s10 =	sld [smem:$0x3FB4];
	_ =	sdelay $0x3  }
0x33: {  	p0 =	seq.s32 s10, $0x1;
	s10 =	sld [smem:$0x3FB6];
	_ =	sdelay $0x3  }
0x34: {  	[smem:$0x3FB6] =	sst s10  }
0x35: {  	s10 =	sld [smem:$0x3FB5];
	_ =	sdelay $0x3  }
0x36: {  	p1 =	seq.s32 s10, $0x1;
	s10 =	sld [smem:$0x3FB6];
	_ =	sdelay $0x3  }
0x37: {  	[smem:$0x3FB6] =	sst s10  }
0x38: {  	s10 =	sld [smem:$0x3FB7]  }
0x39: {  	_ = 	snop;
	(pc) =	sbr.ind lr, $3  }
0x3a: {  	_ = 	snop  }
0x3b: {  	_ = 	snop  }
0x3c: {  	p2 =	seq.s32 s10, $0x1;
	s10 =	sld [smem:$0x3FB6]  }
0x3d: {  	_ =	shalt  }
0x3e: {  	_ =	shalt  }
0x3f: {  	_ =	shalt  }
0x40: {  	_ =	shalt  }
0x41: {  	_ =	shalt  }
0x42: {  	_ =	shalt  }
0x43: {  	_ =	shalt  }
0x44: {  	_ =	shalt  }
0x45: {  	_ =	shalt  }
0x46: {  	_ =	shalt  }
0x47: {  	_ =	shalt  }
0x48: {  	_ =	shalt  }
0x49: {  	_ =	shalt  }
0x4a: {  	_ =	shalt  }
0x4b: {  	_ =	shalt  }
0x4c: {  	_ =	shalt  }
0x4d: {  	_ =	shalt  }
0x4e: {  	_ =	shalt  }
0x4f: {  	_ =	shalt  }
0x50: {  	_ =	shalt  }
0x51: {  	_ =	shalt  }
0x52: {  	_ =	shalt  }
0x53: {  	_ =	shalt  }
0x54: {  	_ =	shalt  }
0x55: {  	_ =	shalt  }
0x56: {  	_ =	shalt  }
0x57: {  	_ =	shalt  }
0x58: {  	_ =	shalt  }
0x59: {  	_ =	shalt  }
0x5a: {  	_ =	shalt  }
0x5b: {  	_ =	shalt  }
0x5c: {  	_ =	shalt  }
0x5d: {  	_ =	shalt  }
0x5e: {  	_ =	shalt  }
0x5f: {  	_ =	shalt  }
0x60: {  	_ =	shalt  }
0x61: {  	_ =	shalt  }
0x62: {  	_ =	shalt  }
0x63: {  	_ =	shalt  }
0x64: {  	_ =	shalt  }
0x65: {  	_ =	shalt  }
0x66: {  	_ =	shalt  }
0x67: {  	_ =	shalt  }
0x68: {  	_ =	shalt  }
0x69: {  	_ =	shalt  }
0x6a: {  	_ =	shalt  }
0x6b: {  	_ =	shalt  }
0x6c: {  	_ =	shalt  }
0x6d: {  	_ =	shalt  }
0x6e: {  	_ =	shalt  }
0x6f: {  	_ =	shalt  }
0x70: {  	_ =	shalt  }
0x71: {  	_ =	shalt  }
0x72: {  	_ =	shalt  }
0x73: {  	_ =	shalt  }
0x74: {  	_ =	shalt  }
0x75: {  	_ =	shalt  }
0x76: {  	_ =	shalt  }
0x77: {  	_ =	shalt  }
0x78: {  	_ =	shalt  }
0x79: {  	_ =	shalt  }
0x7a: {  	_ =	shalt  }
0x7b: {  	_ =	shalt  }
0x7c: {  	_ =	shalt  }
0x7d: {  	_ =	shalt  }
0x7e: {  	_ =	shalt  }
0x7f: {  	_ =	shalt  }
0x80: {  	_ =	shalt  }
0x81: {  	_ =	shalt  }
0x82: {  	_ =	shalt  }
0x83: {  	_ =	shalt  }
0x84: {  	_ =	shalt  }
0x85: {  	_ =	shalt  }
0x86: {  	_ =	shalt  }
0x87: {  	_ =	shalt  }
.Lfunc_end0:
.L_simem_size_0:
called_computation_lowered:
.L_overlay_start_0:
0x88: {  	s2 =	sld [smem:$0x3FD9]  }
0x89: {  	s3 =	sld [smem:$0x3FFE];
	_ =	sdelay $0x1  }
0x8a: {  	s1 =	srdreg.scid  }
0x8b: {  	s0 =	sand.u32 $0x1, s1  }
0x8c: {  	s17 =	sshll.u32 s0, $0xA;
	s2 =	sadd.s32 s3, s2  }
0x8d: {  	s2 =	sadd.s32 s2, s17  }
0x8e: {  	[smem:$0x3FC2] =	sst s2  }
0x8f: {  	_ = 	snop  }
0x90: {  	s2 =	sld [smem:$0x3FD0];
	(tm) =	ssettm $0x1  }
0x91: {  	s18 =	sld [smem:$0x3FFB];
	_ =	sdelay $0x3  }
0x92: {  	_ =	strace s18  }
0x93: {  	s3 =	sld [smem:$0x3FFC];
	_ =	sdelay $0x3  }
0x94: {  	_ =	strace s3  }
0x95: {  	s3 =	sld [smem:$0x3FFD];
	_ =	sdelay $0x3  }
0x96: {  	_ =	strace s3  }
0x97: {  	_ =	strace $0x8FFFFFFF  }
0x98: {  	s19 =	sld [smem:$0x3FDB];
	_ =	sdelay $0x1  }
0x99: {  	s4 =	simm.s32 $_scs_section_size  }
0x9a: {  	s5 =	simm.s32 $_size__tile_overlayer_lowered;
	s6 =	simm.s32 $_tile_overlayer_lowered  }
0x9b: {  	s22 =	simm.s32 $0x1BFF;
	s21 =	sshll.u32 s6, $0x1;
	s3 =	sadd.s32 s4, s19  }
0x9c: {  	s7 =	simm.s32 $0x0;
	s20 =	sshll.u32 s5, $0x1;
	s5 =	sadd.s32 s21, s3  }
0x9d: {  	[timem:s7], [sflag:s22] =	dma.local [hbm:s5], s20  }
0x9e: {  	_ =	swait.ge [sflag:s22], s20  }
0x9f: {  	s4 =	ssub.s32 $0x0, s20;
	[sflag:s22] =	ssyncset.done $0x0  }
0xa0: {  	[sflag:s22] =	ssyncadd.s32 s4;
	_ =	sdelay $0x1  }
0xa1: {  	s23 =	simm.s32 $0x1B8B  }
0xa2: {  	_ =	swait.ge [sflag:s23], $0x1  }
0xa3: {  	[sflag:s23] =	ssyncset.done $0x0  }
0xa4: {  	s25 =	simm.s32 $0x1B8E;
	s24 =	sld [smem:$0x3FFE];
	[sflag:s23] =	ssyncadd.s32 $0xFFFFFFFF  }
0xa5: {  	s26 =	simm.s32 $execute0_lowered;
	[smem:$0x3FD2] =	sst s25  }
0xa6: {  	s5 =	sshll.u32 s26, $0x1;
	_ =	strace $0x80000046;
	[dreg:$0x1] =	wrdreg $0xFFFFFFFF  }
0xa7: {  	s28 =	simm.s32 $_size_execute0_lowered;
	s3 =	sadd.s32 s3, s5;
	[dreg:$0x0] =	wrdreg $0x0  }
0xa8: {  	s5 =	sshll.u32 s28, $0x1;
	[dreg:$0x2] =	wrdreg s3  }
0xa9: {  	[dreg:$0x3] =	wrdreg s5  }
0xaa: {  	[dreg:$0x4] =	wrdreg $0xC0  }
0xab: {  	_ =	task [dreg:s7], $0x5FFFF  }
0xac: {  	[dreg:$0x1] =	wrdreg $0xFFFFFFFF  }
0xad: {  	[dreg:$0x0] =	wrdreg $0x60  }
0xae: {  	[dreg:$0x2] =	wrdreg s24  }
0xaf: {  	[dreg:$0x3] =	wrdreg s2  }
0xb0: {  	[dreg:$0x4] =	wrdreg $0x2AF80  }
0xb1: {  	[dreg:$0x5] =	wrdreg $0x9  }
0xb2: {  	_ =	task.clear_ibuf [dreg:s7], $0x6FFFF;
	_ =	strace $0x90000046  }
0xb3: {  	s29 =	simm.s32 $0x9;
	_ =	strace $0x80000048  }
0xb4: {  	_ =	swait.ge [sflag:s29], $0x1  }
0xb5: {  	[sflag:s29] =	ssyncadd.s32 $0xFFFFFFFF  }
0xb6: {  	_ =	strace $0x90000048  }
0xb7: {  	_ =	sfence  }
0xb8: {  	s30 =	sld [smem:$0x0];
	_ =	sdelay $0x2  }
0xb9: {  	s31 =	sshll.u32 s1, $0xD;
	s1 =	sshrl.u32 s1, $0x2  }
0xba: {  	s3 =	sand.u32 $0x4000, s31;
	s1 =	sadd.s32 s1, s30  }
0xbb: {  	s0 =	sor.u32 s3, s0;
	s1 =	sshll.u32 s1, $0x11  }
0xbc: {  	s0 =	sor.u32 s1, s0  }
0xbd: {  	s0 =	sadd.s32 $0x8F2B, s0  }
0xbe: {  	[sflag:s0] =	ssyncadd.remote.s32 $0x1  }
0xbf: {  	_ =	sfence.sel $0xFFFF  }
0xc0: {  	[dreg:$0x0] =	wrdreg $0xFFFFFFFF;
	(pc) =	sbr.abs _section_cstart, $3  }
0xc1: {  	[dreg:$0x1] =	wrdreg $0xFFFFFFFF  }
0xc2: {  	_ =	task.clear_ibuf [dreg:s7], $0x2FFFF;
	_ =	strace $0x9FFFFFFF  }
0xc3: {  	(tm) =	ssettm $0x7FFFFFFF  }
tec
execute0_lowered:
.L_overlay_start_1:
0x0: {  	(tag) =	ssettag $0x1  }
0x1: {  	s28 =	stileid.u32;
	s0 =	srdreg.scid  }
0x2: {  	s24 =	rddreg [dreg:$0x0];
	s31 =	sand.u32 $0x1, s0;
	s23 =	sshll.u32 s28, $0x1  }
0x3: {  	s2 =	rddreg [dreg:$0x2];
	s3 =	simm.s32 $0x0;
	s0 =	sor.u32 s31, s23  }
0x4: {  	s10 =	simm.s32 $0xBB8;
	s14 =	simm.s32 $0x1388;
	s0 =	smul.u32 $0x2710, s0  }
0x5: {  	s18 =	simm.s32 $0x1B58;
	s20 =	simm.s32 $0x1F40;
	[smem:$0x7FF] =	sst s3  }
0x6: {  	s21 =	sadd.s32 $0x2A00, s24;
	s5 =	sadd.s32 $0x16A00, s24;
	s4 =	sshrl.u32 s0, $0x3  }
0x7: {  	_ =	strace $0x80000047;
	s6 =	sadd.s32 $0x4E5E8, s0;
	s19 =	sadd.s32 s21, s4  }
0x8: {  	[dreg:$0x4] =	wrdreg s5;
	s25 =	sshrl.u32 s6, $0x3;
	s4 =	sadd.s32 $0x9C40, s19  }
0x9: {  	[tilespmem:s3], [sflag:$0x1] =	stream.linear.gather [hbm4b:s4+s3], $0x3E8, $0x38;
	[tilespmem:$0x2D78] =	vst v63  }
0xa: {  	s8 =	sadd.s32 $0x4EDB8, s0;
	s6 =	simm.s32 $0x3E8;
	s5 =	sadd.s32 s21, s25  }
0xb: {  	[tilespmem:s6], [sflag:$0x1] =	stream.linear.gather [hbm4b:s5+s3], $0x3E8, $0x38;
	[tilespmem:$0x2D78] =	vst v63  }
0xc: {  	s9 =	sshrl.u32 s8, $0x3;
	s8 =	simm.s32 $0x7D0;
	s7 =	sadd.s32 $0x9D3A, s19  }
0xd: {  	[tilespmem:s8], [sflag:$0x1] =	stream.linear.gather [hbm4b:s7+s3], $0x3E8, $0x38;
	[tilespmem:$0x2D78] =	vst v63  }
0xe: {  	s22 =	simm.s32 $0x2328;
	s12 =	sadd.s32 $0x4F588, s0;
	s9 =	sadd.s32 s21, s9  }
0xf: {  	[tilespmem:s10], [sflag:$0x1] =	stream.linear.gather [hbm4b:s9+s3], $0x3E8, $0x38;
	[tilespmem:$0x2D78] =	vst v63  }
0x10: {  	s13 =	sshrl.u32 s12, $0x3;
	s12 =	simm.s32 $0xFA0;
	s11 =	sadd.s32 $0x9E34, s19  }
0x11: {  	[tilespmem:s12], [sflag:$0x1] =	stream.linear.gather [hbm4b:s11+s3], $0x3E8, $0x38;
	[tilespmem:$0x2D78] =	vst v63  }
0x12: {  	s1 =	smul.u32 $0x280, s28;
	s16 =	sadd.s32 $0x4FD58, s0;
	s13 =	sadd.s32 s21, s13  }
0x13: {  	[tilespmem:s14], [sflag:$0x1] =	stream.linear.gather [hbm4b:s13+s3], $0x3E8, $0x38;
	[tilespmem:$0x2D78] =	vst v63  }
0x14: {  	s17 =	sshrl.u32 s16, $0x3;
	s16 =	simm.s32 $0x1770;
	s15 =	sadd.s32 $0x9F2E, s19  }
0x15: {  	[tilespmem:s16], [sflag:$0x1] =	stream.linear.gather [hbm4b:s15+s3], $0x3E8, $0x38;
	[tilespmem:$0x2D78] =	vst v63  }
0x16: {  	s23 =	simm.s32 $0x2710;
	s0 =	sadd.s32 $0x50528, s0;
	s17 =	sadd.s32 s21, s17  }
0x17: {  	[tilespmem:s18], [sflag:$0x1] =	stream.linear.gather [hbm4b:s17+s3], $0x3E8, $0x38;
	[tilespmem:$0x2D78] =	vst v63  }
0x18: {  	s26 =	sshrl.u32 s1, $0x3;
	s0 =	sshrl.u32 s0, $0x3;
	s19 =	sadd.s32 $0xA028, s19  }
0x19: {  	[tilespmem:s20], [sflag:$0x1] =	stream.linear.gather [hbm4b:s19+s3], $0x3E8, $0x38;
	[tilespmem:$0x2D78] =	vst v63  }
0x1a: {  	s24 =	sadd.s32 s26, s24;
	s26 =	sadd.s32 s1, s2;
	s21 =	sadd.s32 s21, s0  }
0x1b: {  	[tilespmem:s22], [sflag:$0x1] =	stream.linear.gather [hbm4b:s21+s3], $0x3E8, $0x38;
	[tilespmem:$0x2D78] =	vst v63  }
0x1c: {  	s24 =	sadd.s32 $0x16400, s24;
	s25 =	rddreg [dreg:$0x4];
	s0 =	sshll.u32 s28, $0x6  }
0x1d: {  	[tilespmem:s23], [sflag:$0x1] =	stream.linear.gather [hbm4b:s25+s3], $0x3E8, $0x38;
	[tilespmem:$0x2D78] =	vst v63  }
0x1e: {  	s26 =	sshrl.u32 s26, $0x3;
	s28 =	simm.s32 $0x3;
	s25 =	sor.u32 $0x1C03, s0  }
0x1f: {  	[spmem:s26], [sflag:s25] =	dma.local [hbm:s24], $0x50  }
0x20: {  	_ =	swait.ge [sflag:s28], $0x50  }
0x21: {  	[sflag:s28] =	ssyncset.done $0x0  }
0x22: {  	s29 =	simm.s32 $0x1;
	[sflag:s28] =	ssyncadd.s32 $0xFFFFFFB0  }
0x23: {  	_ =	swait.ge [sflag:s29], $0x3E8  }
0x24: {  	[sflag:s29] =	ssyncset.done $0x0  }
0x25: {  	[sflag:s29] =	ssyncadd.s32 $0xFFFFFC18  }
0x26: {  	_ =	swait.ge [sflag:s29], $0x3E8  }
0x27: {  	[sflag:s29] =	ssyncset.done $0x0  }
0x28: {  	[sflag:s29] =	ssyncadd.s32 $0xFFFFFC18  }
0x29: {  	_ =	swait.ge [sflag:s29], $0x3E8  }
0x2a: {  	[sflag:s29] =	ssyncset.done $0x0  }
0x2b: {  	[sflag:s29] =	ssyncadd.s32 $0xFFFFFC18  }
0x2c: {  	_ =	swait.ge [sflag:s29], $0x3E8  }
0x2d: {  	[sflag:s29] =	ssyncset.done $0x0  }
0x2e: {  	[sflag:s29] =	ssyncadd.s32 $0xFFFFFC18  }
0x2f: {  	_ =	swait.ge [sflag:s29], $0x3E8  }
0x30: {  	[sflag:s29] =	ssyncset.done $0x0  }
0x31: {  	[sflag:s29] =	ssyncadd.s32 $0xFFFFFC18  }
0x32: {  	_ =	swait.ge [sflag:s29], $0x3E8  }
0x33: {  	[sflag:s29] =	ssyncset.done $0x0  }
0x34: {  	[sflag:s29] =	ssyncadd.s32 $0xFFFFFC18  }
0x35: {  	_ =	swait.ge [sflag:s29], $0x3E8  }
0x36: {  	[sflag:s29] =	ssyncset.done $0x0  }
0x37: {  	[sflag:s29] =	ssyncadd.s32 $0xFFFFFC18  }
0x38: {  	_ =	swait.ge [sflag:s29], $0x3E8  }
0x39: {  	[sflag:s29] =	ssyncset.done $0x0  }
0x3a: {  	[sflag:s29] =	ssyncadd.s32 $0xFFFFFC18  }
0x3b: {  	_ =	swait.ge [sflag:s29], $0x3E8  }
0x3c: {  	[sflag:s29] =	ssyncset.done $0x0  }
0x3d: {  	[sflag:s29] =	ssyncadd.s32 $0xFFFFFC18  }
0x3e: {  	_ =	swait.ge [sflag:s29], $0x3E8  }
0x3f: {  	[sflag:s29] =	ssyncset.done $0x0  }
0x40: {  	[sflag:s29] =	ssyncadd.s32 $0xFFFFFC18  }
0x41: {  	_ =	swait.ge [sflag:s29], $0x3E8  }
0x42: {  	[sflag:s29] =	ssyncset.done $0x0  }
0x43: {  	[sflag:s29] =	ssyncadd.s32 $0xFFFFFC18  }
0x44: {  	[bflag:$0x0] =	sbarrier.arrive $0xFFFF  }
0x45: {  	[spmem:s2] =	stream.indirect.scatter.add.f32 [tilespmem:s23], [sflag:$0x2], $0x1, s3, s6, $0xb8;
	[tilespmem:$0x2D78] =	vst v63  }
0x46: {  	_ = 	snop  }
0x47: {  	[spmem:s2] =	stream.indirect.scatter.add.f32 [tilespmem:s23], [sflag:$0x2], $0x1, s6, s6, $0xb8;
	[tilespmem:$0x2D78] =	vst v63  }
0x48: {  	_ = 	snop  }
0x49: {  	[spmem:s2] =	stream.indirect.scatter.add.f32 [tilespmem:s23], [sflag:$0x2], $0x1, s8, s6, $0xb8;
	[tilespmem:$0x2D78] =	vst v63  }
0x4a: {  	_ = 	snop  }
0x4b: {  	[spmem:s2] =	stream.indirect.scatter.add.f32 [tilespmem:s23], [sflag:$0x2], $0x1, s10, s6, $0xb8;
	[tilespmem:$0x2D78] =	vst v63  }
0x4c: {  	_ = 	snop  }
0x4d: {  	[spmem:s2] =	stream.indirect.scatter.add.f32 [tilespmem:s23], [sflag:$0x2], $0x1, s12, s6, $0xb8;
	[tilespmem:$0x2D78] =	vst v63  }
0x4e: {  	_ = 	snop  }
0x4f: {  	[spmem:s2] =	stream.indirect.scatter.add.f32 [tilespmem:s23], [sflag:$0x2], $0x1, s14, s6, $0xb8;
	[tilespmem:$0x2D78] =	vst v63  }
0x50: {  	_ = 	snop  }
0x51: {  	[spmem:s2] =	stream.indirect.scatter.add.f32 [tilespmem:s23], [sflag:$0x2], $0x1, s16, s6, $0xb8;
	[tilespmem:$0x2D78] =	vst v63  }
0x52: {  	_ = 	snop  }
0x53: {  	[spmem:s2] =	stream.indirect.scatter.add.f32 [tilespmem:s23], [sflag:$0x2], $0x1, s18, s6, $0xb8;
	[tilespmem:$0x2D78] =	vst v63  }
0x54: {  	_ = 	snop  }
0x55: {  	[spmem:s2] =	stream.indirect.scatter.add.f32 [tilespmem:s23], [sflag:$0x2], $0x1, s20, s6, $0xb8;
	[tilespmem:$0x2D78] =	vst v63  }
0x56: {  	s30 =	simm.s32 $0x2  }
0x57: {  	[spmem:s2] =	stream.indirect.scatter.add.f32 [tilespmem:s23], [sflag:$0x2], $0x1, s22, s6, $0xb8;
	[tilespmem:$0x2D78] =	vst v63  }
0x58: {  	_ =	swait.ge [sflag:s30], $0x3E8  }
0x59: {  	[sflag:s30] =	ssyncset.done $0x0  }
0x5a: {  	[sflag:s30] =	ssyncadd.s32 $0xFFFFFC18  }
0x5b: {  	_ =	swait.ge [sflag:s30], $0x3E8  }
0x5c: {  	[sflag:s30] =	ssyncset.done $0x0  }
0x5d: {  	[sflag:s30] =	ssyncadd.s32 $0xFFFFFC18  }
0x5e: {  	_ =	swait.ge [sflag:s30], $0x3E8  }
0x5f: {  	[sflag:s30] =	ssyncset.done $0x0  }
0x60: {  	[sflag:s30] =	ssyncadd.s32 $0xFFFFFC18  }
0x61: {  	_ =	swait.ge [sflag:s30], $0x3E8  }
0x62: {  	[sflag:s30] =	ssyncset.done $0x0  }
0x63: {  	[sflag:s30] =	ssyncadd.s32 $0xFFFFFC18  }
0x64: {  	_ =	swait.ge [sflag:s30], $0x3E8  }
0x65: {  	[sflag:s30] =	ssyncset.done $0x0  }
0x66: {  	[sflag:s30] =	ssyncadd.s32 $0xFFFFFC18  }
0x67: {  	_ =	swait.ge [sflag:s30], $0x3E8  }
0x68: {  	[sflag:s30] =	ssyncset.done $0x0  }
0x69: {  	[sflag:s30] =	ssyncadd.s32 $0xFFFFFC18  }
0x6a: {  	_ =	swait.ge [sflag:s30], $0x3E8  }
0x6b: {  	[sflag:s30] =	ssyncset.done $0x0  }
0x6c: {  	[sflag:s30] =	ssyncadd.s32 $0xFFFFFC18  }
0x6d: {  	_ =	swait.ge [sflag:s30], $0x3E8  }
0x6e: {  	[sflag:s30] =	ssyncset.done $0x0  }
0x6f: {  	[sflag:s30] =	ssyncadd.s32 $0xFFFFFC18  }
0x70: {  	s0 =	smul.u32 $0x2800, s31;
	_ =	swait.ge [sflag:s30], $0x3E8  }
0x71: {  	s31 =	ssub.s32 $0x2, s31;
	[sflag:s30] =	ssyncset.done $0x0  }
0x72: {  	s0 =	sadd.s32 s1, s0;
	s1 =	sshrl.u32 s31, $0x1;
	[sflag:s30] =	ssyncadd.s32 $0xFFFFFC18  }
0x73: {  	s1 =	ssub.s32 s31, s1;
	_ =	swait.ge [sflag:s30], $0x3E8  }
0x74: {  	s1 =	smax.u32 s1, $0x1;
	[sflag:s30] =	ssyncset.done $0x0  }
0x75: {  	p0 =	sne.s32 s1, $0x1;
	[sflag:s30] =	ssyncadd.s32 $0xFFFFFC18  }
.Ltmp0:
0x76: {  	s0 =	sshrl.u32 s0, $0x3;
	s31 =	rddreg [dreg:$0x1];
	(pc) =	sbr.rel @!p0 .LBB2_2-.Ltmp0, $4  }
0x77: {  	[bflag:$0x0] =	sbarrier.arrive $0xFFFF;
	s31 =	sadd.s32 s31, s0  }
0x78: {  	[hbm:s31], [sflag:s25] =	dma.local [spmem:s26], $0x50  }
0x79: {  	_ =	swait.ge [sflag:s28], $0x50  }
0x7a: {  	s1 =	sadd.s32 $0xFFFFFFFF, s1;
	[sflag:s28] =	ssyncset.done $0x0  }
.LBB2_1:
0x7b: {  	[sflag:s28] =	ssyncadd.s32 $0xFFFFFFB0  }
0x7c: {  	[tilespmem:s3], [sflag:$0x1] =	stream.linear.gather [hbm4b:s4+s3], $0x3E8, $0x38;
	[tilespmem:$0x2D78] =	vst v63  }
0x7d: {  	_ = 	snop  }
0x7e: {  	[tilespmem:s6], [sflag:$0x1] =	stream.linear.gather [hbm4b:s5+s3], $0x3E8, $0x38;
	[tilespmem:$0x2D78] =	vst v63  }
0x7f: {  	_ = 	snop  }
0x80: {  	[tilespmem:s8], [sflag:$0x1] =	stream.linear.gather [hbm4b:s7+s3], $0x3E8, $0x38;
	[tilespmem:$0x2D78] =	vst v63  }
0x81: {  	_ = 	snop  }
0x82: {  	[tilespmem:s10], [sflag:$0x1] =	stream.linear.gather [hbm4b:s9+s3], $0x3E8, $0x38;
	[tilespmem:$0x2D78] =	vst v63  }
0x83: {  	_ = 	snop  }
0x84: {  	[tilespmem:s12], [sflag:$0x1] =	stream.linear.gather [hbm4b:s11+s3], $0x3E8, $0x38;
	[tilespmem:$0x2D78] =	vst v63  }
0x85: {  	_ = 	snop  }
0x86: {  	[tilespmem:s14], [sflag:$0x1] =	stream.linear.gather [hbm4b:s13+s3], $0x3E8, $0x38;
	[tilespmem:$0x2D78] =	vst v63  }
0x87: {  	_ = 	snop  }
0x88: {  	[tilespmem:s16], [sflag:$0x1] =	stream.linear.gather [hbm4b:s15+s3], $0x3E8, $0x38;
	[tilespmem:$0x2D78] =	vst v63  }
0x89: {  	_ = 	snop  }
0x8a: {  	[tilespmem:s18], [sflag:$0x1] =	stream.linear.gather [hbm4b:s17+s3], $0x3E8, $0x38;
	[tilespmem:$0x2D78] =	vst v63  }
0x8b: {  	_ = 	snop  }
0x8c: {  	[tilespmem:s20], [sflag:$0x1] =	stream.linear.gather [hbm4b:s19+s3], $0x3E8, $0x38;
	[tilespmem:$0x2D78] =	vst v63  }
0x8d: {  	_ = 	snop  }
0x8e: {  	[tilespmem:s22], [sflag:$0x1] =	stream.linear.gather [hbm4b:s21+s3], $0x3E8, $0x38;
	[tilespmem:$0x2D78] =	vst v63  }
0x8f: {  	s0 =	rddreg [dreg:$0x4]  }
0x90: {  	[tilespmem:s23], [sflag:$0x1] =	stream.linear.gather [hbm4b:s0+s3], $0x3E8, $0x38;
	[tilespmem:$0x2D78] =	vst v63  }
0x91: {  	[spmem:s26], [sflag:s25] =	dma.local [hbm:s24], $0x50  }
0x92: {  	_ =	swait.ge [sflag:s28], $0x50  }
0x93: {  	[sflag:s28] =	ssyncset.done $0x0  }
0x94: {  	[sflag:s28] =	ssyncadd.s32 $0xFFFFFFB0  }
0x95: {  	_ =	swait.ge [sflag:s29], $0x3E8  }
0x96: {  	[sflag:s29] =	ssyncset.done $0x0  }
0x97: {  	[sflag:s29] =	ssyncadd.s32 $0xFFFFFC18  }
0x98: {  	_ =	swait.ge [sflag:s29], $0x3E8  }
0x99: {  	[sflag:s29] =	ssyncset.done $0x0  }
0x9a: {  	[sflag:s29] =	ssyncadd.s32 $0xFFFFFC18  }
0x9b: {  	_ =	swait.ge [sflag:s29], $0x3E8  }
0x9c: {  	[sflag:s29] =	ssyncset.done $0x0  }
0x9d: {  	[sflag:s29] =	ssyncadd.s32 $0xFFFFFC18  }
0x9e: {  	_ =	swait.ge [sflag:s29], $0x3E8  }
0x9f: {  	[sflag:s29] =	ssyncset.done $0x0  }
0xa0: {  	[sflag:s29] =	ssyncadd.s32 $0xFFFFFC18  }
0xa1: {  	_ =	swait.ge [sflag:s29], $0x3E8  }
0xa2: {  	[sflag:s29] =	ssyncset.done $0x0  }
0xa3: {  	[sflag:s29] =	ssyncadd.s32 $0xFFFFFC18  }
0xa4: {  	_ =	swait.ge [sflag:s29], $0x3E8  }
0xa5: {  	[sflag:s29] =	ssyncset.done $0x0  }
0xa6: {  	[sflag:s29] =	ssyncadd.s32 $0xFFFFFC18  }
0xa7: {  	_ =	swait.ge [sflag:s29], $0x3E8  }
0xa8: {  	[sflag:s29] =	ssyncset.done $0x0  }
0xa9: {  	[sflag:s29] =	ssyncadd.s32 $0xFFFFFC18  }
0xaa: {  	_ =	swait.ge [sflag:s29], $0x3E8  }
0xab: {  	[sflag:s29] =	ssyncset.done $0x0  }
0xac: {  	[sflag:s29] =	ssyncadd.s32 $0xFFFFFC18  }
0xad: {  	_ =	swait.ge [sflag:s29], $0x3E8  }
0xae: {  	[sflag:s29] =	ssyncset.done $0x0  }
0xaf: {  	[sflag:s29] =	ssyncadd.s32 $0xFFFFFC18  }
0xb0: {  	_ =	swait.ge [sflag:s29], $0x3E8  }
0xb1: {  	[sflag:s29] =	ssyncset.done $0x0  }
0xb2: {  	[sflag:s29] =	ssyncadd.s32 $0xFFFFFC18  }
0xb3: {  	_ =	swait.ge [sflag:s29], $0x3E8  }
0xb4: {  	[sflag:s29] =	ssyncset.done $0x0  }
0xb5: {  	[sflag:s29] =	ssyncadd.s32 $0xFFFFFC18  }
0xb6: {  	[bflag:$0x0] =	sbarrier.arrive $0xFFFF  }
0xb7: {  	[spmem:s2] =	stream.indirect.scatter.add.f32 [tilespmem:s23], [sflag:$0x2], $0x1, s3, s6, $0xb8;
	[tilespmem:$0x2D78] =	vst v63  }
0xb8: {  	_ = 	snop  }
0xb9: {  	[spmem:s2] =	stream.indirect.scatter.add.f32 [tilespmem:s23], [sflag:$0x2], $0x1, s6, s6, $0xb8;
	[tilespmem:$0x2D78] =	vst v63  }
0xba: {  	_ = 	snop  }
0xbb: {  	[spmem:s2] =	stream.indirect.scatter.add.f32 [tilespmem:s23], [sflag:$0x2], $0x1, s8, s6, $0xb8;
	[tilespmem:$0x2D78] =	vst v63  }
0xbc: {  	_ = 	snop  }
0xbd: {  	[spmem:s2] =	stream.indirect.scatter.add.f32 [tilespmem:s23], [sflag:$0x2], $0x1, s10, s6, $0xb8;
	[tilespmem:$0x2D78] =	vst v63  }
0xbe: {  	_ = 	snop  }
0xbf: {  	[spmem:s2] =	stream.indirect.scatter.add.f32 [tilespmem:s23], [sflag:$0x2], $0x1, s12, s6, $0xb8;
	[tilespmem:$0x2D78] =	vst v63  }
0xc0: {  	_ = 	snop  }
0xc1: {  	[spmem:s2] =	stream.indirect.scatter.add.f32 [tilespmem:s23], [sflag:$0x2], $0x1, s14, s6, $0xb8;
	[tilespmem:$0x2D78] =	vst v63  }
0xc2: {  	_ = 	snop  }
0xc3: {  	[spmem:s2] =	stream.indirect.scatter.add.f32 [tilespmem:s23], [sflag:$0x2], $0x1, s16, s6, $0xb8;
	[tilespmem:$0x2D78] =	vst v63  }
0xc4: {  	_ = 	snop  }
0xc5: {  	[spmem:s2] =	stream.indirect.scatter.add.f32 [tilespmem:s23], [sflag:$0x2], $0x1, s18, s6, $0xb8;
	[tilespmem:$0x2D78] =	vst v63  }
0xc6: {  	_ = 	snop  }
0xc7: {  	[spmem:s2] =	stream.indirect.scatter.add.f32 [tilespmem:s23], [sflag:$0x2], $0x1, s20, s6, $0xb8;
	[tilespmem:$0x2D78] =	vst v63  }
0xc8: {  	_ = 	snop  }
0xc9: {  	[spmem:s2] =	stream.indirect.scatter.add.f32 [tilespmem:s23], [sflag:$0x2], $0x1, s22, s6, $0xb8;
	[tilespmem:$0x2D78] =	vst v63  }
0xca: {  	_ =	swait.ge [sflag:s30], $0x3E8  }
0xcb: {  	[sflag:s30] =	ssyncset.done $0x0  }
0xcc: {  	[sflag:s30] =	ssyncadd.s32 $0xFFFFFC18  }
0xcd: {  	_ =	swait.ge [sflag:s30], $0x3E8  }
0xce: {  	[sflag:s30] =	ssyncset.done $0x0  }
0xcf: {  	[sflag:s30] =	ssyncadd.s32 $0xFFFFFC18  }
0xd0: {  	_ =	swait.ge [sflag:s30], $0x3E8  }
0xd1: {  	[sflag:s30] =	ssyncset.done $0x0  }
0xd2: {  	[sflag:s30] =	ssyncadd.s32 $0xFFFFFC18  }
0xd3: {  	_ =	swait.ge [sflag:s30], $0x3E8  }
0xd4: {  	[sflag:s30] =	ssyncset.done $0x0  }
0xd5: {  	[sflag:s30] =	ssyncadd.s32 $0xFFFFFC18  }
0xd6: {  	_ =	swait.ge [sflag:s30], $0x3E8  }
0xd7: {  	[sflag:s30] =	ssyncset.done $0x0  }
0xd8: {  	[sflag:s30] =	ssyncadd.s32 $0xFFFFFC18  }
0xd9: {  	_ =	swait.ge [sflag:s30], $0x3E8  }
0xda: {  	[sflag:s30] =	ssyncset.done $0x0  }
0xdb: {  	[sflag:s30] =	ssyncadd.s32 $0xFFFFFC18  }
0xdc: {  	_ =	swait.ge [sflag:s30], $0x3E8  }
0xdd: {  	[sflag:s30] =	ssyncset.done $0x0  }
0xde: {  	[sflag:s30] =	ssyncadd.s32 $0xFFFFFC18  }
0xdf: {  	_ =	swait.ge [sflag:s30], $0x3E8  }
0xe0: {  	[sflag:s30] =	ssyncset.done $0x0  }
0xe1: {  	[sflag:s30] =	ssyncadd.s32 $0xFFFFFC18  }
0xe2: {  	_ =	swait.ge [sflag:s30], $0x3E8  }
0xe3: {  	[sflag:s30] =	ssyncset.done $0x0  }
0xe4: {  	[sflag:s30] =	ssyncadd.s32 $0xFFFFFC18  }
0xe5: {  	_ =	swait.ge [sflag:s30], $0x3E8  }
0xe6: {  	p0 =	sne.s32 s1, $0x1;
	[sflag:s30] =	ssyncset.done $0x0  }
.Ltmp1:
0xe7: {  	[sflag:s30] =	ssyncadd.s32 $0xFFFFFC18;
	(pc) =	sbr.rel @p0 .LBB2_1-.Ltmp1, $4  }
0xe8: {  	[bflag:$0x0] =	sbarrier.arrive $0xFFFF  }
0xe9: {  	[hbm:s31], [sflag:s25] =	dma.local [spmem:s26], $0x50  }
0xea: {  	_ =	swait.ge [sflag:s28], $0x50  }
0xeb: {  	s1 =	sadd.s32 $0xFFFFFFFF, s1;
	[sflag:s28] =	ssyncset.done $0x0  }
.LBB2_2:
0xec: {  	[sflag:s28] =	ssyncadd.s32 $0xFFFFFFB0  }
0xed: {  	_ =	sfence.sel $0x180000  }
0xee: {  	[bflag:$0x0] =	sbarrier.arrive $0xFFFF  }
0xef: {  	_ =	strace $0x90000047  }
0xf0: {  	s0 =	stileid.u32;
	[bflag:$0x2] =	sbarrier.arrive $0xFFFF  }
0xf1: {  	p0 =	sne.s32 s0, $0x0;
	s0 =	rddreg [dreg:$0x3]  }
0xf2: {  	s0 =	sadd.s32 @!p0 $0x100000, s0  }
0xf3: {  	[sflag:s0] =	ssyncadd.tile.s32 @!p0 $0x1;
	_ =	shalt  }
.Lfunc_end2:
_tile_overlayer_lowered:
.L_overlay_start_2:
0xf4: {  	(tag) =	ssettag $0x2  }
0xf5: {  	s0 =	rddreg [dreg:$0x0];
	s2 =	stileid.u32  }
0xf6: {  	s1 =	rddreg [dreg:$0x1];
	p0 =	sne.s32 s2, $0x0  }
0xf7: {  	s3 =	rddreg [dreg:$0x2];
	[bflag:$0x3] =	sbarrier.arrive $0xFFFF;
	s2 =	simm.s32 @!p0 $0x1C03  }
0xf8: {  	[timem:s3], [sflag:s2] =	dma.local @!p0 [hbm:s0], s1  }
0xf9: {  	s0 =	simm.s32 @!p0 $0x3  }
0xfa: {  	_ =	swait.ge @!p0 [sflag:s0], s1  }
0xfb: {  	s1 =	ssub.s32 @!p0 $0x0, s1;
	[sflag:s0] =	ssyncset.done @!p0 $0x0  }
0xfc: {  	[sflag:s0] =	ssyncadd.s32 @!p0 s1  }
0xfd: {  	[bflag:$0x3] =	sbarrier.arrive $0xFFFF  }
0xfe: {  	_ =	shalt  }

</sc_bundles>
